<compile_context>
chip_gen: v7x
topology: tpu7x:2x2x1
jax: 0.10.2.dev20260603
libtpu: 0.0.44.dev20260713+nightly
codegen_flags: <defaults>
</compile_context>

<pallas_src>
import jax
import jax.numpy as jnp
from jax import lax
from jax.experimental import pallas as pl
from jax.experimental.pallas import tpu as pltpu
from jax.experimental.pallas import tpu_sc as plsc

B = 4096
T = 200
D = 32
VOCAB = 1000000
POS_SIZE = 200
NUM_SAMPLED = 5

NC = 2
NS = 16
NW = NC * NS
BT = B * T
SPAN = BT // NW
BW = B // NW


def _sc_gather_body(item_table, items_flat, pos_flat, keys_flat, tgt_flat,
                    pos_tab_flat, wp_in, samp_in,
                    rows_out, ps_out, ids_out, truew_out, tgtw_out, res_out,
                    sampw_out,
                    idxvm, posvm, psbuf, idsbuf, ptvm, pwvm, wpvm,
                    tidx, rowbuf, tidxb, rowbufb, rowbufT, klvm, tivm, resvm,
                    twbuf, sampvm, swbuf, gsem, wsem, gsemb):
    wid = lax.axis_index("s") * NC + lax.axis_index("c")
    base = wid * SPAN
    bb = wid * BW

    pltpu.sync_copy(items_flat.at[pl.ds(base, SPAN)], idxvm)
    pltpu.sync_copy(pos_flat.at[pl.ds(base, SPAN)], posvm)
    pltpu.sync_copy(pos_tab_flat, ptvm.at[pl.ds(0, POS_SIZE * D)])
    pltpu.sync_copy(wp_in, wpvm)

    wv = (wpvm[pl.ds(0, 16)], wpvm[pl.ds(16, 16)])

    def _pw_chunk(c, _):
        pvec = lax.iota(jnp.int32, 16) + c * 16
        acc = jnp.zeros((16,), jnp.float32)
        for ch in range(D):
            col = plsc.load_gather(ptvm, [pvec * D + ch])
            acc = acc + col * wv[ch // 16][ch % 16]
        pwvm[pl.ds(c * 16, 16)] = acc
        return 0
    lax.fori_loop(0, 13, _pw_chunk, 0, unroll=False)

    lanes16 = lax.iota(jnp.int32, 16)

    def _transpose128(src, dst):
        def _diag(d, _):
            cvec = lax.bitwise_and(lanes16 + d, D - 1)
            for k in range(BW // 16):
                rvec = lanes16 + k * 16
                v = plsc.load_gather(src, [rvec, cvec])
                plsc.store_scatter(dst, [cvec, rvec], v)
            return 0
        lax.fori_loop(0, D, _diag, 0, unroll=False)

    def _start(ti, rb, sem, t):
        for k in range(BW // 16):
            loc = (lanes16 + k * 16) * T + t
            ti[pl.ds(k * 16, 16)] = plsc.load_gather(idxvm, [loc])
        pltpu.async_copy(item_table.at[ti], rb, sem)

    def _psids(ti, t):
        for k in range(BW // 16):
            loc = (lanes16 + k * 16) * T + t
            idsbuf[t, pl.ds(k * 16, 16)] = ti[pl.ds(k * 16, 16)]
            pv = plsc.load_gather(posvm, [loc])
            psbuf[t, pl.ds(k * 16, 16)] = plsc.load_gather(pwvm, [pv])

    def _finish(ti, rb, sem, t):
        pltpu.make_async_copy(item_table.at[ti], rb, sem).wait()
        _transpose128(rb, rowbufT)
        pltpu.sync_copy(rowbufT, rows_out.at[wid, t])

    _start(tidx, rowbuf, gsem, 0)

    def _pair(i, _):
        ta = 2 * i
        _start(tidxb, rowbufb, gsemb, ta + 1)
        _psids(tidx, ta)
        _finish(tidx, rowbuf, gsem, ta)

        @pl.when(i < T // 2 - 1)
        def _():
            _start(tidx, rowbuf, gsem, ta + 2)
        _psids(tidxb, ta + 1)
        _finish(tidxb, rowbufb, gsemb, ta + 1)
        return 0
    lax.fori_loop(0, T // 2, _pair, 0, unroll=False)
    pltpu.sync_copy(psbuf, ps_out.at[wid])
    pltpu.sync_copy(idsbuf, ids_out.at[wid])

    pltpu.sync_copy(keys_flat.at[pl.ds(bb, BW)], klvm)
    pltpu.sync_copy(tgt_flat.at[pl.ds(bb, BW)], tivm)
    for k in range(BW // 16):
        lane = lax.iota(jnp.int32, 16) + k * 16
        lenv = klvm[pl.ds(k * 16, 16)]
        off = lane * T + lenv - 1
        resvm[pl.ds(k * 16, 16)] = plsc.load_gather(idxvm, [off])
    pltpu.sync_copy(resvm, res_out.at[wid, 0])
    pltpu.async_copy(item_table.at[resvm], twbuf, wsem).wait()
    _transpose128(twbuf, rowbufT)
    pltpu.sync_copy(rowbufT, truew_out.at[wid])
    pltpu.async_copy(item_table.at[tivm], twbuf, wsem).wait()
    _transpose128(twbuf, rowbufT)
    pltpu.sync_copy(rowbufT, tgtw_out.at[wid])

    @pl.when(wid == 0)
    def _():
        pltpu.sync_copy(samp_in, sampvm)
        pltpu.async_copy(item_table.at[sampvm], swbuf, wsem).wait()
        pltpu.sync_copy(swbuf, sampw_out.at[:, pl.ds(0, D)])


def _sc_gather(item_table, items_id, position_id, keys_length, target_id,
               pos_table, wp, samp8):
    mesh = plsc.VectorSubcoreMesh(core_axis_name="c", subcore_axis_name="s",
                                  num_cores=NC, num_subcores=NS)
    out_type = (
        jax.ShapeDtypeStruct((NW, T, D, 128), jnp.float32),
        jax.ShapeDtypeStruct((NW, T, 128), jnp.float32),
        jax.ShapeDtypeStruct((NW, T, 128), jnp.int32),
        jax.ShapeDtypeStruct((NW, D, 128), jnp.float32),
        jax.ShapeDtypeStruct((NW, D, 128), jnp.float32),
        jax.ShapeDtypeStruct((NW, 1, 128), jnp.int32),
        jax.ShapeDtypeStruct((8, 128), jnp.float32),
    )
    scratch = [
        pltpu.VMEM((SPAN,), jnp.int32),
        pltpu.VMEM((SPAN,), jnp.int32),
        pltpu.VMEM((T, BW), jnp.float32),
        pltpu.VMEM((T, BW), jnp.int32),
        pltpu.VMEM((POS_SIZE * D + 256,), jnp.float32),
        pltpu.VMEM((208,), jnp.float32),
        pltpu.VMEM((D,), jnp.float32),
        pltpu.VMEM((BW,), jnp.int32),
        pltpu.VMEM((BW, D), jnp.float32),
        pltpu.VMEM((BW,), jnp.int32),
        pltpu.VMEM((BW, D), jnp.float32),
        pltpu.VMEM((D, BW), jnp.float32),
        pltpu.VMEM((BW,), jnp.int32),
        pltpu.VMEM((BW,), jnp.int32),
        pltpu.VMEM((BW,), jnp.int32),
        pltpu.VMEM((BW, D), jnp.float32),
        pltpu.VMEM((8,), jnp.int32),
        pltpu.VMEM((8, D), jnp.float32),
        pltpu.SemaphoreType.DMA,
        pltpu.SemaphoreType.DMA,
        pltpu.SemaphoreType.DMA,
    ]
    fn = pl.kernel(_sc_gather_body, out_type=out_type, mesh=mesh,
                   scratch_types=scratch,
                   compiler_params=pltpu.CompilerParams(
                       needs_layout_passes=False,
                       use_tc_tiling_on_sc=False))
    return fn(item_table, items_id, position_id, keys_length, target_id,
              pos_table.reshape(POS_SIZE * D), wp, samp8)


def _tc_body(rows_ref, ps_ref, ids_ref, keys_ref, truew_ref, tgtw_ref,
             res_ref, sampw_ref, sampid_ref, wdT_ref, alphaT_ref, attb_ref,
             out_ref, loss_ref):
    i = pl.program_id(0)

    rows = rows_ref[...][0]
    s = jnp.sum(rows * wdT_ref[...][None], axis=1)
    s = s + ps_ref[...][0] + attb_ref[0, 0]
    sc = jnp.tanh(s)

    tt = lax.broadcasted_iota(jnp.int32, s.shape, 0)
    valid = tt < keys_ref[...][0]
    e = jnp.where(valid, jnp.exp(sc), 0.0)
    z = jnp.sum(e, axis=0, keepdims=True)

    pad = (ids_ref[...][0] != 0) & valid & (tt < T - 1)
    e2 = jnp.where(pad, e, 0.0)

    A = jnp.sum(e[:, None, :] * rows, axis=0)
    A2 = jnp.sum(e2[:, None, :] * rows, axis=0)

    pool = A / z
    pool = jnp.maximum(pool, 0.0) + alphaT_ref[...] * jnp.minimum(pool, 0.0)
    out_ref[...] = jnp.sum(pool * tgtw_ref[...][0], axis=0,
                           keepdims=True)[None]

    ut1 = A2 / z

    logv = jnp.log(float(VOCAB) + 1.0)

    def logq(f):
        return jnp.log((jnp.log(f + 2.0) - jnp.log(f + 1.0)) / logv)

    rf = res_ref[...][0].astype(jnp.float32)
    tl = jnp.sum(ut1 * truew_ref[...][0], axis=0, keepdims=True) - logq(rf)

    sq = logq(sampid_ref[...].astype(jnp.float32))
    m = tl
    sls = []
    for k in range(NUM_SAMPLED):
        swk = sampw_ref[k:k + 1, 0:D]
        slk = lax.dot_general(swk, ut1, (((1,), (0,)), ((), ())),
                              preferred_element_type=jnp.float32)
        slk = slk - sq[0:1, k:k + 1]
        sls.append(slk)
        m = jnp.maximum(m, slk)
    ssum = jnp.exp(tl - m)
    for slk in sls:
        ssum = ssum + jnp.exp(slk - m)
    lse = m + jnp.log(ssum)
    part = jnp.sum(lse - tl, axis=1, keepdims=True) * (1.0 / B)

    @pl.when(i == 0)
    def _():
        loss_ref[...] = jnp.zeros((1, 1), jnp.float32)
    loss_ref[...] += part


def _tc_compute(rows, ps, ids, keys3, truew, tgtw, res3,
                sampw, sampid, wdT, alphaT, attb):
    grid = (NW,)
    bspec = pl.BlockSpec
    out, loss = pl.pallas_call(
        _tc_body,
        grid=grid,
        in_specs=[
            bspec((1, T, D, 128), lambda i: (i, 0, 0, 0)),
            bspec((1, T, 128), lambda i: (i, 0, 0)),
            bspec((1, T, 128), lambda i: (i, 0, 0)),
            bspec((1, 1, 128), lambda i: (i, 0, 0)),
            bspec((1, D, 128), lambda i: (i, 0, 0)),
            bspec((1, D, 128), lambda i: (i, 0, 0)),
            bspec((1, 1, 128), lambda i: (i, 0, 0)),
            bspec((8, 128), lambda i: (0, 0)),
            bspec((1, 8), lambda i: (0, 0)),
            bspec((D, 1), lambda i: (0, 0)),
            bspec((D, 1), lambda i: (0, 0)),
            bspec((1, 1), lambda i: (0, 0)),
        ],
        out_specs=[
            bspec((1, 1, 128), lambda i: (i, 0, 0)),
            bspec((1, 1), lambda i: (0, 0)),
        ],
        out_shape=[
            jax.ShapeDtypeStruct((NW, 1, 128), jnp.float32),
            jax.ShapeDtypeStruct((1, 1), jnp.float32),
        ],
    )(rows, ps, ids, keys3, truew, tgtw, res3, sampw, sampid,
      wdT, alphaT, attb)
    return out, loss


@jax.jit
def kernel(items_id, position_id, target_id, keys_length, item_table,
           pos_table, att_W, att_b, prelu_alpha, zero_bias, sampled_ids):
    items_flat = items_id.reshape(BT)
    pos_flat = position_id.reshape(BT)
    wdT = att_W[:D, :]
    wp = att_W[D:, 0]
    samp8 = jnp.pad(sampled_ids, (0, 8 - NUM_SAMPLED))
    rows, ps, idsT, truew, tgtw, res3, sampw = _sc_gather(
        item_table, items_flat, pos_flat, keys_length[:, 0], target_id[:, 0],
        pos_table, wp, samp8)
    alphaT = prelu_alpha.reshape(D, 1)
    out, loss = _tc_compute(
        rows, ps, idsT, keys_length.reshape(NW, 1, 128), truew, tgtw,
        res3, sampw, samp8.reshape(1, 8),
        wdT, alphaT, att_b.reshape(1, 1))
    return out.reshape(B, 1), loss[0, 0]

# --- scband reference (transcript-rebuilt; emitter-appended) ---
"""Pipeline reference for scband-user2-item-layer-7224134991886 (READ-ONLY COPY).

The authoritative reference and input builder live on the scoring server;
editing this copy changes nothing except your own understanding.
"""

import jax, jax.numpy as jnp
import numpy as np

VOCAB = 1000000
POS_SIZE = 200
D = 32
P = 32
B = 4096
T = 200
NUM_SAMPLED = 5


def setup_inputs(seed: int = 0):
    key = jax.random.key(seed)
    ks = jax.random.split(key, 10)
    items_id = jax.random.randint(ks[0], (B, T), 0, VOCAB, dtype=jnp.int32)
    position_id = jax.random.randint(ks[1], (B, T), 0, POS_SIZE, dtype=jnp.int32)
    target_id = jax.random.randint(ks[2], (B, 1), 0, VOCAB, dtype=jnp.int32)
    keys_length = jax.random.randint(ks[3], (B, 1), 1, T + 1, dtype=jnp.int32)
    item_table = jax.random.normal(ks[4], (VOCAB, D), dtype=jnp.float32) * 0.05
    pos_table = jax.random.normal(ks[5], (POS_SIZE, P), dtype=jnp.float32) * 0.05
    att_W = jax.random.normal(ks[6], (D + P, 1), dtype=jnp.float32) * 0.05
    att_b = jnp.zeros((1,), dtype=jnp.float32)
    prelu_alpha = jnp.zeros((1, D), dtype=jnp.float32)
    zero_bias = jnp.zeros((VOCAB,), dtype=jnp.float32)
    sampled_ids = jax.random.randint(ks[7], (NUM_SAMPLED,), 0, VOCAB, dtype=jnp.int32)
    return {"items_id": items_id, "position_id": position_id, "target_id": target_id,
            "keys_length": keys_length, "item_table": item_table, "pos_table": pos_table,
            "att_W": att_W, "att_b": att_b, "prelu_alpha": prelu_alpha,
            "zero_bias": zero_bias, "sampled_ids": sampled_ids}


def _log_q(ids):
    f = ids.astype(jnp.float32)
    return jnp.log((jnp.log(f + 2.0) - jnp.log(f + 1.0)) / jnp.log(float(VOCAB) + 1.0))


def reference(items_id, position_id, target_id, keys_length, item_table, pos_table,
              att_W, att_b, prelu_alpha, zero_bias, sampled_ids):
    # embedding lookups (SparseCore gathers)
    items = jnp.take(item_table, items_id, axis=0)          # [B, T, D]
    position = jnp.take(pos_table, position_id, axis=0)     # [B, T, P]
    target = jnp.take(item_table, target_id, axis=0)        # [B, 1, D]
    # ConcatAttention: concat + Dense(1, tanh) -> [B, 1, T]
    qk = jnp.concatenate([items, position], axis=-1)
    score = jnp.tanh(jnp.einsum('btc,co->bto', qk, att_W) + att_b)  # [B, T, 1]
    align = jnp.transpose(score, (0, 2, 1))                 # [B, 1, T]
    # sequence mask [B, 1, T]
    key_masks = jnp.arange(T)[None, None, :] < keys_length[:, :, None]
    align = jnp.where(key_masks, align, jnp.full_like(align, -(2.0 ** 32) + 1.0))
    align = jax.nn.softmax(align, axis=-1)
    # SoftmaxWeightedSum returning per-step weighted values [B, T, D]
    weighted = jnp.transpose(align, (0, 2, 1)) * items
    sum_pooling = jnp.sum(weighted, axis=1, keepdims=True)  # [B, 1, D]
    # PReLU (keras default alpha init = zeros)
    sum_pooling = jnp.maximum(sum_pooling, 0.0) + prelu_alpha * jnp.minimum(sum_pooling, 0.0)
    output = jnp.squeeze(jnp.matmul(sum_pooling, jnp.transpose(target, (0, 2, 1))), axis=1)  # [B, 1]
    # aux_mask=True branch
    padding = (items_id != 0).astype(jnp.float32)[..., None]
    weighted = weighted * padding
    h_index = jnp.clip(keys_length[:, 0] - 1, 0, T - 1)
    result = jnp.take_along_axis(items_id, h_index[:, None], axis=1)[:, 0]  # last valid item id
    ut_1 = jnp.sum(weighted[:, :-1, :], axis=1)             # [B, D]
    # sampled softmax loss (log-uniform expected-prob correction, fixed candidates)
    true_w = jnp.take(item_table, result, axis=0)
    true_b = jnp.take(zero_bias, result, axis=0)
    true_logits = jnp.sum(ut_1 * true_w, axis=1) + true_b - _log_q(result)
    samp_w = jnp.take(item_table, sampled_ids, axis=0)
    samp_b = jnp.take(zero_bias, sampled_ids, axis=0)
    samp_logits = ut_1 @ samp_w.T + samp_b[None, :] - _log_q(sampled_ids)[None, :]
    logits = jnp.concatenate([true_logits[:, None], samp_logits], axis=1)
    loss = jnp.mean(-jax.nn.log_softmax(logits, axis=-1)[:, 0])
    return (output, loss)

if __name__ == "__main__":
    import jax
    _d = setup_inputs()
    print(jax.jit(kernel)(*tuple(_d.values())))

</pallas_src>

<mosaic_0001>
#map = affine_map<(d0, d1) -> (0, 0)>
#map1 = affine_map<(d0, d1) -> (0)>
#map2 = affine_map<(d0, d1) -> (0, 0, 0, 0)>
#map3 = affine_map<(d0, d1) -> (0, 0, 0)>
module attributes {stable_mosaic.version = 14 : i64} {
  func.func @_sc_gather_body(%arg0: i32, %arg1: i32, %arg2: memref<1000000x32xf32, #tpu.memory_space<hbm>>, %arg3: memref<819200xi32, #tpu.memory_space<hbm>>, %arg4: memref<819200xi32, #tpu.memory_space<hbm>>, %arg5: memref<4096xi32, #tpu.memory_space<hbm>>, %arg6: memref<4096xi32, #tpu.memory_space<hbm>>, %arg7: memref<6400xf32, #tpu.memory_space<hbm>>, %arg8: memref<32xf32, #tpu.memory_space<hbm>>, %arg9: memref<8xi32, #tpu.memory_space<hbm>>, %arg10: memref<32x200x32x128xf32, #tpu.memory_space<hbm>>, %arg11: memref<32x200x128xf32, #tpu.memory_space<hbm>>, %arg12: memref<32x200x128xi32, #tpu.memory_space<hbm>>, %arg13: memref<32x32x128xf32, #tpu.memory_space<hbm>>, %arg14: memref<32x32x128xf32, #tpu.memory_space<hbm>>, %arg15: memref<32x1x128xi32, #tpu.memory_space<hbm>>, %arg16: memref<8x128xf32, #tpu.memory_space<hbm>>, %arg17: memref<25600xi32, #tpu.memory_space<vmem>>, %arg18: memref<25600xi32, #tpu.memory_space<vmem>>, %arg19: memref<200x128xf32, #tpu.memory_space<vmem>>, %arg20: memref<200x128xi32, #tpu.memory_space<vmem>>, %arg21: memref<6656xf32, #tpu.memory_space<vmem>>, %arg22: memref<208xf32, #tpu.memory_space<vmem>>, %arg23: memref<32xf32, #tpu.memory_space<vmem>>, %arg24: memref<128xi32, #tpu.memory_space<vmem>>, %arg25: memref<128x32xf32, #tpu.memory_space<vmem>>, %arg26: memref<128xi32, #tpu.memory_space<vmem>>, %arg27: memref<128x32xf32, #tpu.memory_space<vmem>>, %arg28: memref<32x128xf32, #tpu.memory_space<vmem>>, %arg29: memref<128xi32, #tpu.memory_space<vmem>>, %arg30: memref<128xi32, #tpu.memory_space<vmem>>, %arg31: memref<128xi32, #tpu.memory_space<vmem>>, %arg32: memref<128x32xf32, #tpu.memory_space<vmem>>, %arg33: memref<8xi32, #tpu.memory_space<vmem>>, %arg34: memref<8x32xf32, #tpu.memory_space<vmem>>, %arg35: memref<!tpu.dma_semaphore, #tpu.memory_space<semaphore_mem>>, %arg36: memref<!tpu.dma_semaphore, #tpu.memory_space<semaphore_mem>>, %arg37: memref<!tpu.dma_semaphore, #tpu.memory_space<semaphore_mem>>) attributes {dimension_semantics = [#tpu.dimension_semantics<core_parallel>, #tpu.dimension_semantics<subcore_parallel>], iteration_bounds = array<i64: 2, 16>, scalar_prefetch = 0 : i64, scratch_operands = 21 : i64, tpu.core_type = #tpu.core_type<sc_vector_subcore>, window_params = [{transform_indices = #map}, {transform_indices = #map1}, {transform_indices = #map1}, {transform_indices = #map1}, {transform_indices = #map1}, {transform_indices = #map1}, {transform_indices = #map1}, {transform_indices = #map1}, {transform_indices = #map2}, {transform_indices = #map3}, {transform_indices = #map3}, {transform_indices = #map3}, {transform_indices = #map3}, {transform_indices = #map3}, {transform_indices = #map}]} {
    %mul3A = arith.constant 2 : i32
    %mul3A_0 = arith.muli %arg1, %mul3A : i32
    %add3A = arith.addi %mul3A_0, %arg0 : i32
    %mul3A_1 = arith.constant 25600 : i32
    %mul3A_2 = arith.muli %add3A, %mul3A_1 : i32
    %mul3A_3 = arith.constant 128 : i32
    %mul3A_4 = arith.muli %add3A, %mul3A_3 : i32
    "tpu.region"() ({
      %run_scoped3A_271 = tpu.sem_alloc : memref<!tpu.dma_semaphore, #tpu.memory_space<semaphore_mem>>
      %dma_start3A_272 = tpu.memref_slice %arg3[%mul3A_2] : memref<819200xi32, #tpu.memory_space<hbm>> -> memref<25600xi32, #tpu.memory_space<hbm>>
      %dma_start3A_273 = tpu.memref_slice %arg3[%mul3A_2] : memref<819200xi32, #tpu.memory_space<hbm>> -> memref<25600xi32, #tpu.memory_space<hbm>>
      tpu.enqueue_dma source(%dma_start3A_273 : memref<25600xi32, #tpu.memory_space<hbm>>) target(%arg17 : memref<25600xi32, #tpu.memory_space<vmem>>) target_semaphore(%run_scoped3A_271 : memref<!tpu.dma_semaphore, #tpu.memory_space<semaphore_mem>>)
      %dma_wait3A_274 = tpu.memref_slice %arg3[%mul3A_2] : memref<819200xi32, #tpu.memory_space<hbm>> -> memref<25600xi32, #tpu.memory_space<hbm>>
      %dma_wait3A_275 = tpu.memref_slice %arg3[%mul3A_2] : memref<819200xi32, #tpu.memory_space<hbm>> -> memref<25600xi32, #tpu.memory_space<hbm>>
      tpu.wait_dma2 semaphore(%run_scoped3A_271 : memref<!tpu.dma_semaphore, #tpu.memory_space<semaphore_mem>>) src(%dma_wait3A_275 : memref<25600xi32, #tpu.memory_space<hbm>>) dst(%arg17 : memref<25600xi32, #tpu.memory_space<vmem>>)
      tpu.yield
    }) : () -> ()
    "tpu.region"() ({
      %run_scoped3A_271 = tpu.sem_alloc : memref<!tpu.dma_semaphore, #tpu.memory_space<semaphore_mem>>
      %dma_start3A_272 = tpu.memref_slice %arg4[%mul3A_2] : memref<819200xi32, #tpu.memory_space<hbm>> -> memref<25600xi32, #tpu.memory_space<hbm>>
      %dma_start3A_273 = tpu.memref_slice %arg4[%mul3A_2] : memref<819200xi32, #tpu.memory_space<hbm>> -> memref<25600xi32, #tpu.memory_space<hbm>>
      tpu.enqueue_dma source(%dma_start3A_273 : memref<25600xi32, #tpu.memory_space<hbm>>) target(%arg18 : memref<25600xi32, #tpu.memory_space<vmem>>) target_semaphore(%run_scoped3A_271 : memref<!tpu.dma_semaphore, #tpu.memory_space<semaphore_mem>>)
      %dma_wait3A_274 = tpu.memref_slice %arg4[%mul3A_2] : memref<819200xi32, #tpu.memory_space<hbm>> -> memref<25600xi32, #tpu.memory_space<hbm>>
      %dma_wait3A_275 = tpu.memref_slice %arg4[%mul3A_2] : memref<819200xi32, #tpu.memory_space<hbm>> -> memref<25600xi32, #tpu.memory_space<hbm>>
      tpu.wait_dma2 semaphore(%run_scoped3A_271 : memref<!tpu.dma_semaphore, #tpu.memory_space<semaphore_mem>>) src(%dma_wait3A_275 : memref<25600xi32, #tpu.memory_space<hbm>>) dst(%arg18 : memref<25600xi32, #tpu.memory_space<vmem>>)
      tpu.yield
    }) : () -> ()
    "tpu.region"() ({
      %run_scoped3A_271 = tpu.sem_alloc : memref<!tpu.dma_semaphore, #tpu.memory_space<semaphore_mem>>
      %dma_start3A_272 = arith.constant 0 : i32
      %dma_start3A_273 = tpu.memref_slice %arg21[%dma_start3A_272] : memref<6656xf32, #tpu.memory_space<vmem>> -> memref<6400xf32, #tpu.memory_space<vmem>>
      %dma_start3A_274 = arith.constant 0 : i32
      %dma_start3A_275 = tpu.memref_slice %arg21[%dma_start3A_274] : memref<6656xf32, #tpu.memory_space<vmem>> -> memref<6400xf32, #tpu.memory_space<vmem>>
      tpu.enqueue_dma source(%arg7 : memref<6400xf32, #tpu.memory_space<hbm>>) target(%dma_start3A_275 : memref<6400xf32, #tpu.memory_space<vmem>>) target_semaphore(%run_scoped3A_271 : memref<!tpu.dma_semaphore, #tpu.memory_space<semaphore_mem>>)
      %dma_wait3A_276 = arith.constant 0 : i32
      %dma_wait3A_277 = tpu.memref_slice %arg21[%dma_wait3A_276] : memref<6656xf32, #tpu.memory_space<vmem>> -> memref<6400xf32, #tpu.memory_space<vmem>>
      %dma_wait3A_278 = arith.constant 0 : i32
      %dma_wait3A_279 = tpu.memref_slice %arg21[%dma_wait3A_278] : memref<6656xf32, #tpu.memory_space<vmem>> -> memref<6400xf32, #tpu.memory_space<vmem>>
      tpu.wait_dma2 semaphore(%run_scoped3A_271 : memref<!tpu.dma_semaphore, #tpu.memory_space<semaphore_mem>>) src(%arg7 : memref<6400xf32, #tpu.memory_space<hbm>>) dst(%dma_wait3A_279 : memref<6400xf32, #tpu.memory_space<vmem>>)
      tpu.yield
    }) : () -> ()
    "tpu.region"() ({
      %run_scoped3A_271 = tpu.sem_alloc : memref<!tpu.dma_semaphore, #tpu.memory_space<semaphore_mem>>
      tpu.enqueue_dma source(%arg8 : memref<32xf32, #tpu.memory_space<hbm>>) target(%arg23 : memref<32xf32, #tpu.memory_space<vmem>>) target_semaphore(%run_scoped3A_271 : memref<!tpu.dma_semaphore, #tpu.memory_space<semaphore_mem>>)
      tpu.wait_dma2 semaphore(%run_scoped3A_271 : memref<!tpu.dma_semaphore, #tpu.memory_space<semaphore_mem>>) src(%arg8 : memref<32xf32, #tpu.memory_space<hbm>>) dst(%arg23 : memref<32xf32, #tpu.memory_space<vmem>>)
      tpu.yield
    }) : () -> ()
    %get3A = arith.constant 0 : index
    %get3A_5 = tpu.vector_load %arg23[%get3A] {strides = array<i32>} : memref<32xf32, #tpu.memory_space<vmem>>, vector<16xf32>,
    %get3A_6 = arith.constant 16 : index
    %get3A_7 = tpu.vector_load %arg23[%get3A_6] {strides = array<i32>} : memref<32xf32, #tpu.memory_space<vmem>>, vector<16xf32>,
    %scan3A = arith.constant 0 : i32
    %scan3A_8 = arith.constant 0 : i32
    %scan3A_9 = arith.constant 13 : i32
    %scan3A_10 = arith.addi %scan3A_8, %scan3A_9 : i32
    %scan3A_11 = arith.constant 1 : i32
    %scan3A_12 = scf.for %scan3A_271 = %scan3A_8 to %scan3A_10 step %scan3A_11 iter_args(%scan3A_272 = %scan3A) -> (i32)  : i32 {
      %iota3A_273 = tpu.iota {dimensions = array<i32: 0>} : vector<16xi32>
      %mul3A_274 = arith.constant 16 : i32
      %mul3A_275 = arith.muli %scan3A_271, %mul3A_274 : i32
      %add3A_276 = vector.broadcast %mul3A_275 : i32 to vector<16xi32>
      %add3A_277 = arith.addi %iota3A_273, %add3A_276 : vector<16xi32>
      %broadcast_in_dim3A = arith.constant 0.000000e+00 : f32
      %broadcast_in_dim3A_278 = vector.broadcast %broadcast_in_dim3A : f32 to vector<16xf32>
      %mul3A_279 = arith.constant 32 : i32
      %mul3A_280 = vector.broadcast %mul3A_279 : i32 to vector<16xi32>
      %mul3A_281 = arith.muli %add3A_277, %mul3A_280 : vector<16xi32>
      %add3A_282 = arith.constant 0 : i32
      %add3A_283 = vector.broadcast %add3A_282 : i32 to vector<16xi32>
      %add3A_284 = arith.addi %mul3A_281, %add3A_283 : vector<16xi32>
      %gather3A_285 = tpu.vector_load_idx %arg21[%add3A_284] : memref<6656xf32, #tpu.memory_space<vmem>>[vector<16xi32>], vector<16xf32>,
      %slice3A = vector.extract_strided_slice %get3A_5 {offsets = [0], sizes = [1], strides = [1]} : vector<16xf32> to vector<1xf32>
      %squeeze3A = vector.extract %slice3A[0] : f32 from vector<1xf32>
      %mul3A_286 = vector.broadcast %squeeze3A : f32 to vector<16xf32>
      %mul3A_287 = arith.mulf %gather3A_285, %mul3A_286 : vector<16xf32>
      %add3A_288 = arith.addf %broadcast_in_dim3A_278, %mul3A_287 : vector<16xf32>
      %mul3A_289 = arith.constant 32 : i32
      %mul3A_290 = vector.broadcast %mul3A_289 : i32 to vector<16xi32>
      %mul3A_291 = arith.muli %add3A_277, %mul3A_290 : vector<16xi32>
      %add3A_292 = arith.constant 1 : i32
      %add3A_293 = vector.broadcast %add3A_292 : i32 to vector<16xi32>
      %add3A_294 = arith.addi %mul3A_291, %add3A_293 : vector<16xi32>
      %gather3A_295 = tpu.vector_load_idx %arg21[%add3A_294] : memref<6656xf32, #tpu.memory_space<vmem>>[vector<16xi32>], vector<16xf32>,
      %slice3A_296 = vector.extract_strided_slice %get3A_5 {offsets = [1], sizes = [1], strides = [1]} : vector<16xf32> to vector<1xf32>
      %squeeze3A_297 = vector.extract %slice3A_296[0] : f32 from vector<1xf32>
      %mul3A_298 = vector.broadcast %squeeze3A_297 : f32 to vector<16xf32>
      %mul3A_299 = arith.mulf %gather3A_295, %mul3A_298 : vector<16xf32>
      %add3A_300 = arith.addf %add3A_288, %mul3A_299 : vector<16xf32>
      %mul3A_301 = arith.constant 32 : i32
      %mul3A_302 = vector.broadcast %mul3A_301 : i32 to vector<16xi32>
      %mul3A_303 = arith.muli %add3A_277, %mul3A_302 : vector<16xi32>
      %add3A_304 = arith.constant 2 : i32
      %add3A_305 = vector.broadcast %add3A_304 : i32 to vector<16xi32>
      %add3A_306 = arith.addi %mul3A_303, %add3A_305 : vector<16xi32>
      %gather3A_307 = tpu.vector_load_idx %arg21[%add3A_306] : memref<6656xf32, #tpu.memory_space<vmem>>[vector<16xi32>], vector<16xf32>,
      %slice3A_308 = vector.extract_strided_slice %get3A_5 {offsets = [2], sizes = [1], strides = [1]} : vector<16xf32> to vector<1xf32>
      %squeeze3A_309 = vector.extract %slice3A_308[0] : f32 from vector<1xf32>
      %mul3A_310 = vector.broadcast %squeeze3A_309 : f32 to vector<16xf32>
      %mul3A_311 = arith.mulf %gather3A_307, %mul3A_310 : vector<16xf32>
      %add3A_312 = arith.addf %add3A_300, %mul3A_311 : vector<16xf32>
      %mul3A_313 = arith.constant 32 : i32
      %mul3A_314 = vector.broadcast %mul3A_313 : i32 to vector<16xi32>
      %mul3A_315 = arith.muli %add3A_277, %mul3A_314 : vector<16xi32>
      %add3A_316 = arith.constant 3 : i32
      %add3A_317 = vector.broadcast %add3A_316 : i32 to vector<16xi32>
      %add3A_318 = arith.addi %mul3A_315, %add3A_317 : vector<16xi32>
      %gather3A_319 = tpu.vector_load_idx %arg21[%add3A_318] : memref<6656xf32, #tpu.memory_space<vmem>>[vector<16xi32>], vector<16xf32>,
      %slice3A_320 = vector.extract_strided_slice %get3A_5 {offsets = [3], sizes = [1], strides = [1]} : vector<16xf32> to vector<1xf32>
      %squeeze3A_321 = vector.extract %slice3A_320[0] : f32 from vector<1xf32>
      %mul3A_322 = vector.broadcast %squeeze3A_321 : f32 to vector<16xf32>
      %mul3A_323 = arith.mulf %gather3A_319, %mul3A_322 : vector<16xf32>
      %add3A_324 = arith.addf %add3A_312, %mul3A_323 : vector<16xf32>
      %mul3A_325 = arith.constant 32 : i32
      %mul3A_326 = vector.broadcast %mul3A_325 : i32 to vector<16xi32>
      %mul3A_327 = arith.muli %add3A_277, %mul3A_326 : vector<16xi32>
      %add3A_328 = arith.constant 4 : i32
      %add3A_329 = vector.broadcast %add3A_328 : i32 to vector<16xi32>
      %add3A_330 = arith.addi %mul3A_327, %add3A_329 : vector<16xi32>
      %gather3A_331 = tpu.vector_load_idx %arg21[%add3A_330] : memref<6656xf32, #tpu.memory_space<vmem>>[vector<16xi32>], vector<16xf32>,
      %slice3A_332 = vector.extract_strided_slice %get3A_5 {offsets = [4], sizes = [1], strides = [1]} : vector<16xf32> to vector<1xf32>
      %squeeze3A_333 = vector.extract %slice3A_332[0] : f32 from vector<1xf32>
      %mul3A_334 = vector.broadcast %squeeze3A_333 : f32 to vector<16xf32>
      %mul3A_335 = arith.mulf %gather3A_331, %mul3A_334 : vector<16xf32>
      %add3A_336 = arith.addf %add3A_324, %mul3A_335 : vector<16xf32>
      %mul3A_337 = arith.constant 32 : i32
      %mul3A_338 = vector.broadcast %mul3A_337 : i32 to vector<16xi32>
      %mul3A_339 = arith.muli %add3A_277, %mul3A_338 : vector<16xi32>
      %add3A_340 = arith.constant 5 : i32
      %add3A_341 = vector.broadcast %add3A_340 : i32 to vector<16xi32>
      %add3A_342 = arith.addi %mul3A_339, %add3A_341 : vector<16xi32>
      %gather3A_343 = tpu.vector_load_idx %arg21[%add3A_342] : memref<6656xf32, #tpu.memory_space<vmem>>[vector<16xi32>], vector<16xf32>,
      %slice3A_344 = vector.extract_strided_slice %get3A_5 {offsets = [5], sizes = [1], strides = [1]} : vector<16xf32> to vector<1xf32>
      %squeeze3A_345 = vector.extract %slice3A_344[0] : f32 from vector<1xf32>
      %mul3A_346 = vector.broadcast %squeeze3A_345 : f32 to vector<16xf32>
      %mul3A_347 = arith.mulf %gather3A_343, %mul3A_346 : vector<16xf32>
      %add3A_348 = arith.addf %add3A_336, %mul3A_347 : vector<16xf32>
      %mul3A_349 = arith.constant 32 : i32
      %mul3A_350 = vector.broadcast %mul3A_349 : i32 to vector<16xi32>
      %mul3A_351 = arith.muli %add3A_277, %mul3A_350 : vector<16xi32>
      %add3A_352 = arith.constant 6 : i32
      %add3A_353 = vector.broadcast %add3A_352 : i32 to vector<16xi32>
      %add3A_354 = arith.addi %mul3A_351, %add3A_353 : vector<16xi32>
      %gather3A_355 = tpu.vector_load_idx %arg21[%add3A_354] : memref<6656xf32, #tpu.memory_space<vmem>>[vector<16xi32>], vector<16xf32>,
      %slice3A_356 = vector.extract_strided_slice %get3A_5 {offsets = [6], sizes = [1], strides = [1]} : vector<16xf32> to vector<1xf32>
      %squeeze3A_357 = vector.extract %slice3A_356[0] : f32 from vector<1xf32>
      %mul3A_358 = vector.broadcast %squeeze3A_357 : f32 to vector<16xf32>
      %mul3A_359 = arith.mulf %gather3A_355, %mul3A_358 : vector<16xf32>
      %add3A_360 = arith.addf %add3A_348, %mul3A_359 : vector<16xf32>
      %mul3A_361 = arith.constant 32 : i32
      %mul3A_362 = vector.broadcast %mul3A_361 : i32 to vector<16xi32>
      %mul3A_363 = arith.muli %add3A_277, %mul3A_362 : vector<16xi32>
      %add3A_364 = arith.constant 7 : i32
      %add3A_365 = vector.broadcast %add3A_364 : i32 to vector<16xi32>
      %add3A_366 = arith.addi %mul3A_363, %add3A_365 : vector<16xi32>
      %gather3A_367 = tpu.vector_load_idx %arg21[%add3A_366] : memref<6656xf32, #tpu.memory_space<vmem>>[vector<16xi32>], vector<16xf32>,
      %slice3A_368 = vector.extract_strided_slice %get3A_5 {offsets = [7], sizes = [1], strides = [1]} : vector<16xf32> to vector<1xf32>
      %squeeze3A_369 = vector.extract %slice3A_368[0] : f32 from vector<1xf32>
      %mul3A_370 = vector.broadcast %squeeze3A_369 : f32 to vector<16xf32>
      %mul3A_371 = arith.mulf %gather3A_367, %mul3A_370 : vector<16xf32>
      %add3A_372 = arith.addf %add3A_360, %mul3A_371 : vector<16xf32>
      %mul3A_373 = arith.constant 32 : i32
      %mul3A_374 = vector.broadcast %mul3A_373 : i32 to vector<16xi32>
      %mul3A_375 = arith.muli %add3A_277, %mul3A_374 : vector<16xi32>
      %add3A_376 = arith.constant 8 : i32
      %add3A_377 = vector.broadcast %add3A_376 : i32 to vector<16xi32>
      %add3A_378 = arith.addi %mul3A_375, %add3A_377 : vector<16xi32>
      %gather3A_379 = tpu.vector_load_idx %arg21[%add3A_378] : memref<6656xf32, #tpu.memory_space<vmem>>[vector<16xi32>], vector<16xf32>,
      %slice3A_380 = vector.extract_strided_slice %get3A_5 {offsets = [8], sizes = [1], strides = [1]} : vector<16xf32> to vector<1xf32>
      %squeeze3A_381 = vector.extract %slice3A_380[0] : f32 from vector<1xf32>
      %mul3A_382 = vector.broadcast %squeeze3A_381 : f32 to vector<16xf32>
      %mul3A_383 = arith.mulf %gather3A_379, %mul3A_382 : vector<16xf32>
      %add3A_384 = arith.addf %add3A_372, %mul3A_383 : vector<16xf32>
      %mul3A_385 = arith.constant 32 : i32
      %mul3A_386 = vector.broadcast %mul3A_385 : i32 to vector<16xi32>
      %mul3A_387 = arith.muli %add3A_277, %mul3A_386 : vector<16xi32>
      %add3A_388 = arith.constant 9 : i32
      %add3A_389 = vector.broadcast %add3A_388 : i32 to vector<16xi32>
      %add3A_390 = arith.addi %mul3A_387, %add3A_389 : vector<16xi32>
      %gather3A_391 = tpu.vector_load_idx %arg21[%add3A_390] : memref<6656xf32, #tpu.memory_space<vmem>>[vector<16xi32>], vector<16xf32>,
      %slice3A_392 = vector.extract_strided_slice %get3A_5 {offsets = [9], sizes = [1], strides = [1]} : vector<16xf32> to vector<1xf32>
      %squeeze3A_393 = vector.extract %slice3A_392[0] : f32 from vector<1xf32>
      %mul3A_394 = vector.broadcast %squeeze3A_393 : f32 to vector<16xf32>
      %mul3A_395 = arith.mulf %gather3A_391, %mul3A_394 : vector<16xf32>
      %add3A_396 = arith.addf %add3A_384, %mul3A_395 : vector<16xf32>
      %mul3A_397 = arith.constant 32 : i32
      %mul3A_398 = vector.broadcast %mul3A_397 : i32 to vector<16xi32>
      %mul3A_399 = arith.muli %add3A_277, %mul3A_398 : vector<16xi32>
      %add3A_400 = arith.constant 10 : i32
      %add3A_401 = vector.broadcast %add3A_400 : i32 to vector<16xi32>
      %add3A_402 = arith.addi %mul3A_399, %add3A_401 : vector<16xi32>
      %gather3A_403 = tpu.vector_load_idx %arg21[%add3A_402] : memref<6656xf32, #tpu.memory_space<vmem>>[vector<16xi32>], vector<16xf32>,
      %slice3A_404 = vector.extract_strided_slice %get3A_5 {offsets = [10], sizes = [1], strides = [1]} : vector<16xf32> to vector<1xf32>
      %squeeze3A_405 = vector.extract %slice3A_404[0] : f32 from vector<1xf32>
      %mul3A_406 = vector.broadcast %squeeze3A_405 : f32 to vector<16xf32>
      %mul3A_407 = arith.mulf %gather3A_403, %mul3A_406 : vector<16xf32>
      %add3A_408 = arith.addf %add3A_396, %mul3A_407 : vector<16xf32>
      %mul3A_409 = arith.constant 32 : i32
      %mul3A_410 = vector.broadcast %mul3A_409 : i32 to vector<16xi32>
      %mul3A_411 = arith.muli %add3A_277, %mul3A_410 : vector<16xi32>
      %add3A_412 = arith.constant 11 : i32
      %add3A_413 = vector.broadcast %add3A_412 : i32 to vector<16xi32>
      %add3A_414 = arith.addi %mul3A_411, %add3A_413 : vector<16xi32>
      %gather3A_415 = tpu.vector_load_idx %arg21[%add3A_414] : memref<6656xf32, #tpu.memory_space<vmem>>[vector<16xi32>], vector<16xf32>,
      %slice3A_416 = vector.extract_strided_slice %get3A_5 {offsets = [11], sizes = [1], strides = [1]} : vector<16xf32> to vector<1xf32>
      %squeeze3A_417 = vector.extract %slice3A_416[0] : f32 from vector<1xf32>
      %mul3A_418 = vector.broadcast %squeeze3A_417 : f32 to vector<16xf32>
      %mul3A_419 = arith.mulf %gather3A_415, %mul3A_418 : vector<16xf32>
      %add3A_420 = arith.addf %add3A_408, %mul3A_419 : vector<16xf32>
      %mul3A_421 = arith.constant 32 : i32
      %mul3A_422 = vector.broadcast %mul3A_421 : i32 to vector<16xi32>
      %mul3A_423 = arith.muli %add3A_277, %mul3A_422 : vector<16xi32>
      %add3A_424 = arith.constant 12 : i32
      %add3A_425 = vector.broadcast %add3A_424 : i32 to vector<16xi32>
      %add3A_426 = arith.addi %mul3A_423, %add3A_425 : vector<16xi32>
      %gather3A_427 = tpu.vector_load_idx %arg21[%add3A_426] : memref<6656xf32, #tpu.memory_space<vmem>>[vector<16xi32>], vector<16xf32>,
      %slice3A_428 = vector.extract_strided_slice %get3A_5 {offsets = [12], sizes = [1], strides = [1]} : vector<16xf32> to vector<1xf32>
      %squeeze3A_429 = vector.extract %slice3A_428[0] : f32 from vector<1xf32>
      %mul3A_430 = vector.broadcast %squeeze3A_429 : f32 to vector<16xf32>
      %mul3A_431 = arith.mulf %gather3A_427, %mul3A_430 : vector<16xf32>
      %add3A_432 = arith.addf %add3A_420, %mul3A_431 : vector<16xf32>
      %mul3A_433 = arith.constant 32 : i32
      %mul3A_434 = vector.broadcast %mul3A_433 : i32 to vector<16xi32>
      %mul3A_435 = arith.muli %add3A_277, %mul3A_434 : vector<16xi32>
      %add3A_436 = arith.constant 13 : i32
      %add3A_437 = vector.broadcast %add3A_436 : i32 to vector<16xi32>
      %add3A_438 = arith.addi %mul3A_435, %add3A_437 : vector<16xi32>
      %gather3A_439 = tpu.vector_load_idx %arg21[%add3A_438] : memref<6656xf32, #tpu.memory_space<vmem>>[vector<16xi32>], vector<16xf32>,
      %slice3A_440 = vector.extract_strided_slice %get3A_5 {offsets = [13], sizes = [1], strides = [1]} : vector<16xf32> to vector<1xf32>
      %squeeze3A_441 = vector.extract %slice3A_440[0] : f32 from vector<1xf32>
      %mul3A_442 = vector.broadcast %squeeze3A_441 : f32 to vector<16xf32>
      %mul3A_443 = arith.mulf %gather3A_439, %mul3A_442 : vector<16xf32>
      %add3A_444 = arith.addf %add3A_432, %mul3A_443 : vector<16xf32>
      %mul3A_445 = arith.constant 32 : i32
      %mul3A_446 = vector.broadcast %mul3A_445 : i32 to vector<16xi32>
      %mul3A_447 = arith.muli %add3A_277, %mul3A_446 : vector<16xi32>
      %add3A_448 = arith.constant 14 : i32
      %add3A_449 = vector.broadcast %add3A_448 : i32 to vector<16xi32>
      %add3A_450 = arith.addi %mul3A_447, %add3A_449 : vector<16xi32>
      %gather3A_451 = tpu.vector_load_idx %arg21[%add3A_450] : memref<6656xf32, #tpu.memory_space<vmem>>[vector<16xi32>], vector<16xf32>,
      %slice3A_452 = vector.extract_strided_slice %get3A_5 {offsets = [14], sizes = [1], strides = [1]} : vector<16xf32> to vector<1xf32>
      %squeeze3A_453 = vector.extract %slice3A_452[0] : f32 from vector<1xf32>
      %mul3A_454 = vector.broadcast %squeeze3A_453 : f32 to vector<16xf32>
      %mul3A_455 = arith.mulf %gather3A_451, %mul3A_454 : vector<16xf32>
      %add3A_456 = arith.addf %add3A_444, %mul3A_455 : vector<16xf32>
      %mul3A_457 = arith.constant 32 : i32
      %mul3A_458 = vector.broadcast %mul3A_457 : i32 to vector<16xi32>
      %mul3A_459 = arith.muli %add3A_277, %mul3A_458 : vector<16xi32>
      %add3A_460 = arith.constant 15 : i32
      %add3A_461 = vector.broadcast %add3A_460 : i32 to vector<16xi32>
      %add3A_462 = arith.addi %mul3A_459, %add3A_461 : vector<16xi32>
      %gather3A_463 = tpu.vector_load_idx %arg21[%add3A_462] : memref<6656xf32, #tpu.memory_space<vmem>>[vector<16xi32>], vector<16xf32>,
      %slice3A_464 = vector.extract_strided_slice %get3A_5 {offsets = [15], sizes = [1], strides = [1]} : vector<16xf32> to vector<1xf32>
      %squeeze3A_465 = vector.extract %slice3A_464[0] : f32 from vector<1xf32>
      %mul3A_466 = vector.broadcast %squeeze3A_465 : f32 to vector<16xf32>
      %mul3A_467 = arith.mulf %gather3A_463, %mul3A_466 : vector<16xf32>
      %add3A_468 = arith.addf %add3A_456, %mul3A_467 : vector<16xf32>
      %mul3A_469 = arith.constant 32 : i32
      %mul3A_470 = vector.broadcast %mul3A_469 : i32 to vector<16xi32>
      %mul3A_471 = arith.muli %add3A_277, %mul3A_470 : vector<16xi32>
      %add3A_472 = arith.constant 16 : i32
      %add3A_473 = vector.broadcast %add3A_472 : i32 to vector<16xi32>
      %add3A_474 = arith.addi %mul3A_471, %add3A_473 : vector<16xi32>
      %gather3A_475 = tpu.vector_load_idx %arg21[%add3A_474] : memref<6656xf32, #tpu.memory_space<vmem>>[vector<16xi32>], vector<16xf32>,
      %slice3A_476 = vector.extract_strided_slice %get3A_7 {offsets = [0], sizes = [1], strides = [1]} : vector<16xf32> to vector<1xf32>
      %squeeze3A_477 = vector.extract %slice3A_476[0] : f32 from vector<1xf32>
      %mul3A_478 = vector.broadcast %squeeze3A_477 : f32 to vector<16xf32>
      %mul3A_479 = arith.mulf %gather3A_475, %mul3A_478 : vector<16xf32>
      %add3A_480 = arith.addf %add3A_468, %mul3A_479 : vector<16xf32>
      %mul3A_481 = arith.constant 32 : i32
      %mul3A_482 = vector.broadcast %mul3A_481 : i32 to vector<16xi32>
      %mul3A_483 = arith.muli %add3A_277, %mul3A_482 : vector<16xi32>
      %add3A_484 = arith.constant 17 : i32
      %add3A_485 = vector.broadcast %add3A_484 : i32 to vector<16xi32>
      %add3A_486 = arith.addi %mul3A_483, %add3A_485 : vector<16xi32>
      %gather3A_487 = tpu.vector_load_idx %arg21[%add3A_486] : memref<6656xf32, #tpu.memory_space<vmem>>[vector<16xi32>], vector<16xf32>,
      %slice3A_488 = vector.extract_strided_slice %get3A_7 {offsets = [1], sizes = [1], strides = [1]} : vector<16xf32> to vector<1xf32>
      %squeeze3A_489 = vector.extract %slice3A_488[0] : f32 from vector<1xf32>
      %mul3A_490 = vector.broadcast %squeeze3A_489 : f32 to vector<16xf32>
      %mul3A_491 = arith.mulf %gather3A_487, %mul3A_490 : vector<16xf32>
      %add3A_492 = arith.addf %add3A_480, %mul3A_491 : vector<16xf32>
      %mul3A_493 = arith.constant 32 : i32
      %mul3A_494 = vector.broadcast %mul3A_493 : i32 to vector<16xi32>
      %mul3A_495 = arith.muli %add3A_277, %mul3A_494 : vector<16xi32>
      %add3A_496 = arith.constant 18 : i32
      %add3A_497 = vector.broadcast %add3A_496 : i32 to vector<16xi32>
      %add3A_498 = arith.addi %mul3A_495, %add3A_497 : vector<16xi32>
      %gather3A_499 = tpu.vector_load_idx %arg21[%add3A_498] : memref<6656xf32, #tpu.memory_space<vmem>>[vector<16xi32>], vector<16xf32>,
      %slice3A_500 = vector.extract_strided_slice %get3A_7 {offsets = [2], sizes = [1], strides = [1]} : vector<16xf32> to vector<1xf32>
      %squeeze3A_501 = vector.extract %slice3A_500[0] : f32 from vector<1xf32>
      %mul3A_502 = vector.broadcast %squeeze3A_501 : f32 to vector<16xf32>
      %mul3A_503 = arith.mulf %gather3A_499, %mul3A_502 : vector<16xf32>
      %add3A_504 = arith.addf %add3A_492, %mul3A_503 : vector<16xf32>
      %mul3A_505 = arith.constant 32 : i32
      %mul3A_506 = vector.broadcast %mul3A_505 : i32 to vector<16xi32>
      %mul3A_507 = arith.muli %add3A_277, %mul3A_506 : vector<16xi32>
      %add3A_508 = arith.constant 19 : i32
      %add3A_509 = vector.broadcast %add3A_508 : i32 to vector<16xi32>
      %add3A_510 = arith.addi %mul3A_507, %add3A_509 : vector<16xi32>
      %gather3A_511 = tpu.vector_load_idx %arg21[%add3A_510] : memref<6656xf32, #tpu.memory_space<vmem>>[vector<16xi32>], vector<16xf32>,
      %slice3A_512 = vector.extract_strided_slice %get3A_7 {offsets = [3], sizes = [1], strides = [1]} : vector<16xf32> to vector<1xf32>
      %squeeze3A_513 = vector.extract %slice3A_512[0] : f32 from vector<1xf32>
      %mul3A_514 = vector.broadcast %squeeze3A_513 : f32 to vector<16xf32>
      %mul3A_515 = arith.mulf %gather3A_511, %mul3A_514 : vector<16xf32>
      %add3A_516 = arith.addf %add3A_504, %mul3A_515 : vector<16xf32>
      %mul3A_517 = arith.constant 32 : i32
      %mul3A_518 = vector.broadcast %mul3A_517 : i32 to vector<16xi32>
      %mul3A_519 = arith.muli %add3A_277, %mul3A_518 : vector<16xi32>
      %add3A_520 = arith.constant 20 : i32
      %add3A_521 = vector.broadcast %add3A_520 : i32 to vector<16xi32>
      %add3A_522 = arith.addi %mul3A_519, %add3A_521 : vector<16xi32>
      %gather3A_523 = tpu.vector_load_idx %arg21[%add3A_522] : memref<6656xf32, #tpu.memory_space<vmem>>[vector<16xi32>], vector<16xf32>,
      %slice3A_524 = vector.extract_strided_slice %get3A_7 {offsets = [4], sizes = [1], strides = [1]} : vector<16xf32> to vector<1xf32>
      %squeeze3A_525 = vector.extract %slice3A_524[0] : f32 from vector<1xf32>
      %mul3A_526 = vector.broadcast %squeeze3A_525 : f32 to vector<16xf32>
      %mul3A_527 = arith.mulf %gather3A_523, %mul3A_526 : vector<16xf32>
      %add3A_528 = arith.addf %add3A_516, %mul3A_527 : vector<16xf32>
      %mul3A_529 = arith.constant 32 : i32
      %mul3A_530 = vector.broadcast %mul3A_529 : i32 to vector<16xi32>
      %mul3A_531 = arith.muli %add3A_277, %mul3A_530 : vector<16xi32>
      %add3A_532 = arith.constant 21 : i32
      %add3A_533 = vector.broadcast %add3A_532 : i32 to vector<16xi32>
      %add3A_534 = arith.addi %mul3A_531, %add3A_533 : vector<16xi32>
      %gather3A_535 = tpu.vector_load_idx %arg21[%add3A_534] : memref<6656xf32, #tpu.memory_space<vmem>>[vector<16xi32>], vector<16xf32>,
      %slice3A_536 = vector.extract_strided_slice %get3A_7 {offsets = [5], sizes = [1], strides = [1]} : vector<16xf32> to vector<1xf32>
      %squeeze3A_537 = vector.extract %slice3A_536[0] : f32 from vector<1xf32>
      %mul3A_538 = vector.broadcast %squeeze3A_537 : f32 to vector<16xf32>
      %mul3A_539 = arith.mulf %gather3A_535, %mul3A_538 : vector<16xf32>
      %add3A_540 = arith.addf %add3A_528, %mul3A_539 : vector<16xf32>
      %mul3A_541 = arith.constant 32 : i32
      %mul3A_542 = vector.broadcast %mul3A_541 : i32 to vector<16xi32>
      %mul3A_543 = arith.muli %add3A_277, %mul3A_542 : vector<16xi32>
      %add3A_544 = arith.constant 22 : i32
      %add3A_545 = vector.broadcast %add3A_544 : i32 to vector<16xi32>
      %add3A_546 = arith.addi %mul3A_543, %add3A_545 : vector<16xi32>
      %gather3A_547 = tpu.vector_load_idx %arg21[%add3A_546] : memref<6656xf32, #tpu.memory_space<vmem>>[vector<16xi32>], vector<16xf32>,
      %slice3A_548 = vector.extract_strided_slice %get3A_7 {offsets = [6], sizes = [1], strides = [1]} : vector<16xf32> to vector<1xf32>
      %squeeze3A_549 = vector.extract %slice3A_548[0] : f32 from vector<1xf32>
      %mul3A_550 = vector.broadcast %squeeze3A_549 : f32 to vector<16xf32>
      %mul3A_551 = arith.mulf %gather3A_547, %mul3A_550 : vector<16xf32>
      %add3A_552 = arith.addf %add3A_540, %mul3A_551 : vector<16xf32>
      %mul3A_553 = arith.constant 32 : i32
      %mul3A_554 = vector.broadcast %mul3A_553 : i32 to vector<16xi32>
      %mul3A_555 = arith.muli %add3A_277, %mul3A_554 : vector<16xi32>
      %add3A_556 = arith.constant 23 : i32
      %add3A_557 = vector.broadcast %add3A_556 : i32 to vector<16xi32>
      %add3A_558 = arith.addi %mul3A_555, %add3A_557 : vector<16xi32>
      %gather3A_559 = tpu.vector_load_idx %arg21[%add3A_558] : memref<6656xf32, #tpu.memory_space<vmem>>[vector<16xi32>], vector<16xf32>,
      %slice3A_560 = vector.extract_strided_slice %get3A_7 {offsets = [7], sizes = [1], strides = [1]} : vector<16xf32> to vector<1xf32>
      %squeeze3A_561 = vector.extract %slice3A_560[0] : f32 from vector<1xf32>
      %mul3A_562 = vector.broadcast %squeeze3A_561 : f32 to vector<16xf32>
      %mul3A_563 = arith.mulf %gather3A_559, %mul3A_562 : vector<16xf32>
      %add3A_564 = arith.addf %add3A_552, %mul3A_563 : vector<16xf32>
      %mul3A_565 = arith.constant 32 : i32
      %mul3A_566 = vector.broadcast %mul3A_565 : i32 to vector<16xi32>
      %mul3A_567 = arith.muli %add3A_277, %mul3A_566 : vector<16xi32>
      %add3A_568 = arith.constant 24 : i32
      %add3A_569 = vector.broadcast %add3A_568 : i32 to vector<16xi32>
      %add3A_570 = arith.addi %mul3A_567, %add3A_569 : vector<16xi32>
      %gather3A_571 = tpu.vector_load_idx %arg21[%add3A_570] : memref<6656xf32, #tpu.memory_space<vmem>>[vector<16xi32>], vector<16xf32>,
      %slice3A_572 = vector.extract_strided_slice %get3A_7 {offsets = [8], sizes = [1], strides = [1]} : vector<16xf32> to vector<1xf32>
      %squeeze3A_573 = vector.extract %slice3A_572[0] : f32 from vector<1xf32>
      %mul3A_574 = vector.broadcast %squeeze3A_573 : f32 to vector<16xf32>
      %mul3A_575 = arith.mulf %gather3A_571, %mul3A_574 : vector<16xf32>
      %add3A_576 = arith.addf %add3A_564, %mul3A_575 : vector<16xf32>
      %mul3A_577 = arith.constant 32 : i32
      %mul3A_578 = vector.broadcast %mul3A_577 : i32 to vector<16xi32>
      %mul3A_579 = arith.muli %add3A_277, %mul3A_578 : vector<16xi32>
      %add3A_580 = arith.constant 25 : i32
      %add3A_581 = vector.broadcast %add3A_580 : i32 to vector<16xi32>
      %add3A_582 = arith.addi %mul3A_579, %add3A_581 : vector<16xi32>
      %gather3A_583 = tpu.vector_load_idx %arg21[%add3A_582] : memref<6656xf32, #tpu.memory_space<vmem>>[vector<16xi32>], vector<16xf32>,
      %slice3A_584 = vector.extract_strided_slice %get3A_7 {offsets = [9], sizes = [1], strides = [1]} : vector<16xf32> to vector<1xf32>
      %squeeze3A_585 = vector.extract %slice3A_584[0] : f32 from vector<1xf32>
      %mul3A_586 = vector.broadcast %squeeze3A_585 : f32 to vector<16xf32>
      %mul3A_587 = arith.mulf %gather3A_583, %mul3A_586 : vector<16xf32>
      %add3A_588 = arith.addf %add3A_576, %mul3A_587 : vector<16xf32>
      %mul3A_589 = arith.constant 32 : i32
      %mul3A_590 = vector.broadcast %mul3A_589 : i32 to vector<16xi32>
      %mul3A_591 = arith.muli %add3A_277, %mul3A_590 : vector<16xi32>
      %add3A_592 = arith.constant 26 : i32
      %add3A_593 = vector.broadcast %add3A_592 : i32 to vector<16xi32>
      %add3A_594 = arith.addi %mul3A_591, %add3A_593 : vector<16xi32>
      %gather3A_595 = tpu.vector_load_idx %arg21[%add3A_594] : memref<6656xf32, #tpu.memory_space<vmem>>[vector<16xi32>], vector<16xf32>,
      %slice3A_596 = vector.extract_strided_slice %get3A_7 {offsets = [10], sizes = [1], strides = [1]} : vector<16xf32> to vector<1xf32>
      %squeeze3A_597 = vector.extract %slice3A_596[0] : f32 from vector<1xf32>
      %mul3A_598 = vector.broadcast %squeeze3A_597 : f32 to vector<16xf32>
      %mul3A_599 = arith.mulf %gather3A_595, %mul3A_598 : vector<16xf32>
      %add3A_600 = arith.addf %add3A_588, %mul3A_599 : vector<16xf32>
      %mul3A_601 = arith.constant 32 : i32
      %mul3A_602 = vector.broadcast %mul3A_601 : i32 to vector<16xi32>
      %mul3A_603 = arith.muli %add3A_277, %mul3A_602 : vector<16xi32>
      %add3A_604 = arith.constant 27 : i32
      %add3A_605 = vector.broadcast %add3A_604 : i32 to vector<16xi32>
      %add3A_606 = arith.addi %mul3A_603, %add3A_605 : vector<16xi32>
      %gather3A_607 = tpu.vector_load_idx %arg21[%add3A_606] : memref<6656xf32, #tpu.memory_space<vmem>>[vector<16xi32>], vector<16xf32>,
      %slice3A_608 = vector.extract_strided_slice %get3A_7 {offsets = [11], sizes = [1], strides = [1]} : vector<16xf32> to vector<1xf32>
      %squeeze3A_609 = vector.extract %slice3A_608[0] : f32 from vector<1xf32>
      %mul3A_610 = vector.broadcast %squeeze3A_609 : f32 to vector<16xf32>
      %mul3A_611 = arith.mulf %gather3A_607, %mul3A_610 : vector<16xf32>
      %add3A_612 = arith.addf %add3A_600, %mul3A_611 : vector<16xf32>
      %mul3A_613 = arith.constant 32 : i32
      %mul3A_614 = vector.broadcast %mul3A_613 : i32 to vector<16xi32>
      %mul3A_615 = arith.muli %add3A_277, %mul3A_614 : vector<16xi32>
      %add3A_616 = arith.constant 28 : i32
      %add3A_617 = vector.broadcast %add3A_616 : i32 to vector<16xi32>
      %add3A_618 = arith.addi %mul3A_615, %add3A_617 : vector<16xi32>
      %gather3A_619 = tpu.vector_load_idx %arg21[%add3A_618] : memref<6656xf32, #tpu.memory_space<vmem>>[vector<16xi32>], vector<16xf32>,
      %slice3A_620 = vector.extract_strided_slice %get3A_7 {offsets = [12], sizes = [1], strides = [1]} : vector<16xf32> to vector<1xf32>
      %squeeze3A_621 = vector.extract %slice3A_620[0] : f32 from vector<1xf32>
      %mul3A_622 = vector.broadcast %squeeze3A_621 : f32 to vector<16xf32>
      %mul3A_623 = arith.mulf %gather3A_619, %mul3A_622 : vector<16xf32>
      %add3A_624 = arith.addf %add3A_612, %mul3A_623 : vector<16xf32>
      %mul3A_625 = arith.constant 32 : i32
      %mul3A_626 = vector.broadcast %mul3A_625 : i32 to vector<16xi32>
      %mul3A_627 = arith.muli %add3A_277, %mul3A_626 : vector<16xi32>
      %add3A_628 = arith.constant 29 : i32
      %add3A_629 = vector.broadcast %add3A_628 : i32 to vector<16xi32>
      %add3A_630 = arith.addi %mul3A_627, %add3A_629 : vector<16xi32>
      %gather3A_631 = tpu.vector_load_idx %arg21[%add3A_630] : memref<6656xf32, #tpu.memory_space<vmem>>[vector<16xi32>], vector<16xf32>,
      %slice3A_632 = vector.extract_strided_slice %get3A_7 {offsets = [13], sizes = [1], strides = [1]} : vector<16xf32> to vector<1xf32>
      %squeeze3A_633 = vector.extract %slice3A_632[0] : f32 from vector<1xf32>
      %mul3A_634 = vector.broadcast %squeeze3A_633 : f32 to vector<16xf32>
      %mul3A_635 = arith.mulf %gather3A_631, %mul3A_634 : vector<16xf32>
      %add3A_636 = arith.addf %add3A_624, %mul3A_635 : vector<16xf32>
      %mul3A_637 = arith.constant 32 : i32
      %mul3A_638 = vector.broadcast %mul3A_637 : i32 to vector<16xi32>
      %mul3A_639 = arith.muli %add3A_277, %mul3A_638 : vector<16xi32>
      %add3A_640 = arith.constant 30 : i32
      %add3A_641 = vector.broadcast %add3A_640 : i32 to vector<16xi32>
      %add3A_642 = arith.addi %mul3A_639, %add3A_641 : vector<16xi32>
      %gather3A_643 = tpu.vector_load_idx %arg21[%add3A_642] : memref<6656xf32, #tpu.memory_space<vmem>>[vector<16xi32>], vector<16xf32>,
      %slice3A_644 = vector.extract_strided_slice %get3A_7 {offsets = [14], sizes = [1], strides = [1]} : vector<16xf32> to vector<1xf32>
      %squeeze3A_645 = vector.extract %slice3A_644[0] : f32 from vector<1xf32>
      %mul3A_646 = vector.broadcast %squeeze3A_645 : f32 to vector<16xf32>
      %mul3A_647 = arith.mulf %gather3A_643, %mul3A_646 : vector<16xf32>
      %add3A_648 = arith.addf %add3A_636, %mul3A_647 : vector<16xf32>
      %mul3A_649 = arith.constant 32 : i32
      %mul3A_650 = vector.broadcast %mul3A_649 : i32 to vector<16xi32>
      %mul3A_651 = arith.muli %add3A_277, %mul3A_650 : vector<16xi32>
      %add3A_652 = arith.constant 31 : i32
      %add3A_653 = vector.broadcast %add3A_652 : i32 to vector<16xi32>
      %add3A_654 = arith.addi %mul3A_651, %add3A_653 : vector<16xi32>
      %gather3A_655 = tpu.vector_load_idx %arg21[%add3A_654] : memref<6656xf32, #tpu.memory_space<vmem>>[vector<16xi32>], vector<16xf32>,
      %slice3A_656 = vector.extract_strided_slice %get3A_7 {offsets = [15], sizes = [1], strides = [1]} : vector<16xf32> to vector<1xf32>
      %squeeze3A_657 = vector.extract %slice3A_656[0] : f32 from vector<1xf32>
      %mul3A_658 = vector.broadcast %squeeze3A_657 : f32 to vector<16xf32>
      %mul3A_659 = arith.mulf %gather3A_655, %mul3A_658 : vector<16xf32>
      %add3A_660 = arith.addf %add3A_648, %mul3A_659 : vector<16xf32>
      %mul3A_661 = arith.constant 16 : i32
      %mul3A_662 = arith.muli %scan3A_271, %mul3A_661 : i32
      %swap3A_663 = arith.index_cast %mul3A_662 : i32 to index
      %swap3A_664 = tpu.vector_load %arg22[%swap3A_663] {strides = array<i32>} : memref<208xf32, #tpu.memory_space<vmem>>, vector<16xf32>,
      tpu.vector_store %arg22[%swap3A_663], %add3A_660 {strides = array<i32>} : memref<208xf32, #tpu.memory_space<vmem>>, vector<16xf32>,
      %scan3A_665 = arith.constant 0 : i32
      scf.yield %scan3A_665 : i32
    }
    %scan3A_13 = arith.constant 13 : i32
    %iota3A = tpu.iota {dimensions = array<i32: 0>} : vector<16xi32>
    %add3A_14 = arith.constant 0 : i32
    %add3A_15 = vector.broadcast %add3A_14 : i32 to vector<16xi32>
    %add3A_16 = arith.addi %iota3A, %add3A_15 : vector<16xi32>
    %mul3A_17 = arith.constant 200 : i32
    %mul3A_18 = vector.broadcast %mul3A_17 : i32 to vector<16xi32>
    %mul3A_19 = arith.muli %add3A_16, %mul3A_18 : vector<16xi32>
    %add3A_20 = arith.constant 0 : i32
    %add3A_21 = vector.broadcast %add3A_20 : i32 to vector<16xi32>
    %add3A_22 = arith.addi %mul3A_19, %add3A_21 : vector<16xi32>
    %gather3A = tpu.vector_load_idx %arg17[%add3A_22] : memref<25600xi32, #tpu.memory_space<vmem>>[vector<16xi32>], vector<16xi32>,
    %swap3A = arith.constant 0 : index
    %swap3A_23 = tpu.vector_load %arg24[%swap3A] {strides = array<i32>} : memref<128xi32, #tpu.memory_space<vmem>>, vector<16xi32>,
    tpu.vector_store %arg24[%swap3A], %gather3A {strides = array<i32>} : memref<128xi32, #tpu.memory_space<vmem>>, vector<16xi32>,
    %add3A_24 = arith.constant 16 : i32
    %add3A_25 = vector.broadcast %add3A_24 : i32 to vector<16xi32>
    %add3A_26 = arith.addi %iota3A, %add3A_25 : vector<16xi32>
    %mul3A_27 = arith.constant 200 : i32
    %mul3A_28 = vector.broadcast %mul3A_27 : i32 to vector<16xi32>
    %mul3A_29 = arith.muli %add3A_26, %mul3A_28 : vector<16xi32>
    %add3A_30 = arith.constant 0 : i32
    %add3A_31 = vector.broadcast %add3A_30 : i32 to vector<16xi32>
    %add3A_32 = arith.addi %mul3A_29, %add3A_31 : vector<16xi32>
    %gather3A_33 = tpu.vector_load_idx %arg17[%add3A_32] : memref<25600xi32, #tpu.memory_space<vmem>>[vector<16xi32>], vector<16xi32>,
    %swap3A_34 = arith.constant 16 : index
    %swap3A_35 = tpu.vector_load %arg24[%swap3A_34] {strides = array<i32>} : memref<128xi32, #tpu.memory_space<vmem>>, vector<16xi32>,
    tpu.vector_store %arg24[%swap3A_34], %gather3A_33 {strides = array<i32>} : memref<128xi32, #tpu.memory_space<vmem>>, vector<16xi32>,
    %add3A_36 = arith.constant 32 : i32
    %add3A_37 = vector.broadcast %add3A_36 : i32 to vector<16xi32>
    %add3A_38 = arith.addi %iota3A, %add3A_37 : vector<16xi32>
    %mul3A_39 = arith.constant 200 : i32
    %mul3A_40 = vector.broadcast %mul3A_39 : i32 to vector<16xi32>
    %mul3A_41 = arith.muli %add3A_38, %mul3A_40 : vector<16xi32>
    %add3A_42 = arith.constant 0 : i32
    %add3A_43 = vector.broadcast %add3A_42 : i32 to vector<16xi32>
    %add3A_44 = arith.addi %mul3A_41, %add3A_43 : vector<16xi32>
    %gather3A_45 = tpu.vector_load_idx %arg17[%add3A_44] : memref<25600xi32, #tpu.memory_space<vmem>>[vector<16xi32>], vector<16xi32>,
    %swap3A_46 = arith.constant 32 : index
    %swap3A_47 = tpu.vector_load %arg24[%swap3A_46] {strides = array<i32>} : memref<128xi32, #tpu.memory_space<vmem>>, vector<16xi32>,
    tpu.vector_store %arg24[%swap3A_46], %gather3A_45 {strides = array<i32>} : memref<128xi32, #tpu.memory_space<vmem>>, vector<16xi32>,
    %add3A_48 = arith.constant 48 : i32
    %add3A_49 = vector.broadcast %add3A_48 : i32 to vector<16xi32>
    %add3A_50 = arith.addi %iota3A, %add3A_49 : vector<16xi32>
    %mul3A_51 = arith.constant 200 : i32
    %mul3A_52 = vector.broadcast %mul3A_51 : i32 to vector<16xi32>
    %mul3A_53 = arith.muli %add3A_50, %mul3A_52 : vector<16xi32>
    %add3A_54 = arith.constant 0 : i32
    %add3A_55 = vector.broadcast %add3A_54 : i32 to vector<16xi32>
    %add3A_56 = arith.addi %mul3A_53, %add3A_55 : vector<16xi32>
    %gather3A_57 = tpu.vector_load_idx %arg17[%add3A_56] : memref<25600xi32, #tpu.memory_space<vmem>>[vector<16xi32>], vector<16xi32>,
    %swap3A_58 = arith.constant 48 : index
    %swap3A_59 = tpu.vector_load %arg24[%swap3A_58] {strides = array<i32>} : memref<128xi32, #tpu.memory_space<vmem>>, vector<16xi32>,
    tpu.vector_store %arg24[%swap3A_58], %gather3A_57 {strides = array<i32>} : memref<128xi32, #tpu.memory_space<vmem>>, vector<16xi32>,
    %add3A_60 = arith.constant 64 : i32
    %add3A_61 = vector.broadcast %add3A_60 : i32 to vector<16xi32>
    %add3A_62 = arith.addi %iota3A, %add3A_61 : vector<16xi32>
    %mul3A_63 = arith.constant 200 : i32
    %mul3A_64 = vector.broadcast %mul3A_63 : i32 to vector<16xi32>
    %mul3A_65 = arith.muli %add3A_62, %mul3A_64 : vector<16xi32>
    %add3A_66 = arith.constant 0 : i32
    %add3A_67 = vector.broadcast %add3A_66 : i32 to vector<16xi32>
    %add3A_68 = arith.addi %mul3A_65, %add3A_67 : vector<16xi32>
    %gather3A_69 = tpu.vector_load_idx %arg17[%add3A_68] : memref<25600xi32, #tpu.memory_space<vmem>>[vector<16xi32>], vector<16xi32>,
    %swap3A_70 = arith.constant 64 : index
    %swap3A_71 = tpu.vector_load %arg24[%swap3A_70] {strides = array<i32>} : memref<128xi32, #tpu.memory_space<vmem>>, vector<16xi32>,
    tpu.vector_store %arg24[%swap3A_70], %gather3A_69 {strides = array<i32>} : memref<128xi32, #tpu.memory_space<vmem>>, vector<16xi32>,
    %add3A_72 = arith.constant 80 : i32
    %add3A_73 = vector.broadcast %add3A_72 : i32 to vector<16xi32>
    %add3A_74 = arith.addi %iota3A, %add3A_73 : vector<16xi32>
    %mul3A_75 = arith.constant 200 : i32
    %mul3A_76 = vector.broadcast %mul3A_75 : i32 to vector<16xi32>
    %mul3A_77 = arith.muli %add3A_74, %mul3A_76 : vector<16xi32>
    %add3A_78 = arith.constant 0 : i32
    %add3A_79 = vector.broadcast %add3A_78 : i32 to vector<16xi32>
    %add3A_80 = arith.addi %mul3A_77, %add3A_79 : vector<16xi32>
    %gather3A_81 = tpu.vector_load_idx %arg17[%add3A_80] : memref<25600xi32, #tpu.memory_space<vmem>>[vector<16xi32>], vector<16xi32>,
    %swap3A_82 = arith.constant 80 : index
    %swap3A_83 = tpu.vector_load %arg24[%swap3A_82] {strides = array<i32>} : memref<128xi32, #tpu.memory_space<vmem>>, vector<16xi32>,
    tpu.vector_store %arg24[%swap3A_82], %gather3A_81 {strides = array<i32>} : memref<128xi32, #tpu.memory_space<vmem>>, vector<16xi32>,
    %add3A_84 = arith.constant 96 : i32
    %add3A_85 = vector.broadcast %add3A_84 : i32 to vector<16xi32>
    %add3A_86 = arith.addi %iota3A, %add3A_85 : vector<16xi32>
    %mul3A_87 = arith.constant 200 : i32
    %mul3A_88 = vector.broadcast %mul3A_87 : i32 to vector<16xi32>
    %mul3A_89 = arith.muli %add3A_86, %mul3A_88 : vector<16xi32>
    %add3A_90 = arith.constant 0 : i32
    %add3A_91 = vector.broadcast %add3A_90 : i32 to vector<16xi32>
    %add3A_92 = arith.addi %mul3A_89, %add3A_91 : vector<16xi32>
    %gather3A_93 = tpu.vector_load_idx %arg17[%add3A_92] : memref<25600xi32, #tpu.memory_space<vmem>>[vector<16xi32>], vector<16xi32>,
    %swap3A_94 = arith.constant 96 : index
    %swap3A_95 = tpu.vector_load %arg24[%swap3A_94] {strides = array<i32>} : memref<128xi32, #tpu.memory_space<vmem>>, vector<16xi32>,
    tpu.vector_store %arg24[%swap3A_94], %gather3A_93 {strides = array<i32>} : memref<128xi32, #tpu.memory_space<vmem>>, vector<16xi32>,
    %add3A_96 = arith.constant 112 : i32
    %add3A_97 = vector.broadcast %add3A_96 : i32 to vector<16xi32>
    %add3A_98 = arith.addi %iota3A, %add3A_97 : vector<16xi32>
    %mul3A_99 = arith.constant 200 : i32
    %mul3A_100 = vector.broadcast %mul3A_99 : i32 to vector<16xi32>
    %mul3A_101 = arith.muli %add3A_98, %mul3A_100 : vector<16xi32>
    %add3A_102 = arith.constant 0 : i32
    %add3A_103 = vector.broadcast %add3A_102 : i32 to vector<16xi32>
    %add3A_104 = arith.addi %mul3A_101, %add3A_103 : vector<16xi32>
    %gather3A_105 = tpu.vector_load_idx %arg17[%add3A_104] : memref<25600xi32, #tpu.memory_space<vmem>>[vector<16xi32>], vector<16xi32>,
    %swap3A_106 = arith.constant 112 : index
    %swap3A_107 = tpu.vector_load %arg24[%swap3A_106] {strides = array<i32>} : memref<128xi32, #tpu.memory_space<vmem>>, vector<16xi32>,
    tpu.vector_store %arg24[%swap3A_106], %gather3A_105 {strides = array<i32>} : memref<128xi32, #tpu.memory_space<vmem>>, vector<16xi32>,
    %dma_start3A = arith.constant 0 : i32
    %dma_start3A_108 = arith.constant 0 : i32
    %dma_start3A_109 = tpu.memref_slice %arg2[%dma_start3A, %dma_start3A_108] : memref<1000000x32xf32, #tpu.memory_space<hbm>> -> memref<1000000x32xf32, #tpu.memory_space<hbm>>
    tpu.enqueue_indirect_dma source(%dma_start3A_109 : memref<1000000x32xf32, #tpu.memory_space<hbm>>) target(%arg25 : memref<128x32xf32, #tpu.memory_space<vmem>>) offsets(%arg24 : memref<128xi32, #tpu.memory_space<vmem>>) semaphore(%arg35 : memref<!tpu.dma_semaphore, #tpu.memory_space<semaphore_mem>>)
    %scan3A_110 = arith.constant 0 : i32
    %scan3A_111 = arith.constant 0 : i32
    %scan3A_112 = arith.constant 100 : i32
    %scan3A_113 = arith.addi %scan3A_111, %scan3A_112 : i32
    %scan3A_114 = arith.constant 1 : i32
    %scan3A_115 = scf.for %scan3A_271 = %scan3A_111 to %scan3A_113 step %scan3A_114 iter_args(%scan3A_272 = %scan3A_110) -> (i32)  : i32 {
      %mul3A_273 = arith.constant 2 : i32
      %mul3A_274 = arith.muli %mul3A_273, %scan3A_271 : i32
      %add3A_275 = arith.constant 1 : i32
      %add3A_276 = arith.addi %mul3A_274, %add3A_275 : i32
      %add3A_277 = arith.constant 0 : i32
      %add3A_278 = vector.broadcast %add3A_277 : i32 to vector<16xi32>
      %add3A_279 = arith.addi %iota3A, %add3A_278 : vector<16xi32>
      %mul3A_280 = arith.constant 200 : i32
      %mul3A_281 = vector.broadcast %mul3A_280 : i32 to vector<16xi32>
      %mul3A_282 = arith.muli %add3A_279, %mul3A_281 : vector<16xi32>
      %add3A_283 = vector.broadcast %add3A_276 : i32 to vector<16xi32>
      %add3A_284 = arith.addi %mul3A_282, %add3A_283 : vector<16xi32>
      %gather3A_285 = tpu.vector_load_idx %arg17[%add3A_284] : memref<25600xi32, #tpu.memory_space<vmem>>[vector<16xi32>], vector<16xi32>,
      %swap3A_286 = arith.constant 0 : index
      %swap3A_287 = tpu.vector_load %arg26[%swap3A_286] {strides = array<i32>} : memref<128xi32, #tpu.memory_space<vmem>>, vector<16xi32>,
      tpu.vector_store %arg26[%swap3A_286], %gather3A_285 {strides = array<i32>} : memref<128xi32, #tpu.memory_space<vmem>>, vector<16xi32>,
      %add3A_288 = arith.constant 16 : i32
      %add3A_289 = vector.broadcast %add3A_288 : i32 to vector<16xi32>
      %add3A_290 = arith.addi %iota3A, %add3A_289 : vector<16xi32>
      %mul3A_291 = arith.constant 200 : i32
      %mul3A_292 = vector.broadcast %mul3A_291 : i32 to vector<16xi32>
      %mul3A_293 = arith.muli %add3A_290, %mul3A_292 : vector<16xi32>
      %add3A_294 = vector.broadcast %add3A_276 : i32 to vector<16xi32>
      %add3A_295 = arith.addi %mul3A_293, %add3A_294 : vector<16xi32>
      %gather3A_296 = tpu.vector_load_idx %arg17[%add3A_295] : memref<25600xi32, #tpu.memory_space<vmem>>[vector<16xi32>], vector<16xi32>,
      %swap3A_297 = arith.constant 16 : index
      %swap3A_298 = tpu.vector_load %arg26[%swap3A_297] {strides = array<i32>} : memref<128xi32, #tpu.memory_space<vmem>>, vector<16xi32>,
      tpu.vector_store %arg26[%swap3A_297], %gather3A_296 {strides = array<i32>} : memref<128xi32, #tpu.memory_space<vmem>>, vector<16xi32>,
      %add3A_299 = arith.constant 32 : i32
      %add3A_300 = vector.broadcast %add3A_299 : i32 to vector<16xi32>
      %add3A_301 = arith.addi %iota3A, %add3A_300 : vector<16xi32>
      %mul3A_302 = arith.constant 200 : i32
      %mul3A_303 = vector.broadcast %mul3A_302 : i32 to vector<16xi32>
      %mul3A_304 = arith.muli %add3A_301, %mul3A_303 : vector<16xi32>
      %add3A_305 = vector.broadcast %add3A_276 : i32 to vector<16xi32>
      %add3A_306 = arith.addi %mul3A_304, %add3A_305 : vector<16xi32>
      %gather3A_307 = tpu.vector_load_idx %arg17[%add3A_306] : memref<25600xi32, #tpu.memory_space<vmem>>[vector<16xi32>], vector<16xi32>,
      %swap3A_308 = arith.constant 32 : index
      %swap3A_309 = tpu.vector_load %arg26[%swap3A_308] {strides = array<i32>} : memref<128xi32, #tpu.memory_space<vmem>>, vector<16xi32>,
      tpu.vector_store %arg26[%swap3A_308], %gather3A_307 {strides = array<i32>} : memref<128xi32, #tpu.memory_space<vmem>>, vector<16xi32>,
      %add3A_310 = arith.constant 48 : i32
      %add3A_311 = vector.broadcast %add3A_310 : i32 to vector<16xi32>
      %add3A_312 = arith.addi %iota3A, %add3A_311 : vector<16xi32>
      %mul3A_313 = arith.constant 200 : i32
      %mul3A_314 = vector.broadcast %mul3A_313 : i32 to vector<16xi32>
      %mul3A_315 = arith.muli %add3A_312, %mul3A_314 : vector<16xi32>
      %add3A_316 = vector.broadcast %add3A_276 : i32 to vector<16xi32>
      %add3A_317 = arith.addi %mul3A_315, %add3A_316 : vector<16xi32>
      %gather3A_318 = tpu.vector_load_idx %arg17[%add3A_317] : memref<25600xi32, #tpu.memory_space<vmem>>[vector<16xi32>], vector<16xi32>,
      %swap3A_319 = arith.constant 48 : index
      %swap3A_320 = tpu.vector_load %arg26[%swap3A_319] {strides = array<i32>} : memref<128xi32, #tpu.memory_space<vmem>>, vector<16xi32>,
      tpu.vector_store %arg26[%swap3A_319], %gather3A_318 {strides = array<i32>} : memref<128xi32, #tpu.memory_space<vmem>>, vector<16xi32>,
      %add3A_321 = arith.constant 64 : i32
      %add3A_322 = vector.broadcast %add3A_321 : i32 to vector<16xi32>
      %add3A_323 = arith.addi %iota3A, %add3A_322 : vector<16xi32>
      %mul3A_324 = arith.constant 200 : i32
      %mul3A_325 = vector.broadcast %mul3A_324 : i32 to vector<16xi32>
      %mul3A_326 = arith.muli %add3A_323, %mul3A_325 : vector<16xi32>
      %add3A_327 = vector.broadcast %add3A_276 : i32 to vector<16xi32>
      %add3A_328 = arith.addi %mul3A_326, %add3A_327 : vector<16xi32>
      %gather3A_329 = tpu.vector_load_idx %arg17[%add3A_328] : memref<25600xi32, #tpu.memory_space<vmem>>[vector<16xi32>], vector<16xi32>,
      %swap3A_330 = arith.constant 64 : index
      %swap3A_331 = tpu.vector_load %arg26[%swap3A_330] {strides = array<i32>} : memref<128xi32, #tpu.memory_space<vmem>>, vector<16xi32>,
      tpu.vector_store %arg26[%swap3A_330], %gather3A_329 {strides = array<i32>} : memref<128xi32, #tpu.memory_space<vmem>>, vector<16xi32>,
      %add3A_332 = arith.constant 80 : i32
      %add3A_333 = vector.broadcast %add3A_332 : i32 to vector<16xi32>
      %add3A_334 = arith.addi %iota3A, %add3A_333 : vector<16xi32>
      %mul3A_335 = arith.constant 200 : i32
      %mul3A_336 = vector.broadcast %mul3A_335 : i32 to vector<16xi32>
      %mul3A_337 = arith.muli %add3A_334, %mul3A_336 : vector<16xi32>
      %add3A_338 = vector.broadcast %add3A_276 : i32 to vector<16xi32>
      %add3A_339 = arith.addi %mul3A_337, %add3A_338 : vector<16xi32>
      %gather3A_340 = tpu.vector_load_idx %arg17[%add3A_339] : memref<25600xi32, #tpu.memory_space<vmem>>[vector<16xi32>], vector<16xi32>,
      %swap3A_341 = arith.constant 80 : index
      %swap3A_342 = tpu.vector_load %arg26[%swap3A_341] {strides = array<i32>} : memref<128xi32, #tpu.memory_space<vmem>>, vector<16xi32>,
      tpu.vector_store %arg26[%swap3A_341], %gather3A_340 {strides = array<i32>} : memref<128xi32, #tpu.memory_space<vmem>>, vector<16xi32>,
      %add3A_343 = arith.constant 96 : i32
      %add3A_344 = vector.broadcast %add3A_343 : i32 to vector<16xi32>
      %add3A_345 = arith.addi %iota3A, %add3A_344 : vector<16xi32>
      %mul3A_346 = arith.constant 200 : i32
      %mul3A_347 = vector.broadcast %mul3A_346 : i32 to vector<16xi32>
      %mul3A_348 = arith.muli %add3A_345, %mul3A_347 : vector<16xi32>
      %add3A_349 = vector.broadcast %add3A_276 : i32 to vector<16xi32>
      %add3A_350 = arith.addi %mul3A_348, %add3A_349 : vector<16xi32>
      %gather3A_351 = tpu.vector_load_idx %arg17[%add3A_350] : memref<25600xi32, #tpu.memory_space<vmem>>[vector<16xi32>], vector<16xi32>,
      %swap3A_352 = arith.constant 96 : index
      %swap3A_353 = tpu.vector_load %arg26[%swap3A_352] {strides = array<i32>} : memref<128xi32, #tpu.memory_space<vmem>>, vector<16xi32>,
      tpu.vector_store %arg26[%swap3A_352], %gather3A_351 {strides = array<i32>} : memref<128xi32, #tpu.memory_space<vmem>>, vector<16xi32>,
      %add3A_354 = arith.constant 112 : i32
      %add3A_355 = vector.broadcast %add3A_354 : i32 to vector<16xi32>
      %add3A_356 = arith.addi %iota3A, %add3A_355 : vector<16xi32>
      %mul3A_357 = arith.constant 200 : i32
      %mul3A_358 = vector.broadcast %mul3A_357 : i32 to vector<16xi32>
      %mul3A_359 = arith.muli %add3A_356, %mul3A_358 : vector<16xi32>
      %add3A_360 = vector.broadcast %add3A_276 : i32 to vector<16xi32>
      %add3A_361 = arith.addi %mul3A_359, %add3A_360 : vector<16xi32>
      %gather3A_362 = tpu.vector_load_idx %arg17[%add3A_361] : memref<25600xi32, #tpu.memory_space<vmem>>[vector<16xi32>], vector<16xi32>,
      %swap3A_363 = arith.constant 112 : index
      %swap3A_364 = tpu.vector_load %arg26[%swap3A_363] {strides = array<i32>} : memref<128xi32, #tpu.memory_space<vmem>>, vector<16xi32>,
      tpu.vector_store %arg26[%swap3A_363], %gather3A_362 {strides = array<i32>} : memref<128xi32, #tpu.memory_space<vmem>>, vector<16xi32>,
      %dma_start3A_365 = arith.constant 0 : i32
      %dma_start3A_366 = arith.constant 0 : i32
      %dma_start3A_367 = tpu.memref_slice %arg2[%dma_start3A_365, %dma_start3A_366] : memref<1000000x32xf32, #tpu.memory_space<hbm>> -> memref<1000000x32xf32, #tpu.memory_space<hbm>>
      tpu.enqueue_indirect_dma source(%dma_start3A_367 : memref<1000000x32xf32, #tpu.memory_space<hbm>>) target(%arg27 : memref<128x32xf32, #tpu.memory_space<vmem>>) offsets(%arg26 : memref<128xi32, #tpu.memory_space<vmem>>) semaphore(%arg37 : memref<!tpu.dma_semaphore, #tpu.memory_space<semaphore_mem>>)
      %add3A_368 = arith.constant 0 : i32
      %add3A_369 = vector.broadcast %add3A_368 : i32 to vector<16xi32>
      %add3A_370 = arith.addi %iota3A, %add3A_369 : vector<16xi32>
      %mul3A_371 = arith.constant 200 : i32
      %mul3A_372 = vector.broadcast %mul3A_371 : i32 to vector<16xi32>
      %mul3A_373 = arith.muli %add3A_370, %mul3A_372 : vector<16xi32>
      %add3A_374 = vector.broadcast %mul3A_274 : i32 to vector<16xi32>
      %add3A_375 = arith.addi %mul3A_373, %add3A_374 : vector<16xi32>
      %get3A_376 = arith.constant 0 : index
      %get3A_377 = tpu.vector_load %arg24[%get3A_376] {strides = array<i32>} : memref<128xi32, #tpu.memory_space<vmem>>, vector<16xi32>,
      %swap3A_378 = arith.index_cast %mul3A_274 : i32 to index
      %swap3A_379 = arith.constant 0 : index
      %swap3A_380 = tpu.vector_load %arg20[%swap3A_378, %swap3A_379] {strides = array<i32>} : memref<200x128xi32, #tpu.memory_space<vmem>>, vector<16xi32>,
      tpu.vector_store %arg20[%swap3A_378, %swap3A_379], %get3A_377 {strides = array<i32>} : memref<200x128xi32, #tpu.memory_space<vmem>>, vector<16xi32>,
      %gather3A_381 = tpu.vector_load_idx %arg18[%add3A_375] : memref<25600xi32, #tpu.memory_space<vmem>>[vector<16xi32>], vector<16xi32>,
      %gather3A_382 = tpu.vector_load_idx %arg22[%gather3A_381] : memref<208xf32, #tpu.memory_space<vmem>>[vector<16xi32>], vector<16xf32>,
      %swap3A_383 = arith.index_cast %mul3A_274 : i32 to index
      %swap3A_384 = arith.constant 0 : index
      %swap3A_385 = tpu.vector_load %arg19[%swap3A_383, %swap3A_384] {strides = array<i32>} : memref<200x128xf32, #tpu.memory_space<vmem>>, vector<16xf32>,
      tpu.vector_store %arg19[%swap3A_383, %swap3A_384], %gather3A_382 {strides = array<i32>} : memref<200x128xf32, #tpu.memory_space<vmem>>, vector<16xf32>,
      %add3A_386 = arith.constant 16 : i32
      %add3A_387 = vector.broadcast %add3A_386 : i32 to vector<16xi32>
      %add3A_388 = arith.addi %iota3A, %add3A_387 : vector<16xi32>
      %mul3A_389 = arith.constant 200 : i32
      %mul3A_390 = vector.broadcast %mul3A_389 : i32 to vector<16xi32>
      %mul3A_391 = arith.muli %add3A_388, %mul3A_390 : vector<16xi32>
      %add3A_392 = vector.broadcast %mul3A_274 : i32 to vector<16xi32>
      %add3A_393 = arith.addi %mul3A_391, %add3A_392 : vector<16xi32>
      %get3A_394 = arith.constant 16 : index
      %get3A_395 = tpu.vector_load %arg24[%get3A_394] {strides = array<i32>} : memref<128xi32, #tpu.memory_space<vmem>>, vector<16xi32>,
      %swap3A_396 = arith.index_cast %mul3A_274 : i32 to index
      %swap3A_397 = arith.constant 16 : index
      %swap3A_398 = tpu.vector_load %arg20[%swap3A_396, %swap3A_397] {strides = array<i32>} : memref<200x128xi32, #tpu.memory_space<vmem>>, vector<16xi32>,
      tpu.vector_store %arg20[%swap3A_396, %swap3A_397], %get3A_395 {strides = array<i32>} : memref<200x128xi32, #tpu.memory_space<vmem>>, vector<16xi32>,
      %gather3A_399 = tpu.vector_load_idx %arg18[%add3A_393] : memref<25600xi32, #tpu.memory_space<vmem>>[vector<16xi32>], vector<16xi32>,
      %gather3A_400 = tpu.vector_load_idx %arg22[%gather3A_399] : memref<208xf32, #tpu.memory_space<vmem>>[vector<16xi32>], vector<16xf32>,
      %swap3A_401 = arith.index_cast %mul3A_274 : i32 to index
      %swap3A_402 = arith.constant 16 : index
      %swap3A_403 = tpu.vector_load %arg19[%swap3A_401, %swap3A_402] {strides = array<i32>} : memref<200x128xf32, #tpu.memory_space<vmem>>, vector<16xf32>,
      tpu.vector_store %arg19[%swap3A_401, %swap3A_402], %gather3A_400 {strides = array<i32>} : memref<200x128xf32, #tpu.memory_space<vmem>>, vector<16xf32>,
      %add3A_404 = arith.constant 32 : i32
      %add3A_405 = vector.broadcast %add3A_404 : i32 to vector<16xi32>
      %add3A_406 = arith.addi %iota3A, %add3A_405 : vector<16xi32>
      %mul3A_407 = arith.constant 200 : i32
      %mul3A_408 = vector.broadcast %mul3A_407 : i32 to vector<16xi32>
      %mul3A_409 = arith.muli %add3A_406, %mul3A_408 : vector<16xi32>
      %add3A_410 = vector.broadcast %mul3A_274 : i32 to vector<16xi32>
      %add3A_411 = arith.addi %mul3A_409, %add3A_410 : vector<16xi32>
      %get3A_412 = arith.constant 32 : index
      %get3A_413 = tpu.vector_load %arg24[%get3A_412] {strides = array<i32>} : memref<128xi32, #tpu.memory_space<vmem>>, vector<16xi32>,
      %swap3A_414 = arith.index_cast %mul3A_274 : i32 to index
      %swap3A_415 = arith.constant 32 : index
      %swap3A_416 = tpu.vector_load %arg20[%swap3A_414, %swap3A_415] {strides = array<i32>} : memref<200x128xi32, #tpu.memory_space<vmem>>, vector<16xi32>,
      tpu.vector_store %arg20[%swap3A_414, %swap3A_415], %get3A_413 {strides = array<i32>} : memref<200x128xi32, #tpu.memory_space<vmem>>, vector<16xi32>,
      %gather3A_417 = tpu.vector_load_idx %arg18[%add3A_411] : memref<25600xi32, #tpu.memory_space<vmem>>[vector<16xi32>], vector<16xi32>,
      %gather3A_418 = tpu.vector_load_idx %arg22[%gather3A_417] : memref<208xf32, #tpu.memory_space<vmem>>[vector<16xi32>], vector<16xf32>,
      %swap3A_419 = arith.index_cast %mul3A_274 : i32 to index
      %swap3A_420 = arith.constant 32 : index
      %swap3A_421 = tpu.vector_load %arg19[%swap3A_419, %swap3A_420] {strides = array<i32>} : memref<200x128xf32, #tpu.memory_space<vmem>>, vector<16xf32>,
      tpu.vector_store %arg19[%swap3A_419, %swap3A_420], %gather3A_418 {strides = array<i32>} : memref<200x128xf32, #tpu.memory_space<vmem>>, vector<16xf32>,
      %add3A_422 = arith.constant 48 : i32
      %add3A_423 = vector.broadcast %add3A_422 : i32 to vector<16xi32>
      %add3A_424 = arith.addi %iota3A, %add3A_423 : vector<16xi32>
      %mul3A_425 = arith.constant 200 : i32
      %mul3A_426 = vector.broadcast %mul3A_425 : i32 to vector<16xi32>
      %mul3A_427 = arith.muli %add3A_424, %mul3A_426 : vector<16xi32>
      %add3A_428 = vector.broadcast %mul3A_274 : i32 to vector<16xi32>
      %add3A_429 = arith.addi %mul3A_427, %add3A_428 : vector<16xi32>
      %get3A_430 = arith.constant 48 : index
      %get3A_431 = tpu.vector_load %arg24[%get3A_430] {strides = array<i32>} : memref<128xi32, #tpu.memory_space<vmem>>, vector<16xi32>,
      %swap3A_432 = arith.index_cast %mul3A_274 : i32 to index
      %swap3A_433 = arith.constant 48 : index
      %swap3A_434 = tpu.vector_load %arg20[%swap3A_432, %swap3A_433] {strides = array<i32>} : memref<200x128xi32, #tpu.memory_space<vmem>>, vector<16xi32>,
      tpu.vector_store %arg20[%swap3A_432, %swap3A_433], %get3A_431 {strides = array<i32>} : memref<200x128xi32, #tpu.memory_space<vmem>>, vector<16xi32>,
      %gather3A_435 = tpu.vector_load_idx %arg18[%add3A_429] : memref<25600xi32, #tpu.memory_space<vmem>>[vector<16xi32>], vector<16xi32>,
      %gather3A_436 = tpu.vector_load_idx %arg22[%gather3A_435] : memref<208xf32, #tpu.memory_space<vmem>>[vector<16xi32>], vector<16xf32>,
      %swap3A_437 = arith.index_cast %mul3A_274 : i32 to index
      %swap3A_438 = arith.constant 48 : index
      %swap3A_439 = tpu.vector_load %arg19[%swap3A_437, %swap3A_438] {strides = array<i32>} : memref<200x128xf32, #tpu.memory_space<vmem>>, vector<16xf32>,
      tpu.vector_store %arg19[%swap3A_437, %swap3A_438], %gather3A_436 {strides = array<i32>} : memref<200x128xf32, #tpu.memory_space<vmem>>, vector<16xf32>,
      %add3A_440 = arith.constant 64 : i32
      %add3A_441 = vector.broadcast %add3A_440 : i32 to vector<16xi32>
      %add3A_442 = arith.addi %iota3A, %add3A_441 : vector<16xi32>
      %mul3A_443 = arith.constant 200 : i32
      %mul3A_444 = vector.broadcast %mul3A_443 : i32 to vector<16xi32>
      %mul3A_445 = arith.muli %add3A_442, %mul3A_444 : vector<16xi32>
      %add3A_446 = vector.broadcast %mul3A_274 : i32 to vector<16xi32>
      %add3A_447 = arith.addi %mul3A_445, %add3A_446 : vector<16xi32>
      %get3A_448 = arith.constant 64 : index
      %get3A_449 = tpu.vector_load %arg24[%get3A_448] {strides = array<i32>} : memref<128xi32, #tpu.memory_space<vmem>>, vector<16xi32>,
      %swap3A_450 = arith.index_cast %mul3A_274 : i32 to index
      %swap3A_451 = arith.constant 64 : index
      %swap3A_452 = tpu.vector_load %arg20[%swap3A_450, %swap3A_451] {strides = array<i32>} : memref<200x128xi32, #tpu.memory_space<vmem>>, vector<16xi32>,
      tpu.vector_store %arg20[%swap3A_450, %swap3A_451], %get3A_449 {strides = array<i32>} : memref<200x128xi32, #tpu.memory_space<vmem>>, vector<16xi32>,
      %gather3A_453 = tpu.vector_load_idx %arg18[%add3A_447] : memref<25600xi32, #tpu.memory_space<vmem>>[vector<16xi32>], vector<16xi32>,
      %gather3A_454 = tpu.vector_load_idx %arg22[%gather3A_453] : memref<208xf32, #tpu.memory_space<vmem>>[vector<16xi32>], vector<16xf32>,
      %swap3A_455 = arith.index_cast %mul3A_274 : i32 to index
      %swap3A_456 = arith.constant 64 : index
      %swap3A_457 = tpu.vector_load %arg19[%swap3A_455, %swap3A_456] {strides = array<i32>} : memref<200x128xf32, #tpu.memory_space<vmem>>, vector<16xf32>,
      tpu.vector_store %arg19[%swap3A_455, %swap3A_456], %gather3A_454 {strides = array<i32>} : memref<200x128xf32, #tpu.memory_space<vmem>>, vector<16xf32>,
      %add3A_458 = arith.constant 80 : i32
      %add3A_459 = vector.broadcast %add3A_458 : i32 to vector<16xi32>
      %add3A_460 = arith.addi %iota3A, %add3A_459 : vector<16xi32>
      %mul3A_461 = arith.constant 200 : i32
      %mul3A_462 = vector.broadcast %mul3A_461 : i32 to vector<16xi32>
      %mul3A_463 = arith.muli %add3A_460, %mul3A_462 : vector<16xi32>
      %add3A_464 = vector.broadcast %mul3A_274 : i32 to vector<16xi32>
      %add3A_465 = arith.addi %mul3A_463, %add3A_464 : vector<16xi32>
      %get3A_466 = arith.constant 80 : index
      %get3A_467 = tpu.vector_load %arg24[%get3A_466] {strides = array<i32>} : memref<128xi32, #tpu.memory_space<vmem>>, vector<16xi32>,
      %swap3A_468 = arith.index_cast %mul3A_274 : i32 to index
      %swap3A_469 = arith.constant 80 : index
      %swap3A_470 = tpu.vector_load %arg20[%swap3A_468, %swap3A_469] {strides = array<i32>} : memref<200x128xi32, #tpu.memory_space<vmem>>, vector<16xi32>,
      tpu.vector_store %arg20[%swap3A_468, %swap3A_469], %get3A_467 {strides = array<i32>} : memref<200x128xi32, #tpu.memory_space<vmem>>, vector<16xi32>,
      %gather3A_471 = tpu.vector_load_idx %arg18[%add3A_465] : memref<25600xi32, #tpu.memory_space<vmem>>[vector<16xi32>], vector<16xi32>,
      %gather3A_472 = tpu.vector_load_idx %arg22[%gather3A_471] : memref<208xf32, #tpu.memory_space<vmem>>[vector<16xi32>], vector<16xf32>,
      %swap3A_473 = arith.index_cast %mul3A_274 : i32 to index
      %swap3A_474 = arith.constant 80 : index
      %swap3A_475 = tpu.vector_load %arg19[%swap3A_473, %swap3A_474] {strides = array<i32>} : memref<200x128xf32, #tpu.memory_space<vmem>>, vector<16xf32>,
      tpu.vector_store %arg19[%swap3A_473, %swap3A_474], %gather3A_472 {strides = array<i32>} : memref<200x128xf32, #tpu.memory_space<vmem>>, vector<16xf32>,
      %add3A_476 = arith.constant 96 : i32
      %add3A_477 = vector.broadcast %add3A_476 : i32 to vector<16xi32>
      %add3A_478 = arith.addi %iota3A, %add3A_477 : vector<16xi32>
      %mul3A_479 = arith.constant 200 : i32
      %mul3A_480 = vector.broadcast %mul3A_479 : i32 to vector<16xi32>
      %mul3A_481 = arith.muli %add3A_478, %mul3A_480 : vector<16xi32>
      %add3A_482 = vector.broadcast %mul3A_274 : i32 to vector<16xi32>
      %add3A_483 = arith.addi %mul3A_481, %add3A_482 : vector<16xi32>
      %get3A_484 = arith.constant 96 : index
      %get3A_485 = tpu.vector_load %arg24[%get3A_484] {strides = array<i32>} : memref<128xi32, #tpu.memory_space<vmem>>, vector<16xi32>,
      %swap3A_486 = arith.index_cast %mul3A_274 : i32 to index
      %swap3A_487 = arith.constant 96 : index
      %swap3A_488 = tpu.vector_load %arg20[%swap3A_486, %swap3A_487] {strides = array<i32>} : memref<200x128xi32, #tpu.memory_space<vmem>>, vector<16xi32>,
      tpu.vector_store %arg20[%swap3A_486, %swap3A_487], %get3A_485 {strides = array<i32>} : memref<200x128xi32, #tpu.memory_space<vmem>>, vector<16xi32>,
      %gather3A_489 = tpu.vector_load_idx %arg18[%add3A_483] : memref<25600xi32, #tpu.memory_space<vmem>>[vector<16xi32>], vector<16xi32>,
      %gather3A_490 = tpu.vector_load_idx %arg22[%gather3A_489] : memref<208xf32, #tpu.memory_space<vmem>>[vector<16xi32>], vector<16xf32>,
      %swap3A_491 = arith.index_cast %mul3A_274 : i32 to index
      %swap3A_492 = arith.constant 96 : index
      %swap3A_493 = tpu.vector_load %arg19[%swap3A_491, %swap3A_492] {strides = array<i32>} : memref<200x128xf32, #tpu.memory_space<vmem>>, vector<16xf32>,
      tpu.vector_store %arg19[%swap3A_491, %swap3A_492], %gather3A_490 {strides = array<i32>} : memref<200x128xf32, #tpu.memory_space<vmem>>, vector<16xf32>,
      %add3A_494 = arith.constant 112 : i32
      %add3A_495 = vector.broadcast %add3A_494 : i32 to vector<16xi32>
      %add3A_496 = arith.addi %iota3A, %add3A_495 : vector<16xi32>
      %mul3A_497 = arith.constant 200 : i32
      %mul3A_498 = vector.broadcast %mul3A_497 : i32 to vector<16xi32>
      %mul3A_499 = arith.muli %add3A_496, %mul3A_498 : vector<16xi32>
      %add3A_500 = vector.broadcast %mul3A_274 : i32 to vector<16xi32>
      %add3A_501 = arith.addi %mul3A_499, %add3A_500 : vector<16xi32>
      %get3A_502 = arith.constant 112 : index
      %get3A_503 = tpu.vector_load %arg24[%get3A_502] {strides = array<i32>} : memref<128xi32, #tpu.memory_space<vmem>>, vector<16xi32>,
      %swap3A_504 = arith.index_cast %mul3A_274 : i32 to index
      %swap3A_505 = arith.constant 112 : index
      %swap3A_506 = tpu.vector_load %arg20[%swap3A_504, %swap3A_505] {strides = array<i32>} : memref<200x128xi32, #tpu.memory_space<vmem>>, vector<16xi32>,
      tpu.vector_store %arg20[%swap3A_504, %swap3A_505], %get3A_503 {strides = array<i32>} : memref<200x128xi32, #tpu.memory_space<vmem>>, vector<16xi32>,
      %gather3A_507 = tpu.vector_load_idx %arg18[%add3A_501] : memref<25600xi32, #tpu.memory_space<vmem>>[vector<16xi32>], vector<16xi32>,
      %gather3A_508 = tpu.vector_load_idx %arg22[%gather3A_507] : memref<208xf32, #tpu.memory_space<vmem>>[vector<16xi32>], vector<16xf32>,
      %swap3A_509 = arith.index_cast %mul3A_274 : i32 to index
      %swap3A_510 = arith.constant 112 : index
      %swap3A_511 = tpu.vector_load %arg19[%swap3A_509, %swap3A_510] {strides = array<i32>} : memref<200x128xf32, #tpu.memory_space<vmem>>, vector<16xf32>,
      tpu.vector_store %arg19[%swap3A_509, %swap3A_510], %gather3A_508 {strides = array<i32>} : memref<200x128xf32, #tpu.memory_space<vmem>>, vector<16xf32>,
      %dma_wait3A_512 = arith.constant 0 : i32
      %dma_wait3A_513 = arith.constant 0 : i32
      %dma_wait3A_514 = tpu.memref_slice %arg2[%dma_wait3A_512, %dma_wait3A_513] : memref<1000000x32xf32, #tpu.memory_space<hbm>> -> memref<1000000x32xf32, #tpu.memory_space<hbm>>
      tpu.wait_indirect_dma semaphore(%arg35 : memref<!tpu.dma_semaphore, #tpu.memory_space<semaphore_mem>>) src(%dma_wait3A_514 : memref<1000000x32xf32, #tpu.memory_space<hbm>>) dst(%arg25 : memref<128x32xf32, #tpu.memory_space<vmem>>)
      %scan3A_515 = arith.constant 0 : i32
      %scan3A_516 = arith.constant 0 : i32
      %scan3A_517 = arith.constant 32 : i32
      %scan3A_518 = arith.addi %scan3A_516, %scan3A_517 : i32
      %scan3A_519 = arith.constant 1 : i32
      %scan3A_520 = scf.for %scan3A_685 = %scan3A_516 to %scan3A_518 step %scan3A_519 iter_args(%scan3A_686 = %scan3A_515) -> (i32)  : i32 {
        %add3A_687 = vector.broadcast %scan3A_685 : i32 to vector<16xi32>
        %add3A_688 = arith.addi %iota3A, %add3A_687 : vector<16xi32>
        %and3A = arith.constant 31 : i32
        %and3A_689 = vector.broadcast %and3A : i32 to vector<16xi32>
        %and3A_690 = arith.andi %add3A_688, %and3A_689 : vector<16xi32>
        %add3A_691 = arith.constant 0 : i32
        %add3A_692 = vector.broadcast %add3A_691 : i32 to vector<16xi32>
        %add3A_693 = arith.addi %iota3A, %add3A_692 : vector<16xi32>
        %gather3A_694 = tpu.vector_load_idx %arg25[%add3A_693, %and3A_690] : memref<128x32xf32, #tpu.memory_space<vmem>>[vector<16xi32>, vector<16xi32>], vector<16xf32>,
        tpu.vector_store_idx %arg28[%and3A_690, %add3A_693], %gather3A_694 : memref<32x128xf32, #tpu.memory_space<vmem>>[vector<16xi32>, vector<16xi32>], vector<16xf32>,
        %add3A_695 = arith.constant 16 : i32
        %add3A_696 = vector.broadcast %add3A_695 : i32 to vector<16xi32>
        %add3A_697 = arith.addi %iota3A, %add3A_696 : vector<16xi32>
        %gather3A_698 = tpu.vector_load_idx %arg25[%add3A_697, %and3A_690] : memref<128x32xf32, #tpu.memory_space<vmem>>[vector<16xi32>, vector<16xi32>], vector<16xf32>,
        tpu.vector_store_idx %arg28[%and3A_690, %add3A_697], %gather3A_698 : memref<32x128xf32, #tpu.memory_space<vmem>>[vector<16xi32>, vector<16xi32>], vector<16xf32>,
        %add3A_699 = arith.constant 32 : i32
        %add3A_700 = vector.broadcast %add3A_699 : i32 to vector<16xi32>
        %add3A_701 = arith.addi %iota3A, %add3A_700 : vector<16xi32>
        %gather3A_702 = tpu.vector_load_idx %arg25[%add3A_701, %and3A_690] : memref<128x32xf32, #tpu.memory_space<vmem>>[vector<16xi32>, vector<16xi32>], vector<16xf32>,
        tpu.vector_store_idx %arg28[%and3A_690, %add3A_701], %gather3A_702 : memref<32x128xf32, #tpu.memory_space<vmem>>[vector<16xi32>, vector<16xi32>], vector<16xf32>,
        %add3A_703 = arith.constant 48 : i32
        %add3A_704 = vector.broadcast %add3A_703 : i32 to vector<16xi32>
        %add3A_705 = arith.addi %iota3A, %add3A_704 : vector<16xi32>
        %gather3A_706 = tpu.vector_load_idx %arg25[%add3A_705, %and3A_690] : memref<128x32xf32, #tpu.memory_space<vmem>>[vector<16xi32>, vector<16xi32>], vector<16xf32>,
        tpu.vector_store_idx %arg28[%and3A_690, %add3A_705], %gather3A_706 : memref<32x128xf32, #tpu.memory_space<vmem>>[vector<16xi32>, vector<16xi32>], vector<16xf32>,
        %add3A_707 = arith.constant 64 : i32
        %add3A_708 = vector.broadcast %add3A_707 : i32 to vector<16xi32>
        %add3A_709 = arith.addi %iota3A, %add3A_708 : vector<16xi32>
        %gather3A_710 = tpu.vector_load_idx %arg25[%add3A_709, %and3A_690] : memref<128x32xf32, #tpu.memory_space<vmem>>[vector<16xi32>, vector<16xi32>], vector<16xf32>,
        tpu.vector_store_idx %arg28[%and3A_690, %add3A_709], %gather3A_710 : memref<32x128xf32, #tpu.memory_space<vmem>>[vector<16xi32>, vector<16xi32>], vector<16xf32>,
        %add3A_711 = arith.constant 80 : i32
        %add3A_712 = vector.broadcast %add3A_711 : i32 to vector<16xi32>
        %add3A_713 = arith.addi %iota3A, %add3A_712 : vector<16xi32>
        %gather3A_714 = tpu.vector_load_idx %arg25[%add3A_713, %and3A_690] : memref<128x32xf32, #tpu.memory_space<vmem>>[vector<16xi32>, vector<16xi32>], vector<16xf32>,
        tpu.vector_store_idx %arg28[%and3A_690, %add3A_713], %gather3A_714 : memref<32x128xf32, #tpu.memory_space<vmem>>[vector<16xi32>, vector<16xi32>], vector<16xf32>,
        %add3A_715 = arith.constant 96 : i32
        %add3A_716 = vector.broadcast %add3A_715 : i32 to vector<16xi32>
        %add3A_717 = arith.addi %iota3A, %add3A_716 : vector<16xi32>
        %gather3A_718 = tpu.vector_load_idx %arg25[%add3A_717, %and3A_690] : memref<128x32xf32, #tpu.memory_space<vmem>>[vector<16xi32>, vector<16xi32>], vector<16xf32>,
        tpu.vector_store_idx %arg28[%and3A_690, %add3A_717], %gather3A_718 : memref<32x128xf32, #tpu.memory_space<vmem>>[vector<16xi32>, vector<16xi32>], vector<16xf32>,
        %add3A_719 = arith.constant 112 : i32
        %add3A_720 = vector.broadcast %add3A_719 : i32 to vector<16xi32>
        %add3A_721 = arith.addi %iota3A, %add3A_720 : vector<16xi32>
        %gather3A_722 = tpu.vector_load_idx %arg25[%add3A_721, %and3A_690] : memref<128x32xf32, #tpu.memory_space<vmem>>[vector<16xi32>, vector<16xi32>], vector<16xf32>,
        tpu.vector_store_idx %arg28[%and3A_690, %add3A_721], %gather3A_722 : memref<32x128xf32, #tpu.memory_space<vmem>>[vector<16xi32>, vector<16xi32>], vector<16xf32>,
        %scan3A_723 = arith.constant 0 : i32
        scf.yield %scan3A_723 : i32
      }
      %scan3A_521 = arith.constant 32 : i32
      "tpu.region"() ({
        %run_scoped3A_685 = tpu.sem_alloc : memref<!tpu.dma_semaphore, #tpu.memory_space<semaphore_mem>>
        %dma_start3A_686 = arith.constant 0 : i32
        %dma_start3A_687 = arith.constant 0 : i32
        %dma_start3A_688 = tpu.memref_slice %arg10[%add3A, %mul3A_274, %dma_start3A_686, %dma_start3A_687] : memref<32x200x32x128xf32, #tpu.memory_space<hbm>> -> memref<1x1x32x128xf32, #tpu.memory_space<hbm>>
        %dma_start3A_689 = tpu.memref_squeeze %dma_start3A_688 : memref<1x1x32x128xf32, #tpu.memory_space<hbm>> -> memref<32x128xf32, #tpu.memory_space<hbm>>
        %dma_start3A_690 = arith.constant 0 : i32
        %dma_start3A_691 = arith.constant 0 : i32
        %dma_start3A_692 = tpu.memref_slice %arg10[%add3A, %mul3A_274, %dma_start3A_690, %dma_start3A_691] : memref<32x200x32x128xf32, #tpu.memory_space<hbm>> -> memref<1x1x32x128xf32, #tpu.memory_space<hbm>>
        %dma_start3A_693 = tpu.memref_squeeze %dma_start3A_692 : memref<1x1x32x128xf32, #tpu.memory_space<hbm>> -> memref<32x128xf32, #tpu.memory_space<hbm>>
        tpu.enqueue_dma source(%arg28 : memref<32x128xf32, #tpu.memory_space<vmem>>) target(%dma_start3A_693 : memref<32x128xf32, #tpu.memory_space<hbm>>) target_semaphore(%run_scoped3A_685 : memref<!tpu.dma_semaphore, #tpu.memory_space<semaphore_mem>>)
        %dma_wait3A_694 = arith.constant 0 : i32
        %dma_wait3A_695 = arith.constant 0 : i32
        %dma_wait3A_696 = tpu.memref_slice %arg10[%add3A, %mul3A_274, %dma_wait3A_694, %dma_wait3A_695] : memref<32x200x32x128xf32, #tpu.memory_space<hbm>> -> memref<1x1x32x128xf32, #tpu.memory_space<hbm>>
        %dma_wait3A_697 = tpu.memref_squeeze %dma_wait3A_696 : memref<1x1x32x128xf32, #tpu.memory_space<hbm>> -> memref<32x128xf32, #tpu.memory_space<hbm>>
        %dma_wait3A_698 = arith.constant 0 : i32
        %dma_wait3A_699 = arith.constant 0 : i32
        %dma_wait3A_700 = tpu.memref_slice %arg10[%add3A, %mul3A_274, %dma_wait3A_698, %dma_wait3A_699] : memref<32x200x32x128xf32, #tpu.memory_space<hbm>> -> memref<1x1x32x128xf32, #tpu.memory_space<hbm>>
        %dma_wait3A_701 = tpu.memref_squeeze %dma_wait3A_700 : memref<1x1x32x128xf32, #tpu.memory_space<hbm>> -> memref<32x128xf32, #tpu.memory_space<hbm>>
        tpu.wait_dma2 semaphore(%run_scoped3A_685 : memref<!tpu.dma_semaphore, #tpu.memory_space<semaphore_mem>>) src(%arg28 : memref<32x128xf32, #tpu.memory_space<vmem>>) dst(%dma_wait3A_701 : memref<32x128xf32, #tpu.memory_space<hbm>>)
        tpu.yield
      }) : () -> ()
      %lt3A = arith.constant 99 : i32
      %lt3A_522 = arith.cmpi slt, %scan3A_271, %lt3A : i32
      %convert_element_type3A_523 = arith.extui %lt3A_522 : i1 to i32
      %cond3A_524 = arith.constant 0 : i32
      %cond3A_525 = arith.cmpi ne, %convert_element_type3A_523, %cond3A_524 : i32
      scf.if %cond3A_525 {
        %add3A_685 = arith.constant 2 : i32
        %add3A_686 = arith.addi %mul3A_274, %add3A_685 : i32
        %add3A_687 = arith.constant 0 : i32
        %add3A_688 = vector.broadcast %add3A_687 : i32 to vector<16xi32>
        %add3A_689 = arith.addi %iota3A, %add3A_688 : vector<16xi32>
        %mul3A_690 = arith.constant 200 : i32
        %mul3A_691 = vector.broadcast %mul3A_690 : i32 to vector<16xi32>
        %mul3A_692 = arith.muli %add3A_689, %mul3A_691 : vector<16xi32>
        %add3A_693 = vector.broadcast %add3A_686 : i32 to vector<16xi32>
        %add3A_694 = arith.addi %mul3A_692, %add3A_693 : vector<16xi32>
        %gather3A_695 = tpu.vector_load_idx %arg17[%add3A_694] : memref<25600xi32, #tpu.memory_space<vmem>>[vector<16xi32>], vector<16xi32>,
        %swap3A_696 = arith.constant 0 : index
        %swap3A_697 = tpu.vector_load %arg24[%swap3A_696] {strides = array<i32>} : memref<128xi32, #tpu.memory_space<vmem>>, vector<16xi32>,
        tpu.vector_store %arg24[%swap3A_696], %gather3A_695 {strides = array<i32>} : memref<128xi32, #tpu.memory_space<vmem>>, vector<16xi32>,
        %add3A_698 = arith.constant 16 : i32
        %add3A_699 = vector.broadcast %add3A_698 : i32 to vector<16xi32>
        %add3A_700 = arith.addi %iota3A, %add3A_699 : vector<16xi32>
        %mul3A_701 = arith.constant 200 : i32
        %mul3A_702 = vector.broadcast %mul3A_701 : i32 to vector<16xi32>
        %mul3A_703 = arith.muli %add3A_700, %mul3A_702 : vector<16xi32>
        %add3A_704 = vector.broadcast %add3A_686 : i32 to vector<16xi32>
        %add3A_705 = arith.addi %mul3A_703, %add3A_704 : vector<16xi32>
        %gather3A_706 = tpu.vector_load_idx %arg17[%add3A_705] : memref<25600xi32, #tpu.memory_space<vmem>>[vector<16xi32>], vector<16xi32>,
        %swap3A_707 = arith.constant 16 : index
        %swap3A_708 = tpu.vector_load %arg24[%swap3A_707] {strides = array<i32>} : memref<128xi32, #tpu.memory_space<vmem>>, vector<16xi32>,
        tpu.vector_store %arg24[%swap3A_707], %gather3A_706 {strides = array<i32>} : memref<128xi32, #tpu.memory_space<vmem>>, vector<16xi32>,
        %add3A_709 = arith.constant 32 : i32
        %add3A_710 = vector.broadcast %add3A_709 : i32 to vector<16xi32>
        %add3A_711 = arith.addi %iota3A, %add3A_710 : vector<16xi32>
        %mul3A_712 = arith.constant 200 : i32
        %mul3A_713 = vector.broadcast %mul3A_712 : i32 to vector<16xi32>
        %mul3A_714 = arith.muli %add3A_711, %mul3A_713 : vector<16xi32>
        %add3A_715 = vector.broadcast %add3A_686 : i32 to vector<16xi32>
        %add3A_716 = arith.addi %mul3A_714, %add3A_715 : vector<16xi32>
        %gather3A_717 = tpu.vector_load_idx %arg17[%add3A_716] : memref<25600xi32, #tpu.memory_space<vmem>>[vector<16xi32>], vector<16xi32>,
        %swap3A_718 = arith.constant 32 : index
        %swap3A_719 = tpu.vector_load %arg24[%swap3A_718] {strides = array<i32>} : memref<128xi32, #tpu.memory_space<vmem>>, vector<16xi32>,
        tpu.vector_store %arg24[%swap3A_718], %gather3A_717 {strides = array<i32>} : memref<128xi32, #tpu.memory_space<vmem>>, vector<16xi32>,
        %add3A_720 = arith.constant 48 : i32
        %add3A_721 = vector.broadcast %add3A_720 : i32 to vector<16xi32>
        %add3A_722 = arith.addi %iota3A, %add3A_721 : vector<16xi32>
        %mul3A_723 = arith.constant 200 : i32
        %mul3A_724 = vector.broadcast %mul3A_723 : i32 to vector<16xi32>
        %mul3A_725 = arith.muli %add3A_722, %mul3A_724 : vector<16xi32>
        %add3A_726 = vector.broadcast %add3A_686 : i32 to vector<16xi32>
        %add3A_727 = arith.addi %mul3A_725, %add3A_726 : vector<16xi32>
        %gather3A_728 = tpu.vector_load_idx %arg17[%add3A_727] : memref<25600xi32, #tpu.memory_space<vmem>>[vector<16xi32>], vector<16xi32>,
        %swap3A_729 = arith.constant 48 : index
        %swap3A_730 = tpu.vector_load %arg24[%swap3A_729] {strides = array<i32>} : memref<128xi32, #tpu.memory_space<vmem>>, vector<16xi32>,
        tpu.vector_store %arg24[%swap3A_729], %gather3A_728 {strides = array<i32>} : memref<128xi32, #tpu.memory_space<vmem>>, vector<16xi32>,
        %add3A_731 = arith.constant 64 : i32
        %add3A_732 = vector.broadcast %add3A_731 : i32 to vector<16xi32>
        %add3A_733 = arith.addi %iota3A, %add3A_732 : vector<16xi32>
        %mul3A_734 = arith.constant 200 : i32
        %mul3A_735 = vector.broadcast %mul3A_734 : i32 to vector<16xi32>
        %mul3A_736 = arith.muli %add3A_733, %mul3A_735 : vector<16xi32>
        %add3A_737 = vector.broadcast %add3A_686 : i32 to vector<16xi32>
        %add3A_738 = arith.addi %mul3A_736, %add3A_737 : vector<16xi32>
        %gather3A_739 = tpu.vector_load_idx %arg17[%add3A_738] : memref<25600xi32, #tpu.memory_space<vmem>>[vector<16xi32>], vector<16xi32>,
        %swap3A_740 = arith.constant 64 : index
        %swap3A_741 = tpu.vector_load %arg24[%swap3A_740] {strides = array<i32>} : memref<128xi32, #tpu.memory_space<vmem>>, vector<16xi32>,
        tpu.vector_store %arg24[%swap3A_740], %gather3A_739 {strides = array<i32>} : memref<128xi32, #tpu.memory_space<vmem>>, vector<16xi32>,
        %add3A_742 = arith.constant 80 : i32
        %add3A_743 = vector.broadcast %add3A_742 : i32 to vector<16xi32>
        %add3A_744 = arith.addi %iota3A, %add3A_743 : vector<16xi32>
        %mul3A_745 = arith.constant 200 : i32
        %mul3A_746 = vector.broadcast %mul3A_745 : i32 to vector<16xi32>
        %mul3A_747 = arith.muli %add3A_744, %mul3A_746 : vector<16xi32>
        %add3A_748 = vector.broadcast %add3A_686 : i32 to vector<16xi32>
        %add3A_749 = arith.addi %mul3A_747, %add3A_748 : vector<16xi32>
        %gather3A_750 = tpu.vector_load_idx %arg17[%add3A_749] : memref<25600xi32, #tpu.memory_space<vmem>>[vector<16xi32>], vector<16xi32>,
        %swap3A_751 = arith.constant 80 : index
        %swap3A_752 = tpu.vector_load %arg24[%swap3A_751] {strides = array<i32>} : memref<128xi32, #tpu.memory_space<vmem>>, vector<16xi32>,
        tpu.vector_store %arg24[%swap3A_751], %gather3A_750 {strides = array<i32>} : memref<128xi32, #tpu.memory_space<vmem>>, vector<16xi32>,
        %add3A_753 = arith.constant 96 : i32
        %add3A_754 = vector.broadcast %add3A_753 : i32 to vector<16xi32>
        %add3A_755 = arith.addi %iota3A, %add3A_754 : vector<16xi32>
        %mul3A_756 = arith.constant 200 : i32
        %mul3A_757 = vector.broadcast %mul3A_756 : i32 to vector<16xi32>
        %mul3A_758 = arith.muli %add3A_755, %mul3A_757 : vector<16xi32>
        %add3A_759 = vector.broadcast %add3A_686 : i32 to vector<16xi32>
        %add3A_760 = arith.addi %mul3A_758, %add3A_759 : vector<16xi32>
        %gather3A_761 = tpu.vector_load_idx %arg17[%add3A_760] : memref<25600xi32, #tpu.memory_space<vmem>>[vector<16xi32>], vector<16xi32>,
        %swap3A_762 = arith.constant 96 : index
        %swap3A_763 = tpu.vector_load %arg24[%swap3A_762] {strides = array<i32>} : memref<128xi32, #tpu.memory_space<vmem>>, vector<16xi32>,
        tpu.vector_store %arg24[%swap3A_762], %gather3A_761 {strides = array<i32>} : memref<128xi32, #tpu.memory_space<vmem>>, vector<16xi32>,
        %add3A_764 = arith.constant 112 : i32
        %add3A_765 = vector.broadcast %add3A_764 : i32 to vector<16xi32>
        %add3A_766 = arith.addi %iota3A, %add3A_765 : vector<16xi32>
        %mul3A_767 = arith.constant 200 : i32
        %mul3A_768 = vector.broadcast %mul3A_767 : i32 to vector<16xi32>
        %mul3A_769 = arith.muli %add3A_766, %mul3A_768 : vector<16xi32>
        %add3A_770 = vector.broadcast %add3A_686 : i32 to vector<16xi32>
        %add3A_771 = arith.addi %mul3A_769, %add3A_770 : vector<16xi32>
        %gather3A_772 = tpu.vector_load_idx %arg17[%add3A_771] : memref<25600xi32, #tpu.memory_space<vmem>>[vector<16xi32>], vector<16xi32>,
        %swap3A_773 = arith.constant 112 : index
        %swap3A_774 = tpu.vector_load %arg24[%swap3A_773] {strides = array<i32>} : memref<128xi32, #tpu.memory_space<vmem>>, vector<16xi32>,
        tpu.vector_store %arg24[%swap3A_773], %gather3A_772 {strides = array<i32>} : memref<128xi32, #tpu.memory_space<vmem>>, vector<16xi32>,
        %dma_start3A_775 = arith.constant 0 : i32
        %dma_start3A_776 = arith.constant 0 : i32
        %dma_start3A_777 = tpu.memref_slice %arg2[%dma_start3A_775, %dma_start3A_776] : memref<1000000x32xf32, #tpu.memory_space<hbm>> -> memref<1000000x32xf32, #tpu.memory_space<hbm>>
        tpu.enqueue_indirect_dma source(%dma_start3A_777 : memref<1000000x32xf32, #tpu.memory_space<hbm>>) target(%arg25 : memref<128x32xf32, #tpu.memory_space<vmem>>) offsets(%arg24 : memref<128xi32, #tpu.memory_space<vmem>>) semaphore(%arg35 : memref<!tpu.dma_semaphore, #tpu.memory_space<semaphore_mem>>)
      } else {
      }
      %add3A_526 = arith.constant 1 : i32
      %add3A_527 = arith.addi %mul3A_274, %add3A_526 : i32
      %add3A_528 = arith.constant 0 : i32
      %add3A_529 = vector.broadcast %add3A_528 : i32 to vector<16xi32>
      %add3A_530 = arith.addi %iota3A, %add3A_529 : vector<16xi32>
      %mul3A_531 = arith.constant 200 : i32
      %mul3A_532 = vector.broadcast %mul3A_531 : i32 to vector<16xi32>
      %mul3A_533 = arith.muli %add3A_530, %mul3A_532 : vector<16xi32>
      %add3A_534 = vector.broadcast %add3A_527 : i32 to vector<16xi32>
      %add3A_535 = arith.addi %mul3A_533, %add3A_534 : vector<16xi32>
      %get3A_536 = arith.constant 0 : index
      %get3A_537 = tpu.vector_load %arg26[%get3A_536] {strides = array<i32>} : memref<128xi32, #tpu.memory_space<vmem>>, vector<16xi32>,
      %swap3A_538 = arith.index_cast %add3A_527 : i32 to index
      %swap3A_539 = arith.constant 0 : index
      %swap3A_540 = tpu.vector_load %arg20[%swap3A_538, %swap3A_539] {strides = array<i32>} : memref<200x128xi32, #tpu.memory_space<vmem>>, vector<16xi32>,
      tpu.vector_store %arg20[%swap3A_538, %swap3A_539], %get3A_537 {strides = array<i32>} : memref<200x128xi32, #tpu.memory_space<vmem>>, vector<16xi32>,
      %gather3A_541 = tpu.vector_load_idx %arg18[%add3A_535] : memref<25600xi32, #tpu.memory_space<vmem>>[vector<16xi32>], vector<16xi32>,
      %gather3A_542 = tpu.vector_load_idx %arg22[%gather3A_541] : memref<208xf32, #tpu.memory_space<vmem>>[vector<16xi32>], vector<16xf32>,
      %swap3A_543 = arith.index_cast %add3A_527 : i32 to index
      %swap3A_544 = arith.constant 0 : index
      %swap3A_545 = tpu.vector_load %arg19[%swap3A_543, %swap3A_544] {strides = array<i32>} : memref<200x128xf32, #tpu.memory_space<vmem>>, vector<16xf32>,
      tpu.vector_store %arg19[%swap3A_543, %swap3A_544], %gather3A_542 {strides = array<i32>} : memref<200x128xf32, #tpu.memory_space<vmem>>, vector<16xf32>,
      %add3A_546 = arith.constant 16 : i32
      %add3A_547 = vector.broadcast %add3A_546 : i32 to vector<16xi32>
      %add3A_548 = arith.addi %iota3A, %add3A_547 : vector<16xi32>
      %mul3A_549 = arith.constant 200 : i32
      %mul3A_550 = vector.broadcast %mul3A_549 : i32 to vector<16xi32>
      %mul3A_551 = arith.muli %add3A_548, %mul3A_550 : vector<16xi32>
      %add3A_552 = vector.broadcast %add3A_527 : i32 to vector<16xi32>
      %add3A_553 = arith.addi %mul3A_551, %add3A_552 : vector<16xi32>
      %get3A_554 = arith.constant 16 : index
      %get3A_555 = tpu.vector_load %arg26[%get3A_554] {strides = array<i32>} : memref<128xi32, #tpu.memory_space<vmem>>, vector<16xi32>,
      %swap3A_556 = arith.index_cast %add3A_527 : i32 to index
      %swap3A_557 = arith.constant 16 : index
      %swap3A_558 = tpu.vector_load %arg20[%swap3A_556, %swap3A_557] {strides = array<i32>} : memref<200x128xi32, #tpu.memory_space<vmem>>, vector<16xi32>,
      tpu.vector_store %arg20[%swap3A_556, %swap3A_557], %get3A_555 {strides = array<i32>} : memref<200x128xi32, #tpu.memory_space<vmem>>, vector<16xi32>,
      %gather3A_559 = tpu.vector_load_idx %arg18[%add3A_553] : memref<25600xi32, #tpu.memory_space<vmem>>[vector<16xi32>], vector<16xi32>,
      %gather3A_560 = tpu.vector_load_idx %arg22[%gather3A_559] : memref<208xf32, #tpu.memory_space<vmem>>[vector<16xi32>], vector<16xf32>,
      %swap3A_561 = arith.index_cast %add3A_527 : i32 to index
      %swap3A_562 = arith.constant 16 : index
      %swap3A_563 = tpu.vector_load %arg19[%swap3A_561, %swap3A_562] {strides = array<i32>} : memref<200x128xf32, #tpu.memory_space<vmem>>, vector<16xf32>,
      tpu.vector_store %arg19[%swap3A_561, %swap3A_562], %gather3A_560 {strides = array<i32>} : memref<200x128xf32, #tpu.memory_space<vmem>>, vector<16xf32>,
      %add3A_564 = arith.constant 32 : i32
      %add3A_565 = vector.broadcast %add3A_564 : i32 to vector<16xi32>
      %add3A_566 = arith.addi %iota3A, %add3A_565 : vector<16xi32>
      %mul3A_567 = arith.constant 200 : i32
      %mul3A_568 = vector.broadcast %mul3A_567 : i32 to vector<16xi32>
      %mul3A_569 = arith.muli %add3A_566, %mul3A_568 : vector<16xi32>
      %add3A_570 = vector.broadcast %add3A_527 : i32 to vector<16xi32>
      %add3A_571 = arith.addi %mul3A_569, %add3A_570 : vector<16xi32>
      %get3A_572 = arith.constant 32 : index
      %get3A_573 = tpu.vector_load %arg26[%get3A_572] {strides = array<i32>} : memref<128xi32, #tpu.memory_space<vmem>>, vector<16xi32>,
      %swap3A_574 = arith.index_cast %add3A_527 : i32 to index
      %swap3A_575 = arith.constant 32 : index
      %swap3A_576 = tpu.vector_load %arg20[%swap3A_574, %swap3A_575] {strides = array<i32>} : memref<200x128xi32, #tpu.memory_space<vmem>>, vector<16xi32>,
      tpu.vector_store %arg20[%swap3A_574, %swap3A_575], %get3A_573 {strides = array<i32>} : memref<200x128xi32, #tpu.memory_space<vmem>>, vector<16xi32>,
      %gather3A_577 = tpu.vector_load_idx %arg18[%add3A_571] : memref<25600xi32, #tpu.memory_space<vmem>>[vector<16xi32>], vector<16xi32>,
      %gather3A_578 = tpu.vector_load_idx %arg22[%gather3A_577] : memref<208xf32, #tpu.memory_space<vmem>>[vector<16xi32>], vector<16xf32>,
      %swap3A_579 = arith.index_cast %add3A_527 : i32 to index
      %swap3A_580 = arith.constant 32 : index
      %swap3A_581 = tpu.vector_load %arg19[%swap3A_579, %swap3A_580] {strides = array<i32>} : memref<200x128xf32, #tpu.memory_space<vmem>>, vector<16xf32>,
      tpu.vector_store %arg19[%swap3A_579, %swap3A_580], %gather3A_578 {strides = array<i32>} : memref<200x128xf32, #tpu.memory_space<vmem>>, vector<16xf32>,
      %add3A_582 = arith.constant 48 : i32
      %add3A_583 = vector.broadcast %add3A_582 : i32 to vector<16xi32>
      %add3A_584 = arith.addi %iota3A, %add3A_583 : vector<16xi32>
      %mul3A_585 = arith.constant 200 : i32
      %mul3A_586 = vector.broadcast %mul3A_585 : i32 to vector<16xi32>
      %mul3A_587 = arith.muli %add3A_584, %mul3A_586 : vector<16xi32>
      %add3A_588 = vector.broadcast %add3A_527 : i32 to vector<16xi32>
      %add3A_589 = arith.addi %mul3A_587, %add3A_588 : vector<16xi32>
      %get3A_590 = arith.constant 48 : index
      %get3A_591 = tpu.vector_load %arg26[%get3A_590] {strides = array<i32>} : memref<128xi32, #tpu.memory_space<vmem>>, vector<16xi32>,
      %swap3A_592 = arith.index_cast %add3A_527 : i32 to index
      %swap3A_593 = arith.constant 48 : index
      %swap3A_594 = tpu.vector_load %arg20[%swap3A_592, %swap3A_593] {strides = array<i32>} : memref<200x128xi32, #tpu.memory_space<vmem>>, vector<16xi32>,
      tpu.vector_store %arg20[%swap3A_592, %swap3A_593], %get3A_591 {strides = array<i32>} : memref<200x128xi32, #tpu.memory_space<vmem>>, vector<16xi32>,
      %gather3A_595 = tpu.vector_load_idx %arg18[%add3A_589] : memref<25600xi32, #tpu.memory_space<vmem>>[vector<16xi32>], vector<16xi32>,
      %gather3A_596 = tpu.vector_load_idx %arg22[%gather3A_595] : memref<208xf32, #tpu.memory_space<vmem>>[vector<16xi32>], vector<16xf32>,
      %swap3A_597 = arith.index_cast %add3A_527 : i32 to index
      %swap3A_598 = arith.constant 48 : index
      %swap3A_599 = tpu.vector_load %arg19[%swap3A_597, %swap3A_598] {strides = array<i32>} : memref<200x128xf32, #tpu.memory_space<vmem>>, vector<16xf32>,
      tpu.vector_store %arg19[%swap3A_597, %swap3A_598], %gather3A_596 {strides = array<i32>} : memref<200x128xf32, #tpu.memory_space<vmem>>, vector<16xf32>,
      %add3A_600 = arith.constant 64 : i32
      %add3A_601 = vector.broadcast %add3A_600 : i32 to vector<16xi32>
      %add3A_602 = arith.addi %iota3A, %add3A_601 : vector<16xi32>
      %mul3A_603 = arith.constant 200 : i32
      %mul3A_604 = vector.broadcast %mul3A_603 : i32 to vector<16xi32>
      %mul3A_605 = arith.muli %add3A_602, %mul3A_604 : vector<16xi32>
      %add3A_606 = vector.broadcast %add3A_527 : i32 to vector<16xi32>
      %add3A_607 = arith.addi %mul3A_605, %add3A_606 : vector<16xi32>
      %get3A_608 = arith.constant 64 : index
      %get3A_609 = tpu.vector_load %arg26[%get3A_608] {strides = array<i32>} : memref<128xi32, #tpu.memory_space<vmem>>, vector<16xi32>,
      %swap3A_610 = arith.index_cast %add3A_527 : i32 to index
      %swap3A_611 = arith.constant 64 : index
      %swap3A_612 = tpu.vector_load %arg20[%swap3A_610, %swap3A_611] {strides = array<i32>} : memref<200x128xi32, #tpu.memory_space<vmem>>, vector<16xi32>,
      tpu.vector_store %arg20[%swap3A_610, %swap3A_611], %get3A_609 {strides = array<i32>} : memref<200x128xi32, #tpu.memory_space<vmem>>, vector<16xi32>,
      %gather3A_613 = tpu.vector_load_idx %arg18[%add3A_607] : memref<25600xi32, #tpu.memory_space<vmem>>[vector<16xi32>], vector<16xi32>,
      %gather3A_614 = tpu.vector_load_idx %arg22[%gather3A_613] : memref<208xf32, #tpu.memory_space<vmem>>[vector<16xi32>], vector<16xf32>,
      %swap3A_615 = arith.index_cast %add3A_527 : i32 to index
      %swap3A_616 = arith.constant 64 : index
      %swap3A_617 = tpu.vector_load %arg19[%swap3A_615, %swap3A_616] {strides = array<i32>} : memref<200x128xf32, #tpu.memory_space<vmem>>, vector<16xf32>,
      tpu.vector_store %arg19[%swap3A_615, %swap3A_616], %gather3A_614 {strides = array<i32>} : memref<200x128xf32, #tpu.memory_space<vmem>>, vector<16xf32>,
      %add3A_618 = arith.constant 80 : i32
      %add3A_619 = vector.broadcast %add3A_618 : i32 to vector<16xi32>
      %add3A_620 = arith.addi %iota3A, %add3A_619 : vector<16xi32>
      %mul3A_621 = arith.constant 200 : i32
      %mul3A_622 = vector.broadcast %mul3A_621 : i32 to vector<16xi32>
      %mul3A_623 = arith.muli %add3A_620, %mul3A_622 : vector<16xi32>
      %add3A_624 = vector.broadcast %add3A_527 : i32 to vector<16xi32>
      %add3A_625 = arith.addi %mul3A_623, %add3A_624 : vector<16xi32>
      %get3A_626 = arith.constant 80 : index
      %get3A_627 = tpu.vector_load %arg26[%get3A_626] {strides = array<i32>} : memref<128xi32, #tpu.memory_space<vmem>>, vector<16xi32>,
      %swap3A_628 = arith.index_cast %add3A_527 : i32 to index
      %swap3A_629 = arith.constant 80 : index
      %swap3A_630 = tpu.vector_load %arg20[%swap3A_628, %swap3A_629] {strides = array<i32>} : memref<200x128xi32, #tpu.memory_space<vmem>>, vector<16xi32>,
      tpu.vector_store %arg20[%swap3A_628, %swap3A_629], %get3A_627 {strides = array<i32>} : memref<200x128xi32, #tpu.memory_space<vmem>>, vector<16xi32>,
      %gather3A_631 = tpu.vector_load_idx %arg18[%add3A_625] : memref<25600xi32, #tpu.memory_space<vmem>>[vector<16xi32>], vector<16xi32>,
      %gather3A_632 = tpu.vector_load_idx %arg22[%gather3A_631] : memref<208xf32, #tpu.memory_space<vmem>>[vector<16xi32>], vector<16xf32>,
      %swap3A_633 = arith.index_cast %add3A_527 : i32 to index
      %swap3A_634 = arith.constant 80 : index
      %swap3A_635 = tpu.vector_load %arg19[%swap3A_633, %swap3A_634] {strides = array<i32>} : memref<200x128xf32, #tpu.memory_space<vmem>>, vector<16xf32>,
      tpu.vector_store %arg19[%swap3A_633, %swap3A_634], %gather3A_632 {strides = array<i32>} : memref<200x128xf32, #tpu.memory_space<vmem>>, vector<16xf32>,
      %add3A_636 = arith.constant 96 : i32
      %add3A_637 = vector.broadcast %add3A_636 : i32 to vector<16xi32>
      %add3A_638 = arith.addi %iota3A, %add3A_637 : vector<16xi32>
      %mul3A_639 = arith.constant 200 : i32
      %mul3A_640 = vector.broadcast %mul3A_639 : i32 to vector<16xi32>
      %mul3A_641 = arith.muli %add3A_638, %mul3A_640 : vector<16xi32>
      %add3A_642 = vector.broadcast %add3A_527 : i32 to vector<16xi32>
      %add3A_643 = arith.addi %mul3A_641, %add3A_642 : vector<16xi32>
      %get3A_644 = arith.constant 96 : index
      %get3A_645 = tpu.vector_load %arg26[%get3A_644] {strides = array<i32>} : memref<128xi32, #tpu.memory_space<vmem>>, vector<16xi32>,
      %swap3A_646 = arith.index_cast %add3A_527 : i32 to index
      %swap3A_647 = arith.constant 96 : index
      %swap3A_648 = tpu.vector_load %arg20[%swap3A_646, %swap3A_647] {strides = array<i32>} : memref<200x128xi32, #tpu.memory_space<vmem>>, vector<16xi32>,
      tpu.vector_store %arg20[%swap3A_646, %swap3A_647], %get3A_645 {strides = array<i32>} : memref<200x128xi32, #tpu.memory_space<vmem>>, vector<16xi32>,
      %gather3A_649 = tpu.vector_load_idx %arg18[%add3A_643] : memref<25600xi32, #tpu.memory_space<vmem>>[vector<16xi32>], vector<16xi32>,
      %gather3A_650 = tpu.vector_load_idx %arg22[%gather3A_649] : memref<208xf32, #tpu.memory_space<vmem>>[vector<16xi32>], vector<16xf32>,
      %swap3A_651 = arith.index_cast %add3A_527 : i32 to index
      %swap3A_652 = arith.constant 96 : index
      %swap3A_653 = tpu.vector_load %arg19[%swap3A_651, %swap3A_652] {strides = array<i32>} : memref<200x128xf32, #tpu.memory_space<vmem>>, vector<16xf32>,
      tpu.vector_store %arg19[%swap3A_651, %swap3A_652], %gather3A_650 {strides = array<i32>} : memref<200x128xf32, #tpu.memory_space<vmem>>, vector<16xf32>,
      %add3A_654 = arith.constant 112 : i32
      %add3A_655 = vector.broadcast %add3A_654 : i32 to vector<16xi32>
      %add3A_656 = arith.addi %iota3A, %add3A_655 : vector<16xi32>
      %mul3A_657 = arith.constant 200 : i32
      %mul3A_658 = vector.broadcast %mul3A_657 : i32 to vector<16xi32>
      %mul3A_659 = arith.muli %add3A_656, %mul3A_658 : vector<16xi32>
      %add3A_660 = vector.broadcast %add3A_527 : i32 to vector<16xi32>
      %add3A_661 = arith.addi %mul3A_659, %add3A_660 : vector<16xi32>
      %get3A_662 = arith.constant 112 : index
      %get3A_663 = tpu.vector_load %arg26[%get3A_662] {strides = array<i32>} : memref<128xi32, #tpu.memory_space<vmem>>, vector<16xi32>,
      %swap3A_664 = arith.index_cast %add3A_527 : i32 to index
      %swap3A_665 = arith.constant 112 : index
      %swap3A_666 = tpu.vector_load %arg20[%swap3A_664, %swap3A_665] {strides = array<i32>} : memref<200x128xi32, #tpu.memory_space<vmem>>, vector<16xi32>,
      tpu.vector_store %arg20[%swap3A_664, %swap3A_665], %get3A_663 {strides = array<i32>} : memref<200x128xi32, #tpu.memory_space<vmem>>, vector<16xi32>,
      %gather3A_667 = tpu.vector_load_idx %arg18[%add3A_661] : memref<25600xi32, #tpu.memory_space<vmem>>[vector<16xi32>], vector<16xi32>,
      %gather3A_668 = tpu.vector_load_idx %arg22[%gather3A_667] : memref<208xf32, #tpu.memory_space<vmem>>[vector<16xi32>], vector<16xf32>,
      %swap3A_669 = arith.index_cast %add3A_527 : i32 to index
      %swap3A_670 = arith.constant 112 : index
      %swap3A_671 = tpu.vector_load %arg19[%swap3A_669, %swap3A_670] {strides = array<i32>} : memref<200x128xf32, #tpu.memory_space<vmem>>, vector<16xf32>,
      tpu.vector_store %arg19[%swap3A_669, %swap3A_670], %gather3A_668 {strides = array<i32>} : memref<200x128xf32, #tpu.memory_space<vmem>>, vector<16xf32>,
      %add3A_672 = arith.constant 1 : i32
      %add3A_673 = arith.addi %mul3A_274, %add3A_672 : i32
      %dma_wait3A_674 = arith.constant 0 : i32
      %dma_wait3A_675 = arith.constant 0 : i32
      %dma_wait3A_676 = tpu.memref_slice %arg2[%dma_wait3A_674, %dma_wait3A_675] : memref<1000000x32xf32, #tpu.memory_space<hbm>> -> memref<1000000x32xf32, #tpu.memory_space<hbm>>
      tpu.wait_indirect_dma semaphore(%arg37 : memref<!tpu.dma_semaphore, #tpu.memory_space<semaphore_mem>>) src(%dma_wait3A_676 : memref<1000000x32xf32, #tpu.memory_space<hbm>>) dst(%arg27 : memref<128x32xf32, #tpu.memory_space<vmem>>)
      %scan3A_677 = arith.constant 0 : i32
      %scan3A_678 = arith.constant 0 : i32
      %scan3A_679 = arith.constant 32 : i32
      %scan3A_680 = arith.addi %scan3A_678, %scan3A_679 : i32
      %scan3A_681 = arith.constant 1 : i32
      %scan3A_682 = scf.for %scan3A_685 = %scan3A_678 to %scan3A_680 step %scan3A_681 iter_args(%scan3A_686 = %scan3A_677) -> (i32)  : i32 {
        %add3A_687 = vector.broadcast %scan3A_685 : i32 to vector<16xi32>
        %add3A_688 = arith.addi %iota3A, %add3A_687 : vector<16xi32>
        %and3A = arith.constant 31 : i32
        %and3A_689 = vector.broadcast %and3A : i32 to vector<16xi32>
        %and3A_690 = arith.andi %add3A_688, %and3A_689 : vector<16xi32>
        %add3A_691 = arith.constant 0 : i32
        %add3A_692 = vector.broadcast %add3A_691 : i32 to vector<16xi32>
        %add3A_693 = arith.addi %iota3A, %add3A_692 : vector<16xi32>
        %gather3A_694 = tpu.vector_load_idx %arg27[%add3A_693, %and3A_690] : memref<128x32xf32, #tpu.memory_space<vmem>>[vector<16xi32>, vector<16xi32>], vector<16xf32>,
        tpu.vector_store_idx %arg28[%and3A_690, %add3A_693], %gather3A_694 : memref<32x128xf32, #tpu.memory_space<vmem>>[vector<16xi32>, vector<16xi32>], vector<16xf32>,
        %add3A_695 = arith.constant 16 : i32
        %add3A_696 = vector.broadcast %add3A_695 : i32 to vector<16xi32>
        %add3A_697 = arith.addi %iota3A, %add3A_696 : vector<16xi32>
        %gather3A_698 = tpu.vector_load_idx %arg27[%add3A_697, %and3A_690] : memref<128x32xf32, #tpu.memory_space<vmem>>[vector<16xi32>, vector<16xi32>], vector<16xf32>,
        tpu.vector_store_idx %arg28[%and3A_690, %add3A_697], %gather3A_698 : memref<32x128xf32, #tpu.memory_space<vmem>>[vector<16xi32>, vector<16xi32>], vector<16xf32>,
        %add3A_699 = arith.constant 32 : i32
        %add3A_700 = vector.broadcast %add3A_699 : i32 to vector<16xi32>
        %add3A_701 = arith.addi %iota3A, %add3A_700 : vector<16xi32>
        %gather3A_702 = tpu.vector_load_idx %arg27[%add3A_701, %and3A_690] : memref<128x32xf32, #tpu.memory_space<vmem>>[vector<16xi32>, vector<16xi32>], vector<16xf32>,
        tpu.vector_store_idx %arg28[%and3A_690, %add3A_701], %gather3A_702 : memref<32x128xf32, #tpu.memory_space<vmem>>[vector<16xi32>, vector<16xi32>], vector<16xf32>,
        %add3A_703 = arith.constant 48 : i32
        %add3A_704 = vector.broadcast %add3A_703 : i32 to vector<16xi32>
        %add3A_705 = arith.addi %iota3A, %add3A_704 : vector<16xi32>
        %gather3A_706 = tpu.vector_load_idx %arg27[%add3A_705, %and3A_690] : memref<128x32xf32, #tpu.memory_space<vmem>>[vector<16xi32>, vector<16xi32>], vector<16xf32>,
        tpu.vector_store_idx %arg28[%and3A_690, %add3A_705], %gather3A_706 : memref<32x128xf32, #tpu.memory_space<vmem>>[vector<16xi32>, vector<16xi32>], vector<16xf32>,
        %add3A_707 = arith.constant 64 : i32
        %add3A_708 = vector.broadcast %add3A_707 : i32 to vector<16xi32>
        %add3A_709 = arith.addi %iota3A, %add3A_708 : vector<16xi32>
        %gather3A_710 = tpu.vector_load_idx %arg27[%add3A_709, %and3A_690] : memref<128x32xf32, #tpu.memory_space<vmem>>[vector<16xi32>, vector<16xi32>], vector<16xf32>,
        tpu.vector_store_idx %arg28[%and3A_690, %add3A_709], %gather3A_710 : memref<32x128xf32, #tpu.memory_space<vmem>>[vector<16xi32>, vector<16xi32>], vector<16xf32>,
        %add3A_711 = arith.constant 80 : i32
        %add3A_712 = vector.broadcast %add3A_711 : i32 to vector<16xi32>
        %add3A_713 = arith.addi %iota3A, %add3A_712 : vector<16xi32>
        %gather3A_714 = tpu.vector_load_idx %arg27[%add3A_713, %and3A_690] : memref<128x32xf32, #tpu.memory_space<vmem>>[vector<16xi32>, vector<16xi32>], vector<16xf32>,
        tpu.vector_store_idx %arg28[%and3A_690, %add3A_713], %gather3A_714 : memref<32x128xf32, #tpu.memory_space<vmem>>[vector<16xi32>, vector<16xi32>], vector<16xf32>,
        %add3A_715 = arith.constant 96 : i32
        %add3A_716 = vector.broadcast %add3A_715 : i32 to vector<16xi32>
        %add3A_717 = arith.addi %iota3A, %add3A_716 : vector<16xi32>
        %gather3A_718 = tpu.vector_load_idx %arg27[%add3A_717, %and3A_690] : memref<128x32xf32, #tpu.memory_space<vmem>>[vector<16xi32>, vector<16xi32>], vector<16xf32>,
        tpu.vector_store_idx %arg28[%and3A_690, %add3A_717], %gather3A_718 : memref<32x128xf32, #tpu.memory_space<vmem>>[vector<16xi32>, vector<16xi32>], vector<16xf32>,
        %add3A_719 = arith.constant 112 : i32
        %add3A_720 = vector.broadcast %add3A_719 : i32 to vector<16xi32>
        %add3A_721 = arith.addi %iota3A, %add3A_720 : vector<16xi32>
        %gather3A_722 = tpu.vector_load_idx %arg27[%add3A_721, %and3A_690] : memref<128x32xf32, #tpu.memory_space<vmem>>[vector<16xi32>, vector<16xi32>], vector<16xf32>,
        tpu.vector_store_idx %arg28[%and3A_690, %add3A_721], %gather3A_722 : memref<32x128xf32, #tpu.memory_space<vmem>>[vector<16xi32>, vector<16xi32>], vector<16xf32>,
        %scan3A_723 = arith.constant 0 : i32
        scf.yield %scan3A_723 : i32
      }
      %scan3A_683 = arith.constant 32 : i32
      "tpu.region"() ({
        %run_scoped3A_685 = tpu.sem_alloc : memref<!tpu.dma_semaphore, #tpu.memory_space<semaphore_mem>>
        %dma_start3A_686 = arith.constant 0 : i32
        %dma_start3A_687 = arith.constant 0 : i32
        %dma_start3A_688 = tpu.memref_slice %arg10[%add3A, %add3A_673, %dma_start3A_686, %dma_start3A_687] : memref<32x200x32x128xf32, #tpu.memory_space<hbm>> -> memref<1x1x32x128xf32, #tpu.memory_space<hbm>>
        %dma_start3A_689 = tpu.memref_squeeze %dma_start3A_688 : memref<1x1x32x128xf32, #tpu.memory_space<hbm>> -> memref<32x128xf32, #tpu.memory_space<hbm>>
        %dma_start3A_690 = arith.constant 0 : i32
        %dma_start3A_691 = arith.constant 0 : i32
        %dma_start3A_692 = tpu.memref_slice %arg10[%add3A, %add3A_673, %dma_start3A_690, %dma_start3A_691] : memref<32x200x32x128xf32, #tpu.memory_space<hbm>> -> memref<1x1x32x128xf32, #tpu.memory_space<hbm>>
        %dma_start3A_693 = tpu.memref_squeeze %dma_start3A_692 : memref<1x1x32x128xf32, #tpu.memory_space<hbm>> -> memref<32x128xf32, #tpu.memory_space<hbm>>
        tpu.enqueue_dma source(%arg28 : memref<32x128xf32, #tpu.memory_space<vmem>>) target(%dma_start3A_693 : memref<32x128xf32, #tpu.memory_space<hbm>>) target_semaphore(%run_scoped3A_685 : memref<!tpu.dma_semaphore, #tpu.memory_space<semaphore_mem>>)
        %dma_wait3A_694 = arith.constant 0 : i32
        %dma_wait3A_695 = arith.constant 0 : i32
        %dma_wait3A_696 = tpu.memref_slice %arg10[%add3A, %add3A_673, %dma_wait3A_694, %dma_wait3A_695] : memref<32x200x32x128xf32, #tpu.memory_space<hbm>> -> memref<1x1x32x128xf32, #tpu.memory_space<hbm>>
        %dma_wait3A_697 = tpu.memref_squeeze %dma_wait3A_696 : memref<1x1x32x128xf32, #tpu.memory_space<hbm>> -> memref<32x128xf32, #tpu.memory_space<hbm>>
        %dma_wait3A_698 = arith.constant 0 : i32
        %dma_wait3A_699 = arith.constant 0 : i32
        %dma_wait3A_700 = tpu.memref_slice %arg10[%add3A, %add3A_673, %dma_wait3A_698, %dma_wait3A_699] : memref<32x200x32x128xf32, #tpu.memory_space<hbm>> -> memref<1x1x32x128xf32, #tpu.memory_space<hbm>>
        %dma_wait3A_701 = tpu.memref_squeeze %dma_wait3A_700 : memref<1x1x32x128xf32, #tpu.memory_space<hbm>> -> memref<32x128xf32, #tpu.memory_space<hbm>>
        tpu.wait_dma2 semaphore(%run_scoped3A_685 : memref<!tpu.dma_semaphore, #tpu.memory_space<semaphore_mem>>) src(%arg28 : memref<32x128xf32, #tpu.memory_space<vmem>>) dst(%dma_wait3A_701 : memref<32x128xf32, #tpu.memory_space<hbm>>)
        tpu.yield
      }) : () -> ()
      %scan3A_684 = arith.constant 0 : i32
      scf.yield %scan3A_684 : i32
    }
    %scan3A_116 = arith.constant 100 : i32
    "tpu.region"() ({
      %run_scoped3A_271 = tpu.sem_alloc : memref<!tpu.dma_semaphore, #tpu.memory_space<semaphore_mem>>
      %dma_start3A_272 = arith.constant 0 : i32
      %dma_start3A_273 = arith.constant 0 : i32
      %dma_start3A_274 = tpu.memref_slice %arg11[%add3A, %dma_start3A_272, %dma_start3A_273] : memref<32x200x128xf32, #tpu.memory_space<hbm>> -> memref<1x200x128xf32, #tpu.memory_space<hbm>>
      %dma_start3A_275 = tpu.memref_squeeze %dma_start3A_274 : memref<1x200x128xf32, #tpu.memory_space<hbm>> -> memref<200x128xf32, #tpu.memory_space<hbm>>
      %dma_start3A_276 = arith.constant 0 : i32
      %dma_start3A_277 = arith.constant 0 : i32
      %dma_start3A_278 = tpu.memref_slice %arg11[%add3A, %dma_start3A_276, %dma_start3A_277] : memref<32x200x128xf32, #tpu.memory_space<hbm>> -> memref<1x200x128xf32, #tpu.memory_space<hbm>>
      %dma_start3A_279 = tpu.memref_squeeze %dma_start3A_278 : memref<1x200x128xf32, #tpu.memory_space<hbm>> -> memref<200x128xf32, #tpu.memory_space<hbm>>
      tpu.enqueue_dma source(%arg19 : memref<200x128xf32, #tpu.memory_space<vmem>>) target(%dma_start3A_279 : memref<200x128xf32, #tpu.memory_space<hbm>>) target_semaphore(%run_scoped3A_271 : memref<!tpu.dma_semaphore, #tpu.memory_space<semaphore_mem>>)
      %dma_wait3A_280 = arith.constant 0 : i32
      %dma_wait3A_281 = arith.constant 0 : i32
      %dma_wait3A_282 = tpu.memref_slice %arg11[%add3A, %dma_wait3A_280, %dma_wait3A_281] : memref<32x200x128xf32, #tpu.memory_space<hbm>> -> memref<1x200x128xf32, #tpu.memory_space<hbm>>
      %dma_wait3A_283 = tpu.memref_squeeze %dma_wait3A_282 : memref<1x200x128xf32, #tpu.memory_space<hbm>> -> memref<200x128xf32, #tpu.memory_space<hbm>>
      %dma_wait3A_284 = arith.constant 0 : i32
      %dma_wait3A_285 = arith.constant 0 : i32
      %dma_wait3A_286 = tpu.memref_slice %arg11[%add3A, %dma_wait3A_284, %dma_wait3A_285] : memref<32x200x128xf32, #tpu.memory_space<hbm>> -> memref<1x200x128xf32, #tpu.memory_space<hbm>>
      %dma_wait3A_287 = tpu.memref_squeeze %dma_wait3A_286 : memref<1x200x128xf32, #tpu.memory_space<hbm>> -> memref<200x128xf32, #tpu.memory_space<hbm>>
      tpu.wait_dma2 semaphore(%run_scoped3A_271 : memref<!tpu.dma_semaphore, #tpu.memory_space<semaphore_mem>>) src(%arg19 : memref<200x128xf32, #tpu.memory_space<vmem>>) dst(%dma_wait3A_287 : memref<200x128xf32, #tpu.memory_space<hbm>>)
      tpu.yield
    }) : () -> ()
    "tpu.region"() ({
      %run_scoped3A_271 = tpu.sem_alloc : memref<!tpu.dma_semaphore, #tpu.memory_space<semaphore_mem>>
      %dma_start3A_272 = arith.constant 0 : i32
      %dma_start3A_273 = arith.constant 0 : i32
      %dma_start3A_274 = tpu.memref_slice %arg12[%add3A, %dma_start3A_272, %dma_start3A_273] : memref<32x200x128xi32, #tpu.memory_space<hbm>> -> memref<1x200x128xi32, #tpu.memory_space<hbm>>
      %dma_start3A_275 = tpu.memref_squeeze %dma_start3A_274 : memref<1x200x128xi32, #tpu.memory_space<hbm>> -> memref<200x128xi32, #tpu.memory_space<hbm>>
      %dma_start3A_276 = arith.constant 0 : i32
      %dma_start3A_277 = arith.constant 0 : i32
      %dma_start3A_278 = tpu.memref_slice %arg12[%add3A, %dma_start3A_276, %dma_start3A_277] : memref<32x200x128xi32, #tpu.memory_space<hbm>> -> memref<1x200x128xi32, #tpu.memory_space<hbm>>
      %dma_start3A_279 = tpu.memref_squeeze %dma_start3A_278 : memref<1x200x128xi32, #tpu.memory_space<hbm>> -> memref<200x128xi32, #tpu.memory_space<hbm>>
      tpu.enqueue_dma source(%arg20 : memref<200x128xi32, #tpu.memory_space<vmem>>) target(%dma_start3A_279 : memref<200x128xi32, #tpu.memory_space<hbm>>) target_semaphore(%run_scoped3A_271 : memref<!tpu.dma_semaphore, #tpu.memory_space<semaphore_mem>>)
      %dma_wait3A_280 = arith.constant 0 : i32
      %dma_wait3A_281 = arith.constant 0 : i32
      %dma_wait3A_282 = tpu.memref_slice %arg12[%add3A, %dma_wait3A_280, %dma_wait3A_281] : memref<32x200x128xi32, #tpu.memory_space<hbm>> -> memref<1x200x128xi32, #tpu.memory_space<hbm>>
      %dma_wait3A_283 = tpu.memref_squeeze %dma_wait3A_282 : memref<1x200x128xi32, #tpu.memory_space<hbm>> -> memref<200x128xi32, #tpu.memory_space<hbm>>
      %dma_wait3A_284 = arith.constant 0 : i32
      %dma_wait3A_285 = arith.constant 0 : i32
      %dma_wait3A_286 = tpu.memref_slice %arg12[%add3A, %dma_wait3A_284, %dma_wait3A_285] : memref<32x200x128xi32, #tpu.memory_space<hbm>> -> memref<1x200x128xi32, #tpu.memory_space<hbm>>
      %dma_wait3A_287 = tpu.memref_squeeze %dma_wait3A_286 : memref<1x200x128xi32, #tpu.memory_space<hbm>> -> memref<200x128xi32, #tpu.memory_space<hbm>>
      tpu.wait_dma2 semaphore(%run_scoped3A_271 : memref<!tpu.dma_semaphore, #tpu.memory_space<semaphore_mem>>) src(%arg20 : memref<200x128xi32, #tpu.memory_space<vmem>>) dst(%dma_wait3A_287 : memref<200x128xi32, #tpu.memory_space<hbm>>)
      tpu.yield
    }) : () -> ()
    "tpu.region"() ({
      %run_scoped3A_271 = tpu.sem_alloc : memref<!tpu.dma_semaphore, #tpu.memory_space<semaphore_mem>>
      %dma_start3A_272 = tpu.memref_slice %arg5[%mul3A_4] : memref<4096xi32, #tpu.memory_space<hbm>> -> memref<128xi32, #tpu.memory_space<hbm>>
      %dma_start3A_273 = tpu.memref_slice %arg5[%mul3A_4] : memref<4096xi32, #tpu.memory_space<hbm>> -> memref<128xi32, #tpu.memory_space<hbm>>
      tpu.enqueue_dma source(%dma_start3A_273 : memref<128xi32, #tpu.memory_space<hbm>>) target(%arg29 : memref<128xi32, #tpu.memory_space<vmem>>) target_semaphore(%run_scoped3A_271 : memref<!tpu.dma_semaphore, #tpu.memory_space<semaphore_mem>>)
      %dma_wait3A_274 = tpu.memref_slice %arg5[%mul3A_4] : memref<4096xi32, #tpu.memory_space<hbm>> -> memref<128xi32, #tpu.memory_space<hbm>>
      %dma_wait3A_275 = tpu.memref_slice %arg5[%mul3A_4] : memref<4096xi32, #tpu.memory_space<hbm>> -> memref<128xi32, #tpu.memory_space<hbm>>
      tpu.wait_dma2 semaphore(%run_scoped3A_271 : memref<!tpu.dma_semaphore, #tpu.memory_space<semaphore_mem>>) src(%dma_wait3A_275 : memref<128xi32, #tpu.memory_space<hbm>>) dst(%arg29 : memref<128xi32, #tpu.memory_space<vmem>>)
      tpu.yield
    }) : () -> ()
    "tpu.region"() ({
      %run_scoped3A_271 = tpu.sem_alloc : memref<!tpu.dma_semaphore, #tpu.memory_space<semaphore_mem>>
      %dma_start3A_272 = tpu.memref_slice %arg6[%mul3A_4] : memref<4096xi32, #tpu.memory_space<hbm>> -> memref<128xi32, #tpu.memory_space<hbm>>
      %dma_start3A_273 = tpu.memref_slice %arg6[%mul3A_4] : memref<4096xi32, #tpu.memory_space<hbm>> -> memref<128xi32, #tpu.memory_space<hbm>>
      tpu.enqueue_dma source(%dma_start3A_273 : memref<128xi32, #tpu.memory_space<hbm>>) target(%arg30 : memref<128xi32, #tpu.memory_space<vmem>>) target_semaphore(%run_scoped3A_271 : memref<!tpu.dma_semaphore, #tpu.memory_space<semaphore_mem>>)
      %dma_wait3A_274 = tpu.memref_slice %arg6[%mul3A_4] : memref<4096xi32, #tpu.memory_space<hbm>> -> memref<128xi32, #tpu.memory_space<hbm>>
      %dma_wait3A_275 = tpu.memref_slice %arg6[%mul3A_4] : memref<4096xi32, #tpu.memory_space<hbm>> -> memref<128xi32, #tpu.memory_space<hbm>>
      tpu.wait_dma2 semaphore(%run_scoped3A_271 : memref<!tpu.dma_semaphore, #tpu.memory_space<semaphore_mem>>) src(%dma_wait3A_275 : memref<128xi32, #tpu.memory_space<hbm>>) dst(%arg30 : memref<128xi32, #tpu.memory_space<vmem>>)
      tpu.yield
    }) : () -> ()
    %iota3A_117 = tpu.iota {dimensions = array<i32: 0>} : vector<16xi32>
    %add3A_118 = arith.constant 0 : i32
    %add3A_119 = vector.broadcast %add3A_118 : i32 to vector<16xi32>
    %add3A_120 = arith.addi %iota3A_117, %add3A_119 : vector<16xi32>
    %get3A_121 = arith.constant 0 : index
    %get3A_122 = tpu.vector_load %arg29[%get3A_121] {strides = array<i32>} : memref<128xi32, #tpu.memory_space<vmem>>, vector<16xi32>,
    %mul3A_123 = arith.constant 200 : i32
    %mul3A_124 = vector.broadcast %mul3A_123 : i32 to vector<16xi32>
    %mul3A_125 = arith.muli %add3A_120, %mul3A_124 : vector<16xi32>
    %add3A_126 = arith.addi %mul3A_125, %get3A_122 : vector<16xi32>
    %sub3A = arith.constant 1 : i32
    %sub3A_127 = vector.broadcast %sub3A : i32 to vector<16xi32>
    %sub3A_128 = arith.subi %add3A_126, %sub3A_127 : vector<16xi32>
    %gather3A_129 = tpu.vector_load_idx %arg17[%sub3A_128] : memref<25600xi32, #tpu.memory_space<vmem>>[vector<16xi32>], vector<16xi32>,
    %swap3A_130 = arith.constant 0 : index
    %swap3A_131 = tpu.vector_load %arg31[%swap3A_130] {strides = array<i32>} : memref<128xi32, #tpu.memory_space<vmem>>, vector<16xi32>,
    tpu.vector_store %arg31[%swap3A_130], %gather3A_129 {strides = array<i32>} : memref<128xi32, #tpu.memory_space<vmem>>, vector<16xi32>,
    %iota3A_132 = tpu.iota {dimensions = array<i32: 0>} : vector<16xi32>
    %add3A_133 = arith.constant 16 : i32
    %add3A_134 = vector.broadcast %add3A_133 : i32 to vector<16xi32>
    %add3A_135 = arith.addi %iota3A_132, %add3A_134 : vector<16xi32>
    %get3A_136 = arith.constant 16 : index
    %get3A_137 = tpu.vector_load %arg29[%get3A_136] {strides = array<i32>} : memref<128xi32, #tpu.memory_space<vmem>>, vector<16xi32>,
    %mul3A_138 = arith.constant 200 : i32
    %mul3A_139 = vector.broadcast %mul3A_138 : i32 to vector<16xi32>
    %mul3A_140 = arith.muli %add3A_135, %mul3A_139 : vector<16xi32>
    %add3A_141 = arith.addi %mul3A_140, %get3A_137 : vector<16xi32>
    %sub3A_142 = arith.constant 1 : i32
    %sub3A_143 = vector.broadcast %sub3A_142 : i32 to vector<16xi32>
    %sub3A_144 = arith.subi %add3A_141, %sub3A_143 : vector<16xi32>
    %gather3A_145 = tpu.vector_load_idx %arg17[%sub3A_144] : memref<25600xi32, #tpu.memory_space<vmem>>[vector<16xi32>], vector<16xi32>,
    %swap3A_146 = arith.constant 16 : index
    %swap3A_147 = tpu.vector_load %arg31[%swap3A_146] {strides = array<i32>} : memref<128xi32, #tpu.memory_space<vmem>>, vector<16xi32>,
    tpu.vector_store %arg31[%swap3A_146], %gather3A_145 {strides = array<i32>} : memref<128xi32, #tpu.memory_space<vmem>>, vector<16xi32>,
    %iota3A_148 = tpu.iota {dimensions = array<i32: 0>} : vector<16xi32>
    %add3A_149 = arith.constant 32 : i32
    %add3A_150 = vector.broadcast %add3A_149 : i32 to vector<16xi32>
    %add3A_151 = arith.addi %iota3A_148, %add3A_150 : vector<16xi32>
    %get3A_152 = arith.constant 32 : index
    %get3A_153 = tpu.vector_load %arg29[%get3A_152] {strides = array<i32>} : memref<128xi32, #tpu.memory_space<vmem>>, vector<16xi32>,
    %mul3A_154 = arith.constant 200 : i32
    %mul3A_155 = vector.broadcast %mul3A_154 : i32 to vector<16xi32>
    %mul3A_156 = arith.muli %add3A_151, %mul3A_155 : vector<16xi32>
    %add3A_157 = arith.addi %mul3A_156, %get3A_153 : vector<16xi32>
    %sub3A_158 = arith.constant 1 : i32
    %sub3A_159 = vector.broadcast %sub3A_158 : i32 to vector<16xi32>
    %sub3A_160 = arith.subi %add3A_157, %sub3A_159 : vector<16xi32>
    %gather3A_161 = tpu.vector_load_idx %arg17[%sub3A_160] : memref<25600xi32, #tpu.memory_space<vmem>>[vector<16xi32>], vector<16xi32>,
    %swap3A_162 = arith.constant 32 : index
    %swap3A_163 = tpu.vector_load %arg31[%swap3A_162] {strides = array<i32>} : memref<128xi32, #tpu.memory_space<vmem>>, vector<16xi32>,
    tpu.vector_store %arg31[%swap3A_162], %gather3A_161 {strides = array<i32>} : memref<128xi32, #tpu.memory_space<vmem>>, vector<16xi32>,
    %iota3A_164 = tpu.iota {dimensions = array<i32: 0>} : vector<16xi32>
    %add3A_165 = arith.constant 48 : i32
    %add3A_166 = vector.broadcast %add3A_165 : i32 to vector<16xi32>
    %add3A_167 = arith.addi %iota3A_164, %add3A_166 : vector<16xi32>
    %get3A_168 = arith.constant 48 : index
    %get3A_169 = tpu.vector_load %arg29[%get3A_168] {strides = array<i32>} : memref<128xi32, #tpu.memory_space<vmem>>, vector<16xi32>,
    %mul3A_170 = arith.constant 200 : i32
    %mul3A_171 = vector.broadcast %mul3A_170 : i32 to vector<16xi32>
    %mul3A_172 = arith.muli %add3A_167, %mul3A_171 : vector<16xi32>
    %add3A_173 = arith.addi %mul3A_172, %get3A_169 : vector<16xi32>
    %sub3A_174 = arith.constant 1 : i32
    %sub3A_175 = vector.broadcast %sub3A_174 : i32 to vector<16xi32>
    %sub3A_176 = arith.subi %add3A_173, %sub3A_175 : vector<16xi32>
    %gather3A_177 = tpu.vector_load_idx %arg17[%sub3A_176] : memref<25600xi32, #tpu.memory_space<vmem>>[vector<16xi32>], vector<16xi32>,
    %swap3A_178 = arith.constant 48 : index
    %swap3A_179 = tpu.vector_load %arg31[%swap3A_178] {strides = array<i32>} : memref<128xi32, #tpu.memory_space<vmem>>, vector<16xi32>,
    tpu.vector_store %arg31[%swap3A_178], %gather3A_177 {strides = array<i32>} : memref<128xi32, #tpu.memory_space<vmem>>, vector<16xi32>,
    %iota3A_180 = tpu.iota {dimensions = array<i32: 0>} : vector<16xi32>
    %add3A_181 = arith.constant 64 : i32
    %add3A_182 = vector.broadcast %add3A_181 : i32 to vector<16xi32>
    %add3A_183 = arith.addi %iota3A_180, %add3A_182 : vector<16xi32>
    %get3A_184 = arith.constant 64 : index
    %get3A_185 = tpu.vector_load %arg29[%get3A_184] {strides = array<i32>} : memref<128xi32, #tpu.memory_space<vmem>>, vector<16xi32>,
    %mul3A_186 = arith.constant 200 : i32
    %mul3A_187 = vector.broadcast %mul3A_186 : i32 to vector<16xi32>
    %mul3A_188 = arith.muli %add3A_183, %mul3A_187 : vector<16xi32>
    %add3A_189 = arith.addi %mul3A_188, %get3A_185 : vector<16xi32>
    %sub3A_190 = arith.constant 1 : i32
    %sub3A_191 = vector.broadcast %sub3A_190 : i32 to vector<16xi32>
    %sub3A_192 = arith.subi %add3A_189, %sub3A_191 : vector<16xi32>
    %gather3A_193 = tpu.vector_load_idx %arg17[%sub3A_192] : memref<25600xi32, #tpu.memory_space<vmem>>[vector<16xi32>], vector<16xi32>,
    %swap3A_194 = arith.constant 64 : index
    %swap3A_195 = tpu.vector_load %arg31[%swap3A_194] {strides = array<i32>} : memref<128xi32, #tpu.memory_space<vmem>>, vector<16xi32>,
    tpu.vector_store %arg31[%swap3A_194], %gather3A_193 {strides = array<i32>} : memref<128xi32, #tpu.memory_space<vmem>>, vector<16xi32>,
    %iota3A_196 = tpu.iota {dimensions = array<i32: 0>} : vector<16xi32>
    %add3A_197 = arith.constant 80 : i32
    %add3A_198 = vector.broadcast %add3A_197 : i32 to vector<16xi32>
    %add3A_199 = arith.addi %iota3A_196, %add3A_198 : vector<16xi32>
    %get3A_200 = arith.constant 80 : index
    %get3A_201 = tpu.vector_load %arg29[%get3A_200] {strides = array<i32>} : memref<128xi32, #tpu.memory_space<vmem>>, vector<16xi32>,
    %mul3A_202 = arith.constant 200 : i32
    %mul3A_203 = vector.broadcast %mul3A_202 : i32 to vector<16xi32>
    %mul3A_204 = arith.muli %add3A_199, %mul3A_203 : vector<16xi32>
    %add3A_205 = arith.addi %mul3A_204, %get3A_201 : vector<16xi32>
    %sub3A_206 = arith.constant 1 : i32
    %sub3A_207 = vector.broadcast %sub3A_206 : i32 to vector<16xi32>
    %sub3A_208 = arith.subi %add3A_205, %sub3A_207 : vector<16xi32>
    %gather3A_209 = tpu.vector_load_idx %arg17[%sub3A_208] : memref<25600xi32, #tpu.memory_space<vmem>>[vector<16xi32>], vector<16xi32>,
    %swap3A_210 = arith.constant 80 : index
    %swap3A_211 = tpu.vector_load %arg31[%swap3A_210] {strides = array<i32>} : memref<128xi32, #tpu.memory_space<vmem>>, vector<16xi32>,
    tpu.vector_store %arg31[%swap3A_210], %gather3A_209 {strides = array<i32>} : memref<128xi32, #tpu.memory_space<vmem>>, vector<16xi32>,
    %iota3A_212 = tpu.iota {dimensions = array<i32: 0>} : vector<16xi32>
    %add3A_213 = arith.constant 96 : i32
    %add3A_214 = vector.broadcast %add3A_213 : i32 to vector<16xi32>
    %add3A_215 = arith.addi %iota3A_212, %add3A_214 : vector<16xi32>
    %get3A_216 = arith.constant 96 : index
    %get3A_217 = tpu.vector_load %arg29[%get3A_216] {strides = array<i32>} : memref<128xi32, #tpu.memory_space<vmem>>, vector<16xi32>,
    %mul3A_218 = arith.constant 200 : i32
    %mul3A_219 = vector.broadcast %mul3A_218 : i32 to vector<16xi32>
    %mul3A_220 = arith.muli %add3A_215, %mul3A_219 : vector<16xi32>
    %add3A_221 = arith.addi %mul3A_220, %get3A_217 : vector<16xi32>
    %sub3A_222 = arith.constant 1 : i32
    %sub3A_223 = vector.broadcast %sub3A_222 : i32 to vector<16xi32>
    %sub3A_224 = arith.subi %add3A_221, %sub3A_223 : vector<16xi32>
    %gather3A_225 = tpu.vector_load_idx %arg17[%sub3A_224] : memref<25600xi32, #tpu.memory_space<vmem>>[vector<16xi32>], vector<16xi32>,
    %swap3A_226 = arith.constant 96 : index
    %swap3A_227 = tpu.vector_load %arg31[%swap3A_226] {strides = array<i32>} : memref<128xi32, #tpu.memory_space<vmem>>, vector<16xi32>,
    tpu.vector_store %arg31[%swap3A_226], %gather3A_225 {strides = array<i32>} : memref<128xi32, #tpu.memory_space<vmem>>, vector<16xi32>,
    %iota3A_228 = tpu.iota {dimensions = array<i32: 0>} : vector<16xi32>
    %add3A_229 = arith.constant 112 : i32
    %add3A_230 = vector.broadcast %add3A_229 : i32 to vector<16xi32>
    %add3A_231 = arith.addi %iota3A_228, %add3A_230 : vector<16xi32>
    %get3A_232 = arith.constant 112 : index
    %get3A_233 = tpu.vector_load %arg29[%get3A_232] {strides = array<i32>} : memref<128xi32, #tpu.memory_space<vmem>>, vector<16xi32>,
    %mul3A_234 = arith.constant 200 : i32
    %mul3A_235 = vector.broadcast %mul3A_234 : i32 to vector<16xi32>
    %mul3A_236 = arith.muli %add3A_231, %mul3A_235 : vector<16xi32>
    %add3A_237 = arith.addi %mul3A_236, %get3A_233 : vector<16xi32>
    %sub3A_238 = arith.constant 1 : i32
    %sub3A_239 = vector.broadcast %sub3A_238 : i32 to vector<16xi32>
    %sub3A_240 = arith.subi %add3A_237, %sub3A_239 : vector<16xi32>
    %gather3A_241 = tpu.vector_load_idx %arg17[%sub3A_240] : memref<25600xi32, #tpu.memory_space<vmem>>[vector<16xi32>], vector<16xi32>,
    %swap3A_242 = arith.constant 112 : index
    %swap3A_243 = tpu.vector_load %arg31[%swap3A_242] {strides = array<i32>} : memref<128xi32, #tpu.memory_space<vmem>>, vector<16xi32>,
    tpu.vector_store %arg31[%swap3A_242], %gather3A_241 {strides = array<i32>} : memref<128xi32, #tpu.memory_space<vmem>>, vector<16xi32>,
    %run_scoped3A = arith.constant 0 : i32
    "tpu.region"() ({
      %run_scoped3A_271 = tpu.sem_alloc : memref<!tpu.dma_semaphore, #tpu.memory_space<semaphore_mem>>
      %dma_start3A_272 = arith.constant 0 : i32
      %dma_start3A_273 = tpu.memref_slice %arg15[%add3A, %run_scoped3A, %dma_start3A_272] : memref<32x1x128xi32, #tpu.memory_space<hbm>> -> memref<1x1x128xi32, #tpu.memory_space<hbm>>
      %dma_start3A_274 = tpu.memref_squeeze %dma_start3A_273 : memref<1x1x128xi32, #tpu.memory_space<hbm>> -> memref<128xi32, #tpu.memory_space<hbm>>
      %dma_start3A_275 = arith.constant 0 : i32
      %dma_start3A_276 = tpu.memref_slice %arg15[%add3A, %run_scoped3A, %dma_start3A_275] : memref<32x1x128xi32, #tpu.memory_space<hbm>> -> memref<1x1x128xi32, #tpu.memory_space<hbm>>
      %dma_start3A_277 = tpu.memref_squeeze %dma_start3A_276 : memref<1x1x128xi32, #tpu.memory_space<hbm>> -> memref<128xi32, #tpu.memory_space<hbm>>
      tpu.enqueue_dma source(%arg31 : memref<128xi32, #tpu.memory_space<vmem>>) target(%dma_start3A_277 : memref<128xi32, #tpu.memory_space<hbm>>) target_semaphore(%run_scoped3A_271 : memref<!tpu.dma_semaphore, #tpu.memory_space<semaphore_mem>>)
      %dma_wait3A_278 = arith.constant 0 : i32
      %dma_wait3A_279 = tpu.memref_slice %arg15[%add3A, %run_scoped3A, %dma_wait3A_278] : memref<32x1x128xi32, #tpu.memory_space<hbm>> -> memref<1x1x128xi32, #tpu.memory_space<hbm>>
      %dma_wait3A_280 = tpu.memref_squeeze %dma_wait3A_279 : memref<1x1x128xi32, #tpu.memory_space<hbm>> -> memref<128xi32, #tpu.memory_space<hbm>>
      %dma_wait3A_281 = arith.constant 0 : i32
      %dma_wait3A_282 = tpu.memref_slice %arg15[%add3A, %run_scoped3A, %dma_wait3A_281] : memref<32x1x128xi32, #tpu.memory_space<hbm>> -> memref<1x1x128xi32, #tpu.memory_space<hbm>>
      %dma_wait3A_283 = tpu.memref_squeeze %dma_wait3A_282 : memref<1x1x128xi32, #tpu.memory_space<hbm>> -> memref<128xi32, #tpu.memory_space<hbm>>
      tpu.wait_dma2 semaphore(%run_scoped3A_271 : memref<!tpu.dma_semaphore, #tpu.memory_space<semaphore_mem>>) src(%arg31 : memref<128xi32, #tpu.memory_space<vmem>>) dst(%dma_wait3A_283 : memref<128xi32, #tpu.memory_space<hbm>>)
      tpu.yield
    }) : () -> ()
    %dma_start3A_244 = arith.constant 0 : i32
    %dma_start3A_245 = arith.constant 0 : i32
    %dma_start3A_246 = tpu.memref_slice %arg2[%dma_start3A_244, %dma_start3A_245] : memref<1000000x32xf32, #tpu.memory_space<hbm>> -> memref<1000000x32xf32, #tpu.memory_space<hbm>>
    tpu.enqueue_indirect_dma source(%dma_start3A_246 : memref<1000000x32xf32, #tpu.memory_space<hbm>>) target(%arg32 : memref<128x32xf32, #tpu.memory_space<vmem>>) offsets(%arg31 : memref<128xi32, #tpu.memory_space<vmem>>) semaphore(%arg36 : memref<!tpu.dma_semaphore, #tpu.memory_space<semaphore_mem>>)
    %dma_wait3A = arith.constant 0 : i32
    %dma_wait3A_247 = arith.constant 0 : i32
    %dma_wait3A_248 = tpu.memref_slice %arg2[%dma_wait3A, %dma_wait3A_247] : memref<1000000x32xf32, #tpu.memory_space<hbm>> -> memref<1000000x32xf32, #tpu.memory_space<hbm>>
    tpu.wait_indirect_dma semaphore(%arg36 : memref<!tpu.dma_semaphore, #tpu.memory_space<semaphore_mem>>) src(%dma_wait3A_248 : memref<1000000x32xf32, #tpu.memory_space<hbm>>) dst(%arg32 : memref<128x32xf32, #tpu.memory_space<vmem>>)
    %scan3A_249 = arith.constant 0 : i32
    %scan3A_250 = arith.constant 0 : i32
    %scan3A_251 = arith.constant 32 : i32
    %scan3A_252 = arith.addi %scan3A_250, %scan3A_251 : i32
    %scan3A_253 = arith.constant 1 : i32
    %scan3A_254 = scf.for %scan3A_271 = %scan3A_250 to %scan3A_252 step %scan3A_253 iter_args(%scan3A_272 = %scan3A_249) -> (i32)  : i32 {
      %add3A_273 = vector.broadcast %scan3A_271 : i32 to vector<16xi32>
      %add3A_274 = arith.addi %iota3A, %add3A_273 : vector<16xi32>
      %and3A = arith.constant 31 : i32
      %and3A_275 = vector.broadcast %and3A : i32 to vector<16xi32>
      %and3A_276 = arith.andi %add3A_274, %and3A_275 : vector<16xi32>
      %add3A_277 = arith.constant 0 : i32
      %add3A_278 = vector.broadcast %add3A_277 : i32 to vector<16xi32>
      %add3A_279 = arith.addi %iota3A, %add3A_278 : vector<16xi32>
      %gather3A_280 = tpu.vector_load_idx %arg32[%add3A_279, %and3A_276] : memref<128x32xf32, #tpu.memory_space<vmem>>[vector<16xi32>, vector<16xi32>], vector<16xf32>,
      tpu.vector_store_idx %arg28[%and3A_276, %add3A_279], %gather3A_280 : memref<32x128xf32, #tpu.memory_space<vmem>>[vector<16xi32>, vector<16xi32>], vector<16xf32>,
      %add3A_281 = arith.constant 16 : i32
      %add3A_282 = vector.broadcast %add3A_281 : i32 to vector<16xi32>
      %add3A_283 = arith.addi %iota3A, %add3A_282 : vector<16xi32>
      %gather3A_284 = tpu.vector_load_idx %arg32[%add3A_283, %and3A_276] : memref<128x32xf32, #tpu.memory_space<vmem>>[vector<16xi32>, vector<16xi32>], vector<16xf32>,
      tpu.vector_store_idx %arg28[%and3A_276, %add3A_283], %gather3A_284 : memref<32x128xf32, #tpu.memory_space<vmem>>[vector<16xi32>, vector<16xi32>], vector<16xf32>,
      %add3A_285 = arith.constant 32 : i32
      %add3A_286 = vector.broadcast %add3A_285 : i32 to vector<16xi32>
      %add3A_287 = arith.addi %iota3A, %add3A_286 : vector<16xi32>
      %gather3A_288 = tpu.vector_load_idx %arg32[%add3A_287, %and3A_276] : memref<128x32xf32, #tpu.memory_space<vmem>>[vector<16xi32>, vector<16xi32>], vector<16xf32>,
      tpu.vector_store_idx %arg28[%and3A_276, %add3A_287], %gather3A_288 : memref<32x128xf32, #tpu.memory_space<vmem>>[vector<16xi32>, vector<16xi32>], vector<16xf32>,
      %add3A_289 = arith.constant 48 : i32
      %add3A_290 = vector.broadcast %add3A_289 : i32 to vector<16xi32>
      %add3A_291 = arith.addi %iota3A, %add3A_290 : vector<16xi32>
      %gather3A_292 = tpu.vector_load_idx %arg32[%add3A_291, %and3A_276] : memref<128x32xf32, #tpu.memory_space<vmem>>[vector<16xi32>, vector<16xi32>], vector<16xf32>,
      tpu.vector_store_idx %arg28[%and3A_276, %add3A_291], %gather3A_292 : memref<32x128xf32, #tpu.memory_space<vmem>>[vector<16xi32>, vector<16xi32>], vector<16xf32>,
      %add3A_293 = arith.constant 64 : i32
      %add3A_294 = vector.broadcast %add3A_293 : i32 to vector<16xi32>
      %add3A_295 = arith.addi %iota3A, %add3A_294 : vector<16xi32>
      %gather3A_296 = tpu.vector_load_idx %arg32[%add3A_295, %and3A_276] : memref<128x32xf32, #tpu.memory_space<vmem>>[vector<16xi32>, vector<16xi32>], vector<16xf32>,
      tpu.vector_store_idx %arg28[%and3A_276, %add3A_295], %gather3A_296 : memref<32x128xf32, #tpu.memory_space<vmem>>[vector<16xi32>, vector<16xi32>], vector<16xf32>,
      %add3A_297 = arith.constant 80 : i32
      %add3A_298 = vector.broadcast %add3A_297 : i32 to vector<16xi32>
      %add3A_299 = arith.addi %iota3A, %add3A_298 : vector<16xi32>
      %gather3A_300 = tpu.vector_load_idx %arg32[%add3A_299, %and3A_276] : memref<128x32xf32, #tpu.memory_space<vmem>>[vector<16xi32>, vector<16xi32>], vector<16xf32>,
      tpu.vector_store_idx %arg28[%and3A_276, %add3A_299], %gather3A_300 : memref<32x128xf32, #tpu.memory_space<vmem>>[vector<16xi32>, vector<16xi32>], vector<16xf32>,
      %add3A_301 = arith.constant 96 : i32
      %add3A_302 = vector.broadcast %add3A_301 : i32 to vector<16xi32>
      %add3A_303 = arith.addi %iota3A, %add3A_302 : vector<16xi32>
      %gather3A_304 = tpu.vector_load_idx %arg32[%add3A_303, %and3A_276] : memref<128x32xf32, #tpu.memory_space<vmem>>[vector<16xi32>, vector<16xi32>], vector<16xf32>,
      tpu.vector_store_idx %arg28[%and3A_276, %add3A_303], %gather3A_304 : memref<32x128xf32, #tpu.memory_space<vmem>>[vector<16xi32>, vector<16xi32>], vector<16xf32>,
      %add3A_305 = arith.constant 112 : i32
      %add3A_306 = vector.broadcast %add3A_305 : i32 to vector<16xi32>
      %add3A_307 = arith.addi %iota3A, %add3A_306 : vector<16xi32>
      %gather3A_308 = tpu.vector_load_idx %arg32[%add3A_307, %and3A_276] : memref<128x32xf32, #tpu.memory_space<vmem>>[vector<16xi32>, vector<16xi32>], vector<16xf32>,
      tpu.vector_store_idx %arg28[%and3A_276, %add3A_307], %gather3A_308 : memref<32x128xf32, #tpu.memory_space<vmem>>[vector<16xi32>, vector<16xi32>], vector<16xf32>,
      %scan3A_309 = arith.constant 0 : i32
      scf.yield %scan3A_309 : i32
    }
    %scan3A_255 = arith.constant 32 : i32
    "tpu.region"() ({
      %run_scoped3A_271 = tpu.sem_alloc : memref<!tpu.dma_semaphore, #tpu.memory_space<semaphore_mem>>
      %dma_start3A_272 = arith.constant 0 : i32
      %dma_start3A_273 = arith.constant 0 : i32
      %dma_start3A_274 = tpu.memref_slice %arg13[%add3A, %dma_start3A_272, %dma_start3A_273] : memref<32x32x128xf32, #tpu.memory_space<hbm>> -> memref<1x32x128xf32, #tpu.memory_space<hbm>>
      %dma_start3A_275 = tpu.memref_squeeze %dma_start3A_274 : memref<1x32x128xf32, #tpu.memory_space<hbm>> -> memref<32x128xf32, #tpu.memory_space<hbm>>
      %dma_start3A_276 = arith.constant 0 : i32
      %dma_start3A_277 = arith.constant 0 : i32
      %dma_start3A_278 = tpu.memref_slice %arg13[%add3A, %dma_start3A_276, %dma_start3A_277] : memref<32x32x128xf32, #tpu.memory_space<hbm>> -> memref<1x32x128xf32, #tpu.memory_space<hbm>>
      %dma_start3A_279 = tpu.memref_squeeze %dma_start3A_278 : memref<1x32x128xf32, #tpu.memory_space<hbm>> -> memref<32x128xf32, #tpu.memory_space<hbm>>
      tpu.enqueue_dma source(%arg28 : memref<32x128xf32, #tpu.memory_space<vmem>>) target(%dma_start3A_279 : memref<32x128xf32, #tpu.memory_space<hbm>>) target_semaphore(%run_scoped3A_271 : memref<!tpu.dma_semaphore, #tpu.memory_space<semaphore_mem>>)
      %dma_wait3A_280 = arith.constant 0 : i32
      %dma_wait3A_281 = arith.constant 0 : i32
      %dma_wait3A_282 = tpu.memref_slice %arg13[%add3A, %dma_wait3A_280, %dma_wait3A_281] : memref<32x32x128xf32, #tpu.memory_space<hbm>> -> memref<1x32x128xf32, #tpu.memory_space<hbm>>
      %dma_wait3A_283 = tpu.memref_squeeze %dma_wait3A_282 : memref<1x32x128xf32, #tpu.memory_space<hbm>> -> memref<32x128xf32, #tpu.memory_space<hbm>>
      %dma_wait3A_284 = arith.constant 0 : i32
      %dma_wait3A_285 = arith.constant 0 : i32
      %dma_wait3A_286 = tpu.memref_slice %arg13[%add3A, %dma_wait3A_284, %dma_wait3A_285] : memref<32x32x128xf32, #tpu.memory_space<hbm>> -> memref<1x32x128xf32, #tpu.memory_space<hbm>>
      %dma_wait3A_287 = tpu.memref_squeeze %dma_wait3A_286 : memref<1x32x128xf32, #tpu.memory_space<hbm>> -> memref<32x128xf32, #tpu.memory_space<hbm>>
      tpu.wait_dma2 semaphore(%run_scoped3A_271 : memref<!tpu.dma_semaphore, #tpu.memory_space<semaphore_mem>>) src(%arg28 : memref<32x128xf32, #tpu.memory_space<vmem>>) dst(%dma_wait3A_287 : memref<32x128xf32, #tpu.memory_space<hbm>>)
      tpu.yield
    }) : () -> ()
    %dma_start3A_256 = arith.constant 0 : i32
    %dma_start3A_257 = arith.constant 0 : i32
    %dma_start3A_258 = tpu.memref_slice %arg2[%dma_start3A_256, %dma_start3A_257] : memref<1000000x32xf32, #tpu.memory_space<hbm>> -> memref<1000000x32xf32, #tpu.memory_space<hbm>>
    tpu.enqueue_indirect_dma source(%dma_start3A_258 : memref<1000000x32xf32, #tpu.memory_space<hbm>>) target(%arg32 : memref<128x32xf32, #tpu.memory_space<vmem>>) offsets(%arg30 : memref<128xi32, #tpu.memory_space<vmem>>) semaphore(%arg36 : memref<!tpu.dma_semaphore, #tpu.memory_space<semaphore_mem>>)
    %dma_wait3A_259 = arith.constant 0 : i32
    %dma_wait3A_260 = arith.constant 0 : i32
    %dma_wait3A_261 = tpu.memref_slice %arg2[%dma_wait3A_259, %dma_wait3A_260] : memref<1000000x32xf32, #tpu.memory_space<hbm>> -> memref<1000000x32xf32, #tpu.memory_space<hbm>>
    tpu.wait_indirect_dma semaphore(%arg36 : memref<!tpu.dma_semaphore, #tpu.memory_space<semaphore_mem>>) src(%dma_wait3A_261 : memref<1000000x32xf32, #tpu.memory_space<hbm>>) dst(%arg32 : memref<128x32xf32, #tpu.memory_space<vmem>>)
    %scan3A_262 = arith.constant 0 : i32
    %scan3A_263 = arith.constant 0 : i32
    %scan3A_264 = arith.constant 32 : i32
    %scan3A_265 = arith.addi %scan3A_263, %scan3A_264 : i32
    %scan3A_266 = arith.constant 1 : i32
    %scan3A_267 = scf.for %scan3A_271 = %scan3A_263 to %scan3A_265 step %scan3A_266 iter_args(%scan3A_272 = %scan3A_262) -> (i32)  : i32 {
      %add3A_273 = vector.broadcast %scan3A_271 : i32 to vector<16xi32>
      %add3A_274 = arith.addi %iota3A, %add3A_273 : vector<16xi32>
      %and3A = arith.constant 31 : i32
      %and3A_275 = vector.broadcast %and3A : i32 to vector<16xi32>
      %and3A_276 = arith.andi %add3A_274, %and3A_275 : vector<16xi32>
      %add3A_277 = arith.constant 0 : i32
      %add3A_278 = vector.broadcast %add3A_277 : i32 to vector<16xi32>
      %add3A_279 = arith.addi %iota3A, %add3A_278 : vector<16xi32>
      %gather3A_280 = tpu.vector_load_idx %arg32[%add3A_279, %and3A_276] : memref<128x32xf32, #tpu.memory_space<vmem>>[vector<16xi32>, vector<16xi32>], vector<16xf32>,
      tpu.vector_store_idx %arg28[%and3A_276, %add3A_279], %gather3A_280 : memref<32x128xf32, #tpu.memory_space<vmem>>[vector<16xi32>, vector<16xi32>], vector<16xf32>,
      %add3A_281 = arith.constant 16 : i32
      %add3A_282 = vector.broadcast %add3A_281 : i32 to vector<16xi32>
      %add3A_283 = arith.addi %iota3A, %add3A_282 : vector<16xi32>
      %gather3A_284 = tpu.vector_load_idx %arg32[%add3A_283, %and3A_276] : memref<128x32xf32, #tpu.memory_space<vmem>>[vector<16xi32>, vector<16xi32>], vector<16xf32>,
      tpu.vector_store_idx %arg28[%and3A_276, %add3A_283], %gather3A_284 : memref<32x128xf32, #tpu.memory_space<vmem>>[vector<16xi32>, vector<16xi32>], vector<16xf32>,
      %add3A_285 = arith.constant 32 : i32
      %add3A_286 = vector.broadcast %add3A_285 : i32 to vector<16xi32>
      %add3A_287 = arith.addi %iota3A, %add3A_286 : vector<16xi32>
      %gather3A_288 = tpu.vector_load_idx %arg32[%add3A_287, %and3A_276] : memref<128x32xf32, #tpu.memory_space<vmem>>[vector<16xi32>, vector<16xi32>], vector<16xf32>,
      tpu.vector_store_idx %arg28[%and3A_276, %add3A_287], %gather3A_288 : memref<32x128xf32, #tpu.memory_space<vmem>>[vector<16xi32>, vector<16xi32>], vector<16xf32>,
      %add3A_289 = arith.constant 48 : i32
      %add3A_290 = vector.broadcast %add3A_289 : i32 to vector<16xi32>
      %add3A_291 = arith.addi %iota3A, %add3A_290 : vector<16xi32>
      %gather3A_292 = tpu.vector_load_idx %arg32[%add3A_291, %and3A_276] : memref<128x32xf32, #tpu.memory_space<vmem>>[vector<16xi32>, vector<16xi32>], vector<16xf32>,
      tpu.vector_store_idx %arg28[%and3A_276, %add3A_291], %gather3A_292 : memref<32x128xf32, #tpu.memory_space<vmem>>[vector<16xi32>, vector<16xi32>], vector<16xf32>,
      %add3A_293 = arith.constant 64 : i32
      %add3A_294 = vector.broadcast %add3A_293 : i32 to vector<16xi32>
      %add3A_295 = arith.addi %iota3A, %add3A_294 : vector<16xi32>
      %gather3A_296 = tpu.vector_load_idx %arg32[%add3A_295, %and3A_276] : memref<128x32xf32, #tpu.memory_space<vmem>>[vector<16xi32>, vector<16xi32>], vector<16xf32>,
      tpu.vector_store_idx %arg28[%and3A_276, %add3A_295], %gather3A_296 : memref<32x128xf32, #tpu.memory_space<vmem>>[vector<16xi32>, vector<16xi32>], vector<16xf32>,
      %add3A_297 = arith.constant 80 : i32
      %add3A_298 = vector.broadcast %add3A_297 : i32 to vector<16xi32>
      %add3A_299 = arith.addi %iota3A, %add3A_298 : vector<16xi32>
      %gather3A_300 = tpu.vector_load_idx %arg32[%add3A_299, %and3A_276] : memref<128x32xf32, #tpu.memory_space<vmem>>[vector<16xi32>, vector<16xi32>], vector<16xf32>,
      tpu.vector_store_idx %arg28[%and3A_276, %add3A_299], %gather3A_300 : memref<32x128xf32, #tpu.memory_space<vmem>>[vector<16xi32>, vector<16xi32>], vector<16xf32>,
      %add3A_301 = arith.constant 96 : i32
      %add3A_302 = vector.broadcast %add3A_301 : i32 to vector<16xi32>
      %add3A_303 = arith.addi %iota3A, %add3A_302 : vector<16xi32>
      %gather3A_304 = tpu.vector_load_idx %arg32[%add3A_303, %and3A_276] : memref<128x32xf32, #tpu.memory_space<vmem>>[vector<16xi32>, vector<16xi32>], vector<16xf32>,
      tpu.vector_store_idx %arg28[%and3A_276, %add3A_303], %gather3A_304 : memref<32x128xf32, #tpu.memory_space<vmem>>[vector<16xi32>, vector<16xi32>], vector<16xf32>,
      %add3A_305 = arith.constant 112 : i32
      %add3A_306 = vector.broadcast %add3A_305 : i32 to vector<16xi32>
      %add3A_307 = arith.addi %iota3A, %add3A_306 : vector<16xi32>
      %gather3A_308 = tpu.vector_load_idx %arg32[%add3A_307, %and3A_276] : memref<128x32xf32, #tpu.memory_space<vmem>>[vector<16xi32>, vector<16xi32>], vector<16xf32>,
      tpu.vector_store_idx %arg28[%and3A_276, %add3A_307], %gather3A_308 : memref<32x128xf32, #tpu.memory_space<vmem>>[vector<16xi32>, vector<16xi32>], vector<16xf32>,
      %scan3A_309 = arith.constant 0 : i32
      scf.yield %scan3A_309 : i32
    }
    %scan3A_268 = arith.constant 32 : i32
    "tpu.region"() ({
      %run_scoped3A_271 = tpu.sem_alloc : memref<!tpu.dma_semaphore, #tpu.memory_space<semaphore_mem>>
      %dma_start3A_272 = arith.constant 0 : i32
      %dma_start3A_273 = arith.constant 0 : i32
      %dma_start3A_274 = tpu.memref_slice %arg14[%add3A, %dma_start3A_272, %dma_start3A_273] : memref<32x32x128xf32, #tpu.memory_space<hbm>> -> memref<1x32x128xf32, #tpu.memory_space<hbm>>
      %dma_start3A_275 = tpu.memref_squeeze %dma_start3A_274 : memref<1x32x128xf32, #tpu.memory_space<hbm>> -> memref<32x128xf32, #tpu.memory_space<hbm>>
      %dma_start3A_276 = arith.constant 0 : i32
      %dma_start3A_277 = arith.constant 0 : i32
      %dma_start3A_278 = tpu.memref_slice %arg14[%add3A, %dma_start3A_276, %dma_start3A_277] : memref<32x32x128xf32, #tpu.memory_space<hbm>> -> memref<1x32x128xf32, #tpu.memory_space<hbm>>
      %dma_start3A_279 = tpu.memref_squeeze %dma_start3A_278 : memref<1x32x128xf32, #tpu.memory_space<hbm>> -> memref<32x128xf32, #tpu.memory_space<hbm>>
      tpu.enqueue_dma source(%arg28 : memref<32x128xf32, #tpu.memory_space<vmem>>) target(%dma_start3A_279 : memref<32x128xf32, #tpu.memory_space<hbm>>) target_semaphore(%run_scoped3A_271 : memref<!tpu.dma_semaphore, #tpu.memory_space<semaphore_mem>>)
      %dma_wait3A_280 = arith.constant 0 : i32
      %dma_wait3A_281 = arith.constant 0 : i32
      %dma_wait3A_282 = tpu.memref_slice %arg14[%add3A, %dma_wait3A_280, %dma_wait3A_281] : memref<32x32x128xf32, #tpu.memory_space<hbm>> -> memref<1x32x128xf32, #tpu.memory_space<hbm>>
      %dma_wait3A_283 = tpu.memref_squeeze %dma_wait3A_282 : memref<1x32x128xf32, #tpu.memory_space<hbm>> -> memref<32x128xf32, #tpu.memory_space<hbm>>
      %dma_wait3A_284 = arith.constant 0 : i32
      %dma_wait3A_285 = arith.constant 0 : i32
      %dma_wait3A_286 = tpu.memref_slice %arg14[%add3A, %dma_wait3A_284, %dma_wait3A_285] : memref<32x32x128xf32, #tpu.memory_space<hbm>> -> memref<1x32x128xf32, #tpu.memory_space<hbm>>
      %dma_wait3A_287 = tpu.memref_squeeze %dma_wait3A_286 : memref<1x32x128xf32, #tpu.memory_space<hbm>> -> memref<32x128xf32, #tpu.memory_space<hbm>>
      tpu.wait_dma2 semaphore(%run_scoped3A_271 : memref<!tpu.dma_semaphore, #tpu.memory_space<semaphore_mem>>) src(%arg28 : memref<32x128xf32, #tpu.memory_space<vmem>>) dst(%dma_wait3A_287 : memref<32x128xf32, #tpu.memory_space<hbm>>)
      tpu.yield
    }) : () -> ()
    %eq3A = arith.constant 0 : i32
    %eq3A_269 = arith.cmpi eq, %add3A, %eq3A : i32
    %convert_element_type3A = arith.extui %eq3A_269 : i1 to i32
    %cond3A = arith.constant 0 : i32
    %cond3A_270 = arith.cmpi ne, %convert_element_type3A, %cond3A : i32
    scf.if %cond3A_270 {
      "tpu.region"() ({
        %run_scoped3A_277 = tpu.sem_alloc : memref<!tpu.dma_semaphore, #tpu.memory_space<semaphore_mem>>
        tpu.enqueue_dma source(%arg9 : memref<8xi32, #tpu.memory_space<hbm>>) target(%arg33 : memref<8xi32, #tpu.memory_space<vmem>>) target_semaphore(%run_scoped3A_277 : memref<!tpu.dma_semaphore, #tpu.memory_space<semaphore_mem>>)
        tpu.wait_dma2 semaphore(%run_scoped3A_277 : memref<!tpu.dma_semaphore, #tpu.memory_space<semaphore_mem>>) src(%arg9 : memref<8xi32, #tpu.memory_space<hbm>>) dst(%arg33 : memref<8xi32, #tpu.memory_space<vmem>>)
        tpu.yield
      }) : () -> ()
      %dma_start3A_271 = arith.constant 0 : i32
      %dma_start3A_272 = arith.constant 0 : i32
      %dma_start3A_273 = tpu.memref_slice %arg2[%dma_start3A_271, %dma_start3A_272] : memref<1000000x32xf32, #tpu.memory_space<hbm>> -> memref<1000000x32xf32, #tpu.memory_space<hbm>>
      tpu.enqueue_indirect_dma source(%dma_start3A_273 : memref<1000000x32xf32, #tpu.memory_space<hbm>>) target(%arg34 : memref<8x32xf32, #tpu.memory_space<vmem>>) offsets(%arg33 : memref<8xi32, #tpu.memory_space<vmem>>) semaphore(%arg36 : memref<!tpu.dma_semaphore, #tpu.memory_space<semaphore_mem>>)
      %dma_wait3A_274 = arith.constant 0 : i32
      %dma_wait3A_275 = arith.constant 0 : i32
      %dma_wait3A_276 = tpu.memref_slice %arg2[%dma_wait3A_274, %dma_wait3A_275] : memref<1000000x32xf32, #tpu.memory_space<hbm>> -> memref<1000000x32xf32, #tpu.memory_space<hbm>>
      tpu.wait_indirect_dma semaphore(%arg36 : memref<!tpu.dma_semaphore, #tpu.memory_space<semaphore_mem>>) src(%dma_wait3A_276 : memref<1000000x32xf32, #tpu.memory_space<hbm>>) dst(%arg34 : memref<8x32xf32, #tpu.memory_space<vmem>>)
      "tpu.region"() ({
        %run_scoped3A_277 = tpu.sem_alloc : memref<!tpu.dma_semaphore, #tpu.memory_space<semaphore_mem>>
        %dma_start3A_278 = arith.constant 0 : i32
        %dma_start3A_279 = arith.constant 0 : i32
        %dma_start3A_280 = tpu.memref_slice %arg16[%dma_start3A_278, %dma_start3A_279] : memref<8x128xf32, #tpu.memory_space<hbm>> -> memref<8x32xf32, #tpu.memory_space<hbm>>
        %dma_start3A_281 = arith.constant 0 : i32
        %dma_start3A_282 = arith.constant 0 : i32
        %dma_start3A_283 = tpu.memref_slice %arg16[%dma_start3A_281, %dma_start3A_282] : memref<8x128xf32, #tpu.memory_space<hbm>> -> memref<8x32xf32, #tpu.memory_space<hbm>>
        tpu.enqueue_dma source(%arg34 : memref<8x32xf32, #tpu.memory_space<vmem>>) target(%dma_start3A_283 : memref<8x32xf32, #tpu.memory_space<hbm>>) target_semaphore(%run_scoped3A_277 : memref<!tpu.dma_semaphore, #tpu.memory_space<semaphore_mem>>)
        %dma_wait3A_284 = arith.constant 0 : i32
        %dma_wait3A_285 = arith.constant 0 : i32
        %dma_wait3A_286 = tpu.memref_slice %arg16[%dma_wait3A_284, %dma_wait3A_285] : memref<8x128xf32, #tpu.memory_space<hbm>> -> memref<8x32xf32, #tpu.memory_space<hbm>>
        %dma_wait3A_287 = arith.constant 0 : i32
        %dma_wait3A_288 = arith.constant 0 : i32
        %dma_wait3A_289 = tpu.memref_slice %arg16[%dma_wait3A_287, %dma_wait3A_288] : memref<8x128xf32, #tpu.memory_space<hbm>> -> memref<8x32xf32, #tpu.memory_space<hbm>>
        tpu.wait_dma2 semaphore(%run_scoped3A_277 : memref<!tpu.dma_semaphore, #tpu.memory_space<semaphore_mem>>) src(%arg34 : memref<8x32xf32, #tpu.memory_space<vmem>>) dst(%dma_wait3A_289 : memref<8x32xf32, #tpu.memory_space<hbm>>)
        tpu.yield
      }) : () -> ()
    } else {
    }
    return
  }
}

module attributes {stable_mosaic.version = 14 : i64} {
  func.func @_tc_body(%arg0: i32, %arg1: memref<1x200x32x128xf32, #tpu.memory_space<vmem>>, %arg2: memref<1x200x128xf32, #tpu.memory_space<vmem>>, %arg3: memref<1x200x128xi32, #tpu.memory_space<vmem>>, %arg4: memref<1x1x128xi32, #tpu.memory_space<vmem>>, %arg5: memref<1x32x128xf32, #tpu.memory_space<vmem>>, %arg6: memref<1x32x128xf32, #tpu.memory_space<vmem>>, %arg7: memref<1x1x128xi32, #tpu.memory_space<vmem>>, %arg8: memref<8x128xf32, #tpu.memory_space<vmem>>, %arg9: memref<1x8xi32, #tpu.memory_space<vmem>>, %arg10: memref<32x1xf32, #tpu.memory_space<vmem>>, %arg11: memref<32x1xf32, #tpu.memory_space<vmem>>, %arg12: memref<1x1xf32, #tpu.memory_space<vmem>>, %arg13: memref<1x1x128xf32, #tpu.memory_space<vmem>>, %arg14: memref<1x1xf32, #tpu.memory_space<vmem>>) attributes {dimension_semantics = [#tpu.dimension_semantics<arbitrary>], iteration_bounds = array<i64: 32>, scalar_prefetch = 0 : i64, scratch_operands = 0 : i64, tpu.core_type = #tpu.core_type<tc>, window_params = [{transform_indices = @transform_0, window_bounds = array<i64: 1, 200, 32, 128>}, {transform_indices = @transform_1, window_bounds = array<i64: 1, 200, 128>}, {transform_indices = @transform_2, window_bounds = array<i64: 1, 200, 128>}, {transform_indices = @transform_3, window_bounds = array<i64: 1, 1, 128>}, {transform_indices = @transform_4, window_bounds = array<i64: 1, 32, 128>}, {transform_indices = @transform_5, window_bounds = array<i64: 1, 32, 128>}, {transform_indices = @transform_6, window_bounds = array<i64: 1, 1, 128>}, {pipeline_mode = #tpu.pipeline_mode<synchronous>, transform_indices = @transform_7, window_bounds = array<i64: 8, 128>}, {pipeline_mode = #tpu.pipeline_mode<synchronous>, transform_indices = @transform_8, window_bounds = array<i64: 1, 8>}, {pipeline_mode = #tpu.pipeline_mode<synchronous>, transform_indices = @transform_9, window_bounds = array<i64: 32, 1>}, {pipeline_mode = #tpu.pipeline_mode<synchronous>, transform_indices = @transform_10, window_bounds = array<i64: 32, 1>}, {pipeline_mode = #tpu.pipeline_mode<synchronous>, transform_indices = @transform_11, window_bounds = array<i64: 1, 1>}, {transform_indices = @transform_12, window_bounds = array<i64: 1, 1, 128>}, {pipeline_mode = #tpu.pipeline_mode<synchronous>, transform_indices = @transform_13, window_bounds = array<i64: 1, 1>}]} {
    %get3A = arith.constant 0 : index
    %get3A_0 = arith.constant 0 : index
    %get3A_1 = arith.constant 0 : index
    %get3A_2 = arith.constant 0 : index
    %get3A_3 = vector.load %arg1[%get3A, %get3A_0, %get3A_1, %get3A_2] : memref<1x200x32x128xf32, #tpu.memory_space<vmem>>, vector<1x200x32x128xf32>
    %squeeze3A = vector.shape_cast %get3A_3 : vector<1x200x32x128xf32> to vector<200x32x128xf32>
    %get3A_4 = arith.constant 0 : index
    %get3A_5 = arith.constant 0 : index
    %get3A_6 = vector.load %arg10[%get3A_4, %get3A_5] : memref<32x1xf32, #tpu.memory_space<vmem>>, vector<32x1xf32>
    %broadcast_in_dim3A = vector.shape_cast %get3A_6 : vector<32x1xf32> to vector<1x32x1xf32>
    %mul3A = vector.broadcast %broadcast_in_dim3A : vector<1x32x1xf32> to vector<200x32x128xf32>
    %mul3A_7 = arith.mulf %squeeze3A, %mul3A : vector<200x32x128xf32>
    %reduce_sum3A = arith.constant dense<0.000000e+00> : vector<200x128xf32>
    %reduce_sum3A_8 = vector.multi_reduction <add>, %mul3A_7, %reduce_sum3A [1] : vector<200x32x128xf32> to vector<200x128xf32>
    %get3A_9 = arith.constant 0 : index
    %get3A_10 = arith.constant 0 : index
    %get3A_11 = arith.constant 0 : index
    %get3A_12 = vector.load %arg2[%get3A_9, %get3A_10, %get3A_11] : memref<1x200x128xf32, #tpu.memory_space<vmem>>, vector<1x200x128xf32>
    %squeeze3A_13 = vector.shape_cast %get3A_12 : vector<1x200x128xf32> to vector<200x128xf32>
    %add3A = arith.addf %reduce_sum3A_8, %squeeze3A_13 : vector<200x128xf32>
    %get3A_14 = arith.constant 0 : index
    %get3A_15 = arith.constant 0 : index
    %get3A_16 = vector.load %arg12[%get3A_14, %get3A_15] : memref<1x1xf32, #tpu.memory_space<vmem>>, vector<1x1xf32>
    %get3A_17 = vector.extract %get3A_16[0, 0] : f32 from vector<1x1xf32>
    %add3A_18 = vector.broadcast %get3A_17 : f32 to vector<200x128xf32>
    %add3A_19 = arith.addf %add3A, %add3A_18 : vector<200x128xf32>
    %tanh3A = math.tanh %add3A_19 : vector<200x128xf32>
    %iota3A = tpu.iota {dimensions = array<i32: 0>} : vector<200x128xi32>
    %get3A_20 = arith.constant 0 : index
    %get3A_21 = arith.constant 0 : index
    %get3A_22 = arith.constant 0 : index
    %get3A_23 = vector.load %arg4[%get3A_20, %get3A_21, %get3A_22] : memref<1x1x128xi32, #tpu.memory_space<vmem>>, vector<1x1x128xi32>
    %squeeze3A_24 = vector.shape_cast %get3A_23 : vector<1x1x128xi32> to vector<1x128xi32>
    %lt3A = vector.broadcast %squeeze3A_24 : vector<1x128xi32> to vector<200x128xi32>
    %lt3A_25 = arith.cmpi slt, %iota3A, %lt3A : vector<200x128xi32>
    %exp3A = math.exp %tanh3A : vector<200x128xf32>
    %jit3A = arith.constant 0.000000e+00 : f32
    %broadcast_in_dim3A_26 = vector.broadcast %jit3A : f32 to vector<200x128xf32>
    %select_n3A = arith.select %lt3A_25, %exp3A, %broadcast_in_dim3A_26 : vector<200x128xi1>, vector<200x128xf32>
    %reduce_sum3A_27 = arith.constant dense<0.000000e+00> : vector<128xf32>
    %reduce_sum3A_28 = vector.multi_reduction <add>, %select_n3A, %reduce_sum3A_27 [0] : vector<200x128xf32> to vector<128xf32>
    %broadcast_in_dim3A_29 = vector.shape_cast %reduce_sum3A_28 : vector<128xf32> to vector<1x128xf32>
    %get3A_30 = arith.constant 0 : index
    %get3A_31 = arith.constant 0 : index
    %get3A_32 = arith.constant 0 : index
    %get3A_33 = vector.load %arg3[%get3A_30, %get3A_31, %get3A_32] : memref<1x200x128xi32, #tpu.memory_space<vmem>>, vector<1x200x128xi32>
    %squeeze3A_34 = vector.shape_cast %get3A_33 : vector<1x200x128xi32> to vector<200x128xi32>
    %ne3A = arith.constant 0 : i32
    %ne3A_35 = vector.broadcast %ne3A : i32 to vector<200x128xi32>
    %ne3A_36 = arith.cmpi ne, %squeeze3A_34, %ne3A_35 : vector<200x128xi32>
    %and3A = arith.andi %ne3A_36, %lt3A_25 : vector<200x128xi1>
    %lt3A_37 = arith.constant 199 : i32
    %lt3A_38 = vector.broadcast %lt3A_37 : i32 to vector<200x128xi32>
    %lt3A_39 = arith.cmpi slt, %iota3A, %lt3A_38 : vector<200x128xi32>
    %and3A_40 = arith.andi %and3A, %lt3A_39 : vector<200x128xi1>
    %jit3A_41 = arith.constant 0.000000e+00 : f32
    %broadcast_in_dim3A_42 = vector.broadcast %jit3A_41 : f32 to vector<200x128xf32>
    %select_n3A_43 = arith.select %and3A_40, %select_n3A, %broadcast_in_dim3A_42 : vector<200x128xi1>, vector<200x128xf32>
    %broadcast_in_dim3A_44 = vector.shape_cast %select_n3A : vector<200x128xf32> to vector<200x1x128xf32>
    %mul3A_45 = vector.broadcast %broadcast_in_dim3A_44 : vector<200x1x128xf32> to vector<200x32x128xf32>
    %mul3A_46 = arith.mulf %mul3A_45, %squeeze3A : vector<200x32x128xf32>
    %reduce_sum3A_47 = arith.constant dense<0.000000e+00> : vector<32x128xf32>
    %reduce_sum3A_48 = vector.multi_reduction <add>, %mul3A_46, %reduce_sum3A_47 [0] : vector<200x32x128xf32> to vector<32x128xf32>
    %broadcast_in_dim3A_49 = vector.shape_cast %select_n3A_43 : vector<200x128xf32> to vector<200x1x128xf32>
    %mul3A_50 = vector.broadcast %broadcast_in_dim3A_49 : vector<200x1x128xf32> to vector<200x32x128xf32>
    %mul3A_51 = arith.mulf %mul3A_50, %squeeze3A : vector<200x32x128xf32>
    %reduce_sum3A_52 = arith.constant dense<0.000000e+00> : vector<32x128xf32>
    %reduce_sum3A_53 = vector.multi_reduction <add>, %mul3A_51, %reduce_sum3A_52 [0] : vector<200x32x128xf32> to vector<32x128xf32>
    %div3A = vector.broadcast %broadcast_in_dim3A_29 : vector<1x128xf32> to vector<32x128xf32>
    %div3A_54 = arith.divf %reduce_sum3A_48, %div3A : vector<32x128xf32>
    %max3A = arith.constant 0.000000e+00 : f32
    %max3A_55 = vector.broadcast %max3A : f32 to vector<32x128xf32>
    %max3A_56 = arith.maximumf %div3A_54, %max3A_55 : vector<32x128xf32>
    %get3A_57 = arith.constant 0 : index
    %get3A_58 = arith.constant 0 : index
    %get3A_59 = vector.load %arg11[%get3A_57, %get3A_58] : memref<32x1xf32, #tpu.memory_space<vmem>>, vector<32x1xf32>
    %min3A = arith.constant 0.000000e+00 : f32
    %min3A_60 = vector.broadcast %min3A : f32 to vector<32x128xf32>
    %min3A_61 = arith.minimumf %div3A_54, %min3A_60 : vector<32x128xf32>
    %mul3A_62 = vector.broadcast %get3A_59 : vector<32x1xf32> to vector<32x128xf32>
    %mul3A_63 = arith.mulf %mul3A_62, %min3A_61 : vector<32x128xf32>
    %add3A_64 = arith.addf %max3A_56, %mul3A_63 : vector<32x128xf32>
    %get3A_65 = arith.constant 0 : index
    %get3A_66 = arith.constant 0 : index
    %get3A_67 = arith.constant 0 : index
    %get3A_68 = vector.load %arg6[%get3A_65, %get3A_66, %get3A_67] : memref<1x32x128xf32, #tpu.memory_space<vmem>>, vector<1x32x128xf32>
    %squeeze3A_69 = vector.shape_cast %get3A_68 : vector<1x32x128xf32> to vector<32x128xf32>
    %mul3A_70 = arith.mulf %add3A_64, %squeeze3A_69 : vector<32x128xf32>
    %reduce_sum3A_71 = arith.constant dense<0.000000e+00> : vector<128xf32>
    %reduce_sum3A_72 = vector.multi_reduction <add>, %mul3A_70, %reduce_sum3A_71 [0] : vector<32x128xf32> to vector<128xf32>
    %broadcast_in_dim3A_73 = vector.shape_cast %reduce_sum3A_72 : vector<128xf32> to vector<1x128xf32>
    %broadcast_in_dim3A_74 = vector.shape_cast %broadcast_in_dim3A_73 : vector<1x128xf32> to vector<1x1x128xf32>
    %swap3A = arith.constant 0 : index
    %swap3A_75 = arith.constant 0 : index
    %swap3A_76 = arith.constant 0 : index
    %swap3A_77 = vector.load %arg13[%swap3A, %swap3A_75, %swap3A_76] : memref<1x1x128xf32, #tpu.memory_space<vmem>>, vector<1x1x128xf32>
    tpu.vector_store %arg13[%swap3A, %swap3A_75, %swap3A_76], %broadcast_in_dim3A_74 {strides = array<i32>} : memref<1x1x128xf32, #tpu.memory_space<vmem>>, vector<1x1x128xf32>,
    %div3A_78 = vector.broadcast %broadcast_in_dim3A_29 : vector<1x128xf32> to vector<32x128xf32>
    %div3A_79 = arith.divf %reduce_sum3A_53, %div3A_78 : vector<32x128xf32>
    %log3A = arith.constant 0x49742410 : f32
    %log3A_80 = math.log %log3A : f32
    %get3A_81 = arith.constant 0 : index
    %get3A_82 = arith.constant 0 : index
    %get3A_83 = arith.constant 0 : index
    %get3A_84 = vector.load %arg7[%get3A_81, %get3A_82, %get3A_83] : memref<1x1x128xi32, #tpu.memory_space<vmem>>, vector<1x1x128xi32>
    %squeeze3A_85 = vector.shape_cast %get3A_84 : vector<1x1x128xi32> to vector<1x128xi32>
    %convert_element_type3A = arith.sitofp %squeeze3A_85 : vector<1x128xi32> to vector<1x128xf32>
    %get3A_86 = arith.constant 0 : index
    %get3A_87 = arith.constant 0 : index
    %get3A_88 = arith.constant 0 : index
    %get3A_89 = vector.load %arg5[%get3A_86, %get3A_87, %get3A_88] : memref<1x32x128xf32, #tpu.memory_space<vmem>>, vector<1x32x128xf32>
    %squeeze3A_90 = vector.shape_cast %get3A_89 : vector<1x32x128xf32> to vector<32x128xf32>
    %mul3A_91 = arith.mulf %div3A_79, %squeeze3A_90 : vector<32x128xf32>
    %reduce_sum3A_92 = arith.constant dense<0.000000e+00> : vector<128xf32>
    %reduce_sum3A_93 = vector.multi_reduction <add>, %mul3A_91, %reduce_sum3A_92 [0] : vector<32x128xf32> to vector<128xf32>
    %broadcast_in_dim3A_94 = vector.shape_cast %reduce_sum3A_93 : vector<128xf32> to vector<1x128xf32>
    %add3A_95 = arith.constant 2.000000e+00 : f32
    %add3A_96 = vector.broadcast %add3A_95 : f32 to vector<1x128xf32>
    %add3A_97 = arith.addf %convert_element_type3A, %add3A_96 : vector<1x128xf32>
    %log3A_98 = math.log %add3A_97 : vector<1x128xf32>
    %add3A_99 = arith.constant 1.000000e+00 : f32
    %add3A_100 = vector.broadcast %add3A_99 : f32 to vector<1x128xf32>
    %add3A_101 = arith.addf %convert_element_type3A, %add3A_100 : vector<1x128xf32>
    %log3A_102 = math.log %add3A_101 : vector<1x128xf32>
    %sub3A = arith.subf %log3A_98, %log3A_102 : vector<1x128xf32>
    %div3A_103 = vector.broadcast %log3A_80 : f32 to vector<1x128xf32>
    %div3A_104 = arith.divf %sub3A, %div3A_103 : vector<1x128xf32>
    %log3A_105 = math.log %div3A_104 : vector<1x128xf32>
    %sub3A_106 = arith.subf %broadcast_in_dim3A_94, %log3A_105 : vector<1x128xf32>
    %get3A_107 = arith.constant 0 : index
    %get3A_108 = arith.constant 0 : index
    %get3A_109 = vector.load %arg9[%get3A_107, %get3A_108] : memref<1x8xi32, #tpu.memory_space<vmem>>, vector<1x8xi32>
    %convert_element_type3A_110 = arith.sitofp %get3A_109 : vector<1x8xi32> to vector<1x8xf32>
    %add3A_111 = arith.constant 2.000000e+00 : f32
    %add3A_112 = vector.broadcast %add3A_111 : f32 to vector<1x8xf32>
    %add3A_113 = arith.addf %convert_element_type3A_110, %add3A_112 : vector<1x8xf32>
    %log3A_114 = math.log %add3A_113 : vector<1x8xf32>
    %add3A_115 = arith.constant 1.000000e+00 : f32
    %add3A_116 = vector.broadcast %add3A_115 : f32 to vector<1x8xf32>
    %add3A_117 = arith.addf %convert_element_type3A_110, %add3A_116 : vector<1x8xf32>
    %log3A_118 = math.log %add3A_117 : vector<1x8xf32>
    %sub3A_119 = arith.subf %log3A_114, %log3A_118 : vector<1x8xf32>
    %div3A_120 = vector.broadcast %log3A_80 : f32 to vector<1x8xf32>
    %div3A_121 = arith.divf %sub3A_119, %div3A_120 : vector<1x8xf32>
    %log3A_122 = math.log %div3A_121 : vector<1x8xf32>
    %get3A_123 = arith.constant 0 : index
    %get3A_124 = arith.constant 0 : index
    %get3A_125 = vector.load %arg8[%get3A_123, %get3A_124] : memref<8x128xf32, #tpu.memory_space<vmem>>, vector<1x32xf32>
    %dot_general3A = arith.constant dense<0.000000e+00> : vector<1x128xf32>
    %dot_general3A_126 = tpu.matmul %get3A_125, %div3A_79, %dot_general3A {dimension_numbers = #tpu.dot_dimension_numbers<[1], [0], [0], [1], [0, 0, 1, 1], [], []>, transpose_lhs_hint = false} : vector<1x32xf32>, vector<32x128xf32>, vector<1x128xf32> -> vector<1x128xf32>
    %slice3A = vector.extract_strided_slice %log3A_122 {offsets = [0, 0], sizes = [1, 1], strides = [1, 1]} : vector<1x8xf32> to vector<1x1xf32>
    %sub3A_127 = vector.broadcast %slice3A : vector<1x1xf32> to vector<1x128xf32>
    %sub3A_128 = arith.subf %dot_general3A_126, %sub3A_127 : vector<1x128xf32>
    %max3A_129 = arith.maximumf %sub3A_106, %sub3A_128 : vector<1x128xf32>
    %get3A_130 = arith.constant 1 : index
    %get3A_131 = arith.constant 0 : index
    %get3A_132 = vector.load %arg8[%get3A_130, %get3A_131] : memref<8x128xf32, #tpu.memory_space<vmem>>, vector<1x32xf32>
    %dot_general3A_133 = arith.constant dense<0.000000e+00> : vector<1x128xf32>
    %dot_general3A_134 = tpu.matmul %get3A_132, %div3A_79, %dot_general3A_133 {dimension_numbers = #tpu.dot_dimension_numbers<[1], [0], [0], [1], [0, 0, 1, 1], [], []>, transpose_lhs_hint = false} : vector<1x32xf32>, vector<32x128xf32>, vector<1x128xf32> -> vector<1x128xf32>
    %slice3A_135 = vector.extract_strided_slice %log3A_122 {offsets = [0, 1], sizes = [1, 1], strides = [1, 1]} : vector<1x8xf32> to vector<1x1xf32>
    %sub3A_136 = vector.broadcast %slice3A_135 : vector<1x1xf32> to vector<1x128xf32>
    %sub3A_137 = arith.subf %dot_general3A_134, %sub3A_136 : vector<1x128xf32>
    %max3A_138 = arith.maximumf %max3A_129, %sub3A_137 : vector<1x128xf32>
    %get3A_139 = arith.constant 2 : index
    %get3A_140 = arith.constant 0 : index
    %get3A_141 = vector.load %arg8[%get3A_139, %get3A_140] : memref<8x128xf32, #tpu.memory_space<vmem>>, vector<1x32xf32>
    %dot_general3A_142 = arith.constant dense<0.000000e+00> : vector<1x128xf32>
    %dot_general3A_143 = tpu.matmul %get3A_141, %div3A_79, %dot_general3A_142 {dimension_numbers = #tpu.dot_dimension_numbers<[1], [0], [0], [1], [0, 0, 1, 1], [], []>, transpose_lhs_hint = false} : vector<1x32xf32>, vector<32x128xf32>, vector<1x128xf32> -> vector<1x128xf32>
    %slice3A_144 = vector.extract_strided_slice %log3A_122 {offsets = [0, 2], sizes = [1, 1], strides = [1, 1]} : vector<1x8xf32> to vector<1x1xf32>
    %sub3A_145 = vector.broadcast %slice3A_144 : vector<1x1xf32> to vector<1x128xf32>
    %sub3A_146 = arith.subf %dot_general3A_143, %sub3A_145 : vector<1x128xf32>
    %max3A_147 = arith.maximumf %max3A_138, %sub3A_146 : vector<1x128xf32>
    %get3A_148 = arith.constant 3 : index
    %get3A_149 = arith.constant 0 : index
    %get3A_150 = vector.load %arg8[%get3A_148, %get3A_149] : memref<8x128xf32, #tpu.memory_space<vmem>>, vector<1x32xf32>
    %dot_general3A_151 = arith.constant dense<0.000000e+00> : vector<1x128xf32>
    %dot_general3A_152 = tpu.matmul %get3A_150, %div3A_79, %dot_general3A_151 {dimension_numbers = #tpu.dot_dimension_numbers<[1], [0], [0], [1], [0, 0, 1, 1], [], []>, transpose_lhs_hint = false} : vector<1x32xf32>, vector<32x128xf32>, vector<1x128xf32> -> vector<1x128xf32>
    %slice3A_153 = vector.extract_strided_slice %log3A_122 {offsets = [0, 3], sizes = [1, 1], strides = [1, 1]} : vector<1x8xf32> to vector<1x1xf32>
    %sub3A_154 = vector.broadcast %slice3A_153 : vector<1x1xf32> to vector<1x128xf32>
    %sub3A_155 = arith.subf %dot_general3A_152, %sub3A_154 : vector<1x128xf32>
    %max3A_156 = arith.maximumf %max3A_147, %sub3A_155 : vector<1x128xf32>
    %get3A_157 = arith.constant 4 : index
    %get3A_158 = arith.constant 0 : index
    %get3A_159 = vector.load %arg8[%get3A_157, %get3A_158] : memref<8x128xf32, #tpu.memory_space<vmem>>, vector<1x32xf32>
    %dot_general3A_160 = arith.constant dense<0.000000e+00> : vector<1x128xf32>
    %dot_general3A_161 = tpu.matmul %get3A_159, %div3A_79, %dot_general3A_160 {dimension_numbers = #tpu.dot_dimension_numbers<[1], [0], [0], [1], [0, 0, 1, 1], [], []>, transpose_lhs_hint = false} : vector<1x32xf32>, vector<32x128xf32>, vector<1x128xf32> -> vector<1x128xf32>
    %slice3A_162 = vector.extract_strided_slice %log3A_122 {offsets = [0, 4], sizes = [1, 1], strides = [1, 1]} : vector<1x8xf32> to vector<1x1xf32>
    %sub3A_163 = vector.broadcast %slice3A_162 : vector<1x1xf32> to vector<1x128xf32>
    %sub3A_164 = arith.subf %dot_general3A_161, %sub3A_163 : vector<1x128xf32>
    %max3A_165 = arith.maximumf %max3A_156, %sub3A_164 : vector<1x128xf32>
    %sub3A_166 = arith.subf %sub3A_106, %max3A_165 : vector<1x128xf32>
    %exp3A_167 = math.exp %sub3A_166 : vector<1x128xf32>
    %sub3A_168 = arith.subf %sub3A_128, %max3A_165 : vector<1x128xf32>
    %exp3A_169 = math.exp %sub3A_168 : vector<1x128xf32>
    %add3A_170 = arith.addf %exp3A_167, %exp3A_169 : vector<1x128xf32>
    %sub3A_171 = arith.subf %sub3A_137, %max3A_165 : vector<1x128xf32>
    %exp3A_172 = math.exp %sub3A_171 : vector<1x128xf32>
    %add3A_173 = arith.addf %add3A_170, %exp3A_172 : vector<1x128xf32>
    %sub3A_174 = arith.subf %sub3A_146, %max3A_165 : vector<1x128xf32>
    %exp3A_175 = math.exp %sub3A_174 : vector<1x128xf32>
    %add3A_176 = arith.addf %add3A_173, %exp3A_175 : vector<1x128xf32>
    %sub3A_177 = arith.subf %sub3A_155, %max3A_165 : vector<1x128xf32>
    %exp3A_178 = math.exp %sub3A_177 : vector<1x128xf32>
    %add3A_179 = arith.addf %add3A_176, %exp3A_178 : vector<1x128xf32>
    %sub3A_180 = arith.subf %sub3A_164, %max3A_165 : vector<1x128xf32>
    %exp3A_181 = math.exp %sub3A_180 : vector<1x128xf32>
    %add3A_182 = arith.addf %add3A_179, %exp3A_181 : vector<1x128xf32>
    %log3A_183 = math.log %add3A_182 : vector<1x128xf32>
    %add3A_184 = arith.addf %max3A_165, %log3A_183 : vector<1x128xf32>
    %sub3A_185 = arith.subf %add3A_184, %sub3A_106 : vector<1x128xf32>
    %reduce_sum3A_186 = arith.constant dense<0.000000e+00> : vector<1xf32>
    %reduce_sum3A_187 = vector.multi_reduction <add>, %sub3A_185, %reduce_sum3A_186 [1] : vector<1x128xf32> to vector<1xf32>
    %broadcast_in_dim3A_188 = vector.shape_cast %reduce_sum3A_187 : vector<1xf32> to vector<1x1xf32>
    %mul3A_189 = arith.constant 2.44140625E-4 : f32
    %mul3A_190 = vector.broadcast %mul3A_189 : f32 to vector<1x1xf32>
    %mul3A_191 = arith.mulf %broadcast_in_dim3A_188, %mul3A_190 : vector<1x1xf32>
    %eq3A = arith.constant 0 : i32
    %eq3A_192 = arith.cmpi eq, %arg0, %eq3A : i32
    %convert_element_type3A_193 = arith.extui %eq3A_192 : i1 to i32
    %cond3A = arith.constant 0 : i32
    %cond3A_194 = arith.cmpi ne, %convert_element_type3A_193, %cond3A : i32
    scf.if %cond3A_194 {
      %broadcast_in_dim3A_202 = arith.constant 0.000000e+00 : f32
      %broadcast_in_dim3A_203 = vector.broadcast %broadcast_in_dim3A_202 : f32 to vector<1x1xf32>
      %swap3A_204 = arith.constant 0 : index
      %swap3A_205 = arith.constant 0 : index
      %swap3A_206 = vector.load %arg14[%swap3A_204, %swap3A_205] : memref<1x1xf32, #tpu.memory_space<vmem>>, vector<1x1xf32>
      tpu.vector_store %arg14[%swap3A_204, %swap3A_205], %broadcast_in_dim3A_203 {strides = array<i32>} : memref<1x1xf32, #tpu.memory_space<vmem>>, vector<1x1xf32>,
    } else {
    }
    %get3A_195 = arith.constant 0 : index
    %get3A_196 = arith.constant 0 : index
    %get3A_197 = vector.load %arg14[%get3A_195, %get3A_196] : memref<1x1xf32, #tpu.memory_space<vmem>>, vector<1x1xf32>
    %add3A_198 = arith.addf %get3A_197, %mul3A_191 : vector<1x1xf32>
    %swap3A_199 = arith.constant 0 : index
    %swap3A_200 = arith.constant 0 : index
    %swap3A_201 = vector.load %arg14[%swap3A_199, %swap3A_200] : memref<1x1xf32, #tpu.memory_space<vmem>>, vector<1x1xf32>
    tpu.vector_store %arg14[%swap3A_199, %swap3A_200], %add3A_198 {strides = array<i32>} : memref<1x1xf32, #tpu.memory_space<vmem>>, vector<1x1xf32>,
    return
  }
  func.func @transform_0(%arg0: i32) -> (i32, i32, i32, i32) {
    %c0_i32 = arith.constant 0 : i32
    %c0_i32_0 = arith.constant 0 : i32
    %c0_i32_1 = arith.constant 0 : i32
    %c0_i32_2 = arith.constant 0 : i32
    return %arg0, %c0_i32, %c0_i32_0, %c0_i32_1 : i32, i32, i32, i32
  }
  func.func @transform_1(%arg0: i32) -> (i32, i32, i32) {
    %c0_i32 = arith.constant 0 : i32
    %c0_i32_0 = arith.constant 0 : i32
    %c0_i32_1 = arith.constant 0 : i32
    return %arg0, %c0_i32, %c0_i32_0 : i32, i32, i32
  }
  func.func @transform_2(%arg0: i32) -> (i32, i32, i32) {
    %c0_i32 = arith.constant 0 : i32
    %c0_i32_0 = arith.constant 0 : i32
    %c0_i32_1 = arith.constant 0 : i32
    return %arg0, %c0_i32, %c0_i32_0 : i32, i32, i32
  }
  func.func @transform_3(%arg0: i32) -> (i32, i32, i32) {
    %c0_i32 = arith.constant 0 : i32
    %c0_i32_0 = arith.constant 0 : i32
    %c0_i32_1 = arith.constant 0 : i32
    return %arg0, %c0_i32, %c0_i32_0 : i32, i32, i32
  }
  func.func @transform_4(%arg0: i32) -> (i32, i32, i32) {
    %c0_i32 = arith.constant 0 : i32
    %c0_i32_0 = arith.constant 0 : i32
    %c0_i32_1 = arith.constant 0 : i32
    return %arg0, %c0_i32, %c0_i32_0 : i32, i32, i32
  }
  func.func @transform_5(%arg0: i32) -> (i32, i32, i32) {
    %c0_i32 = arith.constant 0 : i32
    %c0_i32_0 = arith.constant 0 : i32
    %c0_i32_1 = arith.constant 0 : i32
    return %arg0, %c0_i32, %c0_i32_0 : i32, i32, i32
  }
  func.func @transform_6(%arg0: i32) -> (i32, i32, i32) {
    %c0_i32 = arith.constant 0 : i32
    %c0_i32_0 = arith.constant 0 : i32
    %c0_i32_1 = arith.constant 0 : i32
    return %arg0, %c0_i32, %c0_i32_0 : i32, i32, i32
  }
  func.func @transform_7(%arg0: i32) -> (i32, i32) {
    %c0_i32 = arith.constant 0 : i32
    %c0_i32_0 = arith.constant 0 : i32
    %c0_i32_1 = arith.constant 0 : i32
    return %c0_i32, %c0_i32_0 : i32, i32
  }
  func.func @transform_8(%arg0: i32) -> (i32, i32) {
    %c0_i32 = arith.constant 0 : i32
    %c0_i32_0 = arith.constant 0 : i32
    %c0_i32_1 = arith.constant 0 : i32
    return %c0_i32, %c0_i32_0 : i32, i32
  }
  func.func @transform_9(%arg0: i32) -> (i32, i32) {
    %c0_i32 = arith.constant 0 : i32
    %c0_i32_0 = arith.constant 0 : i32
    %c0_i32_1 = arith.constant 0 : i32
    return %c0_i32, %c0_i32_0 : i32, i32
  }
  func.func @transform_10(%arg0: i32) -> (i32, i32) {
    %c0_i32 = arith.constant 0 : i32
    %c0_i32_0 = arith.constant 0 : i32
    %c0_i32_1 = arith.constant 0 : i32
    return %c0_i32, %c0_i32_0 : i32, i32
  }
  func.func @transform_11(%arg0: i32) -> (i32, i32) {
    %c0_i32 = arith.constant 0 : i32
    %c0_i32_0 = arith.constant 0 : i32
    %c0_i32_1 = arith.constant 0 : i32
    return %c0_i32, %c0_i32_0 : i32, i32
  }
  func.func @transform_12(%arg0: i32) -> (i32, i32, i32) {
    %c0_i32 = arith.constant 0 : i32
    %c0_i32_0 = arith.constant 0 : i32
    %c0_i32_1 = arith.constant 0 : i32
    return %arg0, %c0_i32, %c0_i32_0 : i32, i32, i32
  }
  func.func @transform_13(%arg0: i32) -> (i32, i32) {
    %c0_i32 = arith.constant 0 : i32
    %c0_i32_0 = arith.constant 0 : i32
    %c0_i32_1 = arith.constant 0 : i32
    return %c0_i32, %c0_i32_0 : i32, i32
  }
}

</mosaic_0001>

<sc_bundles>
// kernel: kernel.4.cloned.1.call-start
scs
__scs_entry_jumppad:
0x0: {  	(pc) =	sbr.rel $0x88, $3  }
0x1: {  	(tag) =	ssettag $0x0;
	lr =	simm.s32 $0x1  }
0x2: {  	[smem:$0x3F97] =	sst lr;
	_ =	strace $0xD0000000  }
0x3: {  	_ = 	snop  }
0x4: {  	_ = 	snop  }
0x5: {  	_ = 	snop  }
0x6: {  	_ = 	snop  }
0x7: {  	_ = 	snop  }
__scs_overlays_trampoline_lowered:
0x8: {  	[smem:$0x3FA6] =	sst s0  }
0x9: {  	[smem:$0x3FA7] =	sst s1  }
0xa: {  	[smem:$0x3FA8] =	sst s2  }
0xb: {  	[smem:$0x3FA9] =	sst s3  }
0xc: {  	[smem:$0x3FAA] =	sst s4  }
0xd: {  	[smem:$0x3FAB] =	sst s5  }
0xe: {  	[smem:$0x3FAC] =	sst s6  }
0xf: {  	[smem:$0x3FAD] =	sst s7  }
0x10: {  	[smem:$0x3FAE] =	sst s8  }
0x11: {  	[smem:$0x3FAF] =	sst s9;
	s0 =	simm.s32 @!p0 $0x0  }
0x12: {  	s1 =	sld [smem:$0x3F95];
	s0 =	simm.s32 @p0 $0x1  }
0x13: {  	[smem:$0x3FB0] =	sst s0;
	s0 =	simm.s32 @!p1 $0x0  }
0x14: {  	s2 =	sld [smem:$0x3F94];
	s0 =	simm.s32 @p1 $0x1  }
0x15: {  	[smem:$0x3FB1] =	sst s0;
	s0 =	simm.s32 @!p2 $0x0  }
0x16: {  	s3 =	sld [smem:$0x3FDB];
	s0 =	simm.s32 @p2 $0x1  }
0x17: {  	s4 =	simm.s32 $0x1BF5;
	[smem:$0x3FB3] =	sst s0  }
0x18: {  	s0 =	sld [smem:$0x3F96];
	_ =	swait.ge [sflag:s4], $0x0  }
0x19: {  	s7 =	sld [smem:$0x3F97]  }
0x1a: {  	s8 =	sadd.s32 $0xFFFFE003, lr  }
0x1b: {  	s9 =	sadd.s32 $0xFFFFFEF7, lr;
	s5 =	simm.s32 $0xFFFFFFFF;
	p2 =	slt.u32 s8, $0xFFFFF086  }
0x1c: {  	p1 =	slt.u32 s9, $0xF7A;
	s5 =	simm.s32 @!p2 $0x0  }
0x1d: {  	s5 =	simm.s32 @p1 $0x1;
	p0 =	seq.s32 s7, s2  }
0x1e: {  	s7 =	smul.u32 @!p0 $0xF7A, s2;
	p2 =	seq.s32 @!p0 s5, $0x0  }
0x1f: {  	s9 =	smul.u32 $0xF7A, s1;
	s8 =	simm.s32 @!p0 $0x1BF5;
	p2 =	por !p2, p0  }
0x20: {  	[sflag:s8] =	ssyncset.s32 @!p0 $0xFFFFF086;
	s6 =	sadd.s32 @!p0 s3, s7;
	s7 =	simm.s32 @!p0 $0x108  }
0x21: {  	s3 =	sadd.s32 s3, s9;
	s6 =	sadd.s32 @!p0 $0x88, s6;
	s7 =	simm.s32 @p2 $0x1082  }
0x22: {  	[simem:s7], [sflag:s8] =	dma.local @!p0 [hbm:s6], $0xF7A  }
0x23: {  	s9 =	sor.u32 $0xD0000000, s2;
	s6 =	simm.s32 $0x108;
	_ =	swait.ge @!p0 [sflag:s8], $0x0  }
0x24: {  	s3 =	sadd.s32 $0x88, s3;
	s6 =	simm.s32 @!p1 $0x1082;
	[sflag:s4] =	ssyncset.s32 $0xFFFFF086  }
0x25: {  	[simem:s6], [sflag:s4] =	dma.local [hbm:s3], $0xF7A  }
0x26: {  	[smem:$0x3F97] =	sst s1;
	(tag) =	ssettag s2;
	_ =	strace s9  }
0x27: {  	s1 =	sld [smem:$0x3FA7]  }
0x28: {  	s2 =	sld [smem:$0x3FA8]  }
0x29: {  	s4 =	sld [smem:$0x3FAA]  }
0x2a: {  	p0 =	seq.s32 s5, $0x0;
	s5 =	sld [smem:$0x3FAB]  }
0x2b: {  	s6 =	sld [smem:$0x3FAC]  }
0x2c: {  	s7 =	sld [smem:$0x3FAD]  }
0x2d: {  	s3 =	simm.s32 $0x108;
	s8 =	sld [smem:$0x3FAE]  }
0x2e: {  	s3 =	simm.s32 @!p0 $0x1082;
	s9 =	sld [smem:$0x3FAF]  }
0x2f: {  	lr =	sadd.s32 s0, s3;
	s0 =	sld [smem:$0x3FA6]  }
0x30: {  	s3 =	sld [smem:$0x3FA9]  }
0x31: {  	[smem:$0x3FB2] =	sst s10  }
0x32: {  	s10 =	sld [smem:$0x3FB0];
	_ =	sdelay $0x3  }
0x33: {  	p0 =	seq.s32 s10, $0x1;
	s10 =	sld [smem:$0x3FB2];
	_ =	sdelay $0x3  }
0x34: {  	[smem:$0x3FB2] =	sst s10  }
0x35: {  	s10 =	sld [smem:$0x3FB1];
	_ =	sdelay $0x3  }
0x36: {  	p1 =	seq.s32 s10, $0x1;
	s10 =	sld [smem:$0x3FB2];
	_ =	sdelay $0x3  }
0x37: {  	[smem:$0x3FB2] =	sst s10  }
0x38: {  	s10 =	sld [smem:$0x3FB3]  }
0x39: {  	_ = 	snop;
	(pc) =	sbr.ind lr, $3  }
0x3a: {  	_ = 	snop  }
0x3b: {  	_ = 	snop  }
0x3c: {  	p2 =	seq.s32 s10, $0x1;
	s10 =	sld [smem:$0x3FB2]  }
0x3d: {  	_ =	shalt  }
0x3e: {  	_ =	shalt  }
0x3f: {  	_ =	shalt  }
0x40: {  	_ =	shalt  }
0x41: {  	_ =	shalt  }
0x42: {  	_ =	shalt  }
0x43: {  	_ =	shalt  }
0x44: {  	_ =	shalt  }
0x45: {  	_ =	shalt  }
0x46: {  	_ =	shalt  }
0x47: {  	_ =	shalt  }
0x48: {  	_ =	shalt  }
0x49: {  	_ =	shalt  }
0x4a: {  	_ =	shalt  }
0x4b: {  	_ =	shalt  }
0x4c: {  	_ =	shalt  }
0x4d: {  	_ =	shalt  }
0x4e: {  	_ =	shalt  }
0x4f: {  	_ =	shalt  }
0x50: {  	_ =	shalt  }
0x51: {  	_ =	shalt  }
0x52: {  	_ =	shalt  }
0x53: {  	_ =	shalt  }
0x54: {  	_ =	shalt  }
0x55: {  	_ =	shalt  }
0x56: {  	_ =	shalt  }
0x57: {  	_ =	shalt  }
0x58: {  	_ =	shalt  }
0x59: {  	_ =	shalt  }
0x5a: {  	_ =	shalt  }
0x5b: {  	_ =	shalt  }
0x5c: {  	_ =	shalt  }
0x5d: {  	_ =	shalt  }
0x5e: {  	_ =	shalt  }
0x5f: {  	_ =	shalt  }
0x60: {  	_ =	shalt  }
0x61: {  	_ =	shalt  }
0x62: {  	_ =	shalt  }
0x63: {  	_ =	shalt  }
0x64: {  	_ =	shalt  }
0x65: {  	_ =	shalt  }
0x66: {  	_ =	shalt  }
0x67: {  	_ =	shalt  }
0x68: {  	_ =	shalt  }
0x69: {  	_ =	shalt  }
0x6a: {  	_ =	shalt  }
0x6b: {  	_ =	shalt  }
0x6c: {  	_ =	shalt  }
0x6d: {  	_ =	shalt  }
0x6e: {  	_ =	shalt  }
0x6f: {  	_ =	shalt  }
0x70: {  	_ =	shalt  }
0x71: {  	_ =	shalt  }
0x72: {  	_ =	shalt  }
0x73: {  	_ =	shalt  }
0x74: {  	_ =	shalt  }
0x75: {  	_ =	shalt  }
0x76: {  	_ =	shalt  }
0x77: {  	_ =	shalt  }
0x78: {  	_ =	shalt  }
0x79: {  	_ =	shalt  }
0x7a: {  	_ =	shalt  }
0x7b: {  	_ =	shalt  }
0x7c: {  	_ =	shalt  }
0x7d: {  	_ =	shalt  }
0x7e: {  	_ =	shalt  }
0x7f: {  	_ =	shalt  }
0x80: {  	_ =	shalt  }
0x81: {  	_ =	shalt  }
0x82: {  	_ =	shalt  }
0x83: {  	_ =	shalt  }
0x84: {  	_ =	shalt  }
0x85: {  	_ =	shalt  }
0x86: {  	_ =	shalt  }
0x87: {  	_ =	shalt  }
.Lfunc_end0:
.L_simem_size_0:
called_computation_lowered:
.L_overlay_start_0:
0x88: {  	s2 =	sld [smem:$0x3FD9]  }
0x89: {  	s3 =	sld [smem:$0x3FFE];
	_ =	sdelay $0x1  }
0x8a: {  	s1 =	srdreg.scid  }
0x8b: {  	s0 =	sand.u32 $0x1, s1  }
0x8c: {  	s14 =	sshll.u32 s0, $0xA;
	s2 =	sadd.s32 s3, s2  }
0x8d: {  	s2 =	sadd.s32 s2, s14  }
0x8e: {  	[smem:$0x3FBE] =	sst s2  }
0x8f: {  	_ = 	snop  }
0x90: {  	s2 =	sld [smem:$0x3FD0];
	_ =	sdelay $0x1  }
0x91: {  	s15 =	sld [smem:$0x3FC7]  }
0x92: {  	s5 =	simm.s32 $0xA;
	s6 =	simm.s32 $0x10;
	s4 =	sld [smem:$0x3FC6]  }
0x93: {  	[smem:s6], [sflag:s5] =	dma.local [hbm:s2], $0x1  }
0x94: {  	_ =	swait.eq [sflag:s5], $0x1  }
0x95: {  	[sflag:s5] =	ssyncset.done $0x0  }
0x96: {  	s16 =	sld [smem:$0x10];
	[sflag:s5] =	ssyncadd.s32 $0xFFFFFFFF  }
0x97: {  	s17 =	sld [smem:$0x11];
	(tm) =	ssettm $0x1  }
0x98: {  	s18 =	sld [smem:$0x3FFB];
	_ =	sdelay $0x3  }
0x99: {  	_ =	strace s18  }
0x9a: {  	s6 =	sld [smem:$0x3FFC];
	_ =	sdelay $0x3  }
0x9b: {  	_ =	strace s6  }
0x9c: {  	s6 =	sld [smem:$0x3FFD];
	_ =	sdelay $0x3  }
0x9d: {  	_ =	strace s6  }
0x9e: {  	_ =	strace $0x8FFFFFFF  }
0x9f: {  	s19 =	sld [smem:$0x3FDB];
	_ =	sdelay $0x1  }
0xa0: {  	s7 =	simm.s32 $_scs_section_size  }
0xa1: {  	s8 =	simm.s32 $_size__tile_overlayer_lowered;
	s9 =	simm.s32 $_tile_overlayer_lowered  }
0xa2: {  	s22 =	simm.s32 $0x1BFF;
	s21 =	sshll.u32 s9, $0x1;
	s6 =	sadd.s32 s7, s19  }
0xa3: {  	s10 =	simm.s32 $0x0;
	s20 =	sshll.u32 s8, $0x1;
	s8 =	sadd.s32 s21, s6  }
0xa4: {  	[timem:s10], [sflag:s22] =	dma.local [hbm:s8], s20  }
0xa5: {  	_ =	swait.ge [sflag:s22], s20  }
0xa6: {  	s7 =	ssub.s32 $0x0, s20;
	[sflag:s22] =	ssyncset.done $0x0  }
0xa7: {  	[sflag:s22] =	ssyncadd.s32 s7;
	_ =	sdelay $0x1  }
0xa8: {  	s23 =	simm.s32 $0x1B8B  }
0xa9: {  	_ =	swait.ge [sflag:s23], $0x1  }
0xaa: {  	[sflag:s23] =	ssyncset.done $0x0  }
0xab: {  	s25 =	simm.s32 $0x1B8E;
	s24 =	sld [smem:$0x3FFE];
	[sflag:s23] =	ssyncadd.s32 $0xFFFFFFFF  }
0xac: {  	s26 =	simm.s32 $execute0_lowered;
	[smem:$0x3FD2] =	sst s25  }
0xad: {  	s8 =	sshll.u32 s26, $0x1;
	_ =	strace $0x80000046;
	[dreg:$0x1] =	wrdreg $0xFFFFFFFF  }
0xae: {  	s28 =	simm.s32 $_size_execute0_lowered;
	s6 =	sadd.s32 s6, s8;
	[dreg:$0x0] =	wrdreg $0x0  }
0xaf: {  	s8 =	sshll.u32 s28, $0x1;
	[dreg:$0x2] =	wrdreg s6  }
0xb0: {  	[dreg:$0x3] =	wrdreg s8  }
0xb1: {  	[dreg:$0x4] =	wrdreg $0xC0  }
0xb2: {  	_ =	task [dreg:s10], $0x5FFFF  }
0xb3: {  	[dreg:$0x1] =	wrdreg $0xFFFFFFFF  }
0xb4: {  	[dreg:$0x0] =	wrdreg $0x60  }
0xb5: {  	[dreg:$0x2] =	wrdreg s24  }
0xb6: {  	[dreg:$0x3] =	wrdreg s4  }
0xb7: {  	[dreg:$0x4] =	wrdreg s15  }
0xb8: {  	[dreg:$0x5] =	wrdreg s17  }
0xb9: {  	[dreg:$0x6] =	wrdreg s16  }
0xba: {  	[dreg:$0x7] =	wrdreg $0x9  }
0xbb: {  	_ =	task.clear_ibuf [dreg:s10], $0x8FFFF;
	_ =	strace $0x90000046  }
0xbc: {  	s29 =	simm.s32 $0x9;
	_ =	strace $0x80000048  }
0xbd: {  	_ =	swait.ge [sflag:s29], $0x1  }
0xbe: {  	[sflag:s29] =	ssyncadd.s32 $0xFFFFFFFF  }
0xbf: {  	_ =	strace $0x90000048  }
0xc0: {  	_ =	sfence  }
0xc1: {  	s30 =	sld [smem:$0x0];
	_ =	sdelay $0x2  }
0xc2: {  	s31 =	sshll.u32 s1, $0xD;
	s1 =	sshrl.u32 s1, $0x2  }
0xc3: {  	s3 =	sand.u32 $0x4000, s31;
	s1 =	sadd.s32 s1, s30  }
0xc4: {  	s0 =	sor.u32 s3, s0;
	s1 =	sshll.u32 s1, $0x11  }
0xc5: {  	s0 =	sor.u32 s1, s0  }
0xc6: {  	s0 =	sadd.s32 $0x8F2B, s0  }
0xc7: {  	[sflag:s0] =	ssyncadd.remote.s32 $0x1  }
0xc8: {  	_ =	sfence.sel $0xFFFF  }
0xc9: {  	[dreg:$0x0] =	wrdreg $0xFFFFFFFF;
	(pc) =	sbr.abs _section_cstart, $3  }
0xca: {  	[dreg:$0x1] =	wrdreg $0xFFFFFFFF  }
0xcb: {  	_ =	task.clear_ibuf [dreg:s10], $0x2FFFF;
	_ =	strace $0x9FFFFFFF  }
0xcc: {  	(tm) =	ssettm $0x7FFFFFFF  }
0xcd: {  	_ =	shalt  }
tec
execute0_lowered:
.L_overlay_start_1:
0x0: {  	(tag) =	ssettag $0x1  }
0x1: {  	s0 =	rddreg [dreg:$0x0]  }
0x2: {  	s1 =	rddreg [dreg:$0x1]  }
0x3: {  	s2 =	rddreg [dreg:$0x2]  }
0x4: {  	s5 =	rddreg [dreg:$0x4]  }
0x5: {  	s3 =	simm.s32 $0x0;
	s4 =	srdreg.scid;
	s7 =	stileid.u32  }
0x6: {  	s20 =	simm.s32 $0x4;
	s28 =	simm.s32 $0x1BB70;
	s29 =	simm.s32 $0x1BBF0  }
0x7: {  	s30 =	simm.s32 $0x1AA00;
	s31 =	simm.s32 $0x1;
	[smem:$0x7FF] =	sst s3  }
0x8: {  	s6 =	sand.u32 $0x1, s4;
	s7 =	sshll.u32 s7, $0x1;
	s21 =	sadd.s32 $0x34800, s0  }
0x9: {  	s22 =	sadd.s32 $0x34C00, s0;
	_ =	strace $0x80000047;
	[dreg:$0x6] =	wrdreg s21  }
0xa: {  	s4 =	sadd.s32 $0xF44C00, s0;
	s8 =	sor.u32 s6, s7;
	[dreg:$0x7] =	wrdreg s22  }
0xb: {  	s7 =	sadd.s32 $0x6F000, s0;
	s6 =	ssub.s32 $0x2, s6;
	s21 =	simm.s32 $0x6400  }
0xc: {  	v0 =	vlaneseq.u32;
	s22 =	simm.s32 $0x19000;
	s9 =	smul.u32 $0xC80, s8;
	s10 =	sshll.u32 s8, $0x9  }
0xd: {  	v1 =	vmul.u32 $0xC8, v0;
	s11 =	sshrl.u32 s6, $0x1;
	s26 =	sshll.u32 s8, $0x4;
	p0 =	sne.s32 s8, $0x0  }
0xe: {  	v2 =	vmul.u32 $0x20, v0;
	v11 =	vor.u32 $0x10, v0;
	s10 =	sadd.s32 s10, s0;
	s23 =	ssub.s32 s6, s11;
	s11 =	smul.u32 $0xC8000, s8  }
0xf: {  	v13 =	vor.u32 $0x20, v0;
	v15 =	vor.u32 $0x30, v0;
	v3 =	vadd.s32 $0xFFFFFFFF, v1;
	s1 =	sadd.s32 s1, s26;
	s15 =	sadd.s32 s2, s26;
	s16 =	sadd.s32 s5, s26  }
0x10: {  	v17 =	vor.u32 $0x40, v0;
	v19 =	vor.u32 $0x50, v0;
	v28 =	vadd.s32 $0xC80, v1;
	s26 =	simm.s32 $0x1AB70;
	[tilespmem:$0x1FF80] =	vst v3;
	s2 =	simm.s32 $0x3;
	s5 =	simm.s32 $0x2  }
0x11: {  	v21 =	vor.u32 $0x60, v0;
	v23 =	vor.u32 $0x70, v0;
	v3 =	vadd.s32 $0xC7F, v1;
	s6 =	simm.s32 $0x0;
	[tilespmem:$0x1FFF0] =	vst v28;
	s9 =	sadd.s32 s9, s0;
	s0 =	sadd.s32 $0x6EE00, s0  }
0x12: {  	v4 =	vadd.s32 $0x1900, v1;
	v5 =	vadd.s32 $0x2580, v1;
	[dreg:$0xd] =	wrdreg s1;
	s17 =	sadd.s32 $0x66E00, s10;
	s18 =	sadd.s32 $0x6AE00, s10;
	[tilespmem:$0x1FF90] =	vst v3;
	v3 =	vadd.s32 $0x18FF, v1  }
0x13: {  	v6 =	vadd.s32 $0x3200, v1;
	v7 =	vadd.s32 $0x3E80, v1;
	s19 =	smax.u32 s23, $0x1;
	[dreg:$0x8] =	wrdreg s0;
	s24 =	sadd.s32 $0x2800, s9;
	[tilespmem:$0x1FFA0] =	vst v3;
	v3 =	vadd.s32 $0x257F, v1  }
0x14: {  	v8 =	vadd.s32 $0x4B00, v1;
	v9 =	vadd.s32 $0x5780, v1;
	s1 =	simm.s32 $0x1DC70;
	s25 =	sadd.s32 $0x1B800, s9;
	[dreg:$0x9] =	wrdreg s24;
	[tilespmem:$0x1FFB0] =	vst v3;
	v3 =	vadd.s32 $0x31FF, v1  }
0x15: {  	v10 =	vor.u32 $0x200, v2;
	v12 =	vor.u32 $0x400, v2;
	s23 =	simm.s32 $0x1DCF0;
	s12 =	sadd.s32 $0x34E00, s9;
	[dreg:$0xa] =	wrdreg s25;
	[tilespmem:$0x1FFC0] =	vst v3;
	v3 =	vadd.s32 $0x3E7F, v1  }
0x16: {  	v14 =	vor.u32 $0x600, v2;
	v16 =	vor.u32 $0x800, v2;
	s9 =	sadd.s32 $0x4DE00, s9;
	s0 =	simm.s32 $0x1CBF0;
	[dreg:$0xb] =	wrdreg s12;
	[tilespmem:$0x1FFD0] =	vst v3;
	v3 =	vadd.s32 $0x4AFF, v1  }
0x17: {  	v18 =	vor.u32 $0xA00, v2;
	v20 =	vor.u32 $0xC00, v2;
	v22 =	vor.u32 $0xE00, v2;
	[dreg:$0xc] =	wrdreg s9;
	s24 =	simm.s32 $0x80;
	s25 =	simm.s32 $0x1DD70;
	[tilespmem:$0x1FFE0] =	vst v3  }
.LBB2_1:
0x18: {  	s8 =	rddreg [dreg:$0x9]  }
0x19: {  	[tilespmem:s3], [sflag:$0x4] =	stream.linear.gather [hbm4b:s8+s3], $0x6400, $0x38;
	[tilespmem:$0x1EE78] =	vst v63  }
0x1a: {  	_ =	swait.ge [sflag:s20], $0x6400  }
0x1b: {  	[sflag:s20] =	ssyncset.done $0x0  }
0x1c: {  	s9 =	rddreg [dreg:$0xa];
	[sflag:s20] =	ssyncadd.s32 $0xFFFF9C00  }
0x1d: {  	[tilespmem:s21], [sflag:$0x4] =	stream.linear.gather [hbm4b:s9+s3], $0x6400, $0x38;
	[tilespmem:$0x1EE78] =	vst v63  }
0x1e: {  	_ =	swait.ge [sflag:s20], $0x6400  }
0x1f: {  	[sflag:s20] =	ssyncset.done $0x0  }
0x20: {  	s10 =	rddreg [dreg:$0x6];
	[sflag:s20] =	ssyncadd.s32 $0xFFFF9C00  }
0x21: {  	[tilespmem:s22], [sflag:$0x4] =	stream.linear.gather [hbm4b:s10+s3], $0x1900, $0x38;
	[tilespmem:$0x1EE78] =	vst v63  }
0x22: {  	_ =	swait.ge [sflag:s20], $0x1900  }
0x23: {  	[sflag:s20] =	ssyncset.done $0x0  }
0x24: {  	[sflag:s20] =	ssyncadd.s32 $0xFFFFE700  }
0x25: {  	v24 =	vmov s3;
	s9 =	simm.s32 $0x1AAD0;
	s12 =	rddreg [dreg:$0x3]  }
0x26: {  	v24 =	vshll.u32 v24, $0x5;
	[tilespmem:s9], [sflag:$0x4] =	stream.linear.gather [hbm4b:s12+s3], $0x20, $0x38;
	[tilespmem:$0x1EE78] =	vst v63  }
0x27: {  	v59 =	vor.u32 v2, v24;
	_ =	swait.ge [sflag:s20], $0x20  }
0x28: {  	[sflag:s20] =	ssyncset.done $0x0  }
0x29: {  	v24 =	vor.u32 $0x1, v59;
	[sflag:s20] =	ssyncadd.s32 $0xFFFFFFE0  }
0x2a: {  	v25 =	vld [tilespmem:$0x1AAD0]  }
0x2b: {  	v26 =	vor.u32 $0x2, v59  }
0x2c: {  	v31 =	vld.idx.msk [tilespmem:v59+s22+$0x0], $0xffff  }
0x2d: {  	v33 =	vor.u32 $0x3, v59  }
0x2e: {  	v24 =	vld.idx.msk [tilespmem:v24+s22+$0x0], $0xffff  }
0x2f: {  	v35 =	vor.u32 $0x4, v59;
	v34 =	vbroadcast v25, $0x0  }
0x30: {  	v26 =	vld.idx.msk [tilespmem:v26+s22+$0x0], $0xffff  }
0x31: {  	v36 =	vor.u32 $0x5, v59;
	v32 =	vbroadcast v25, $0x1;
	v37 =	vmul.f32 v31, v34  }
0x32: {  	v39 =	vor.u32 $0x6, v59;
	v38 =	vld.idx.msk [tilespmem:v33+s22+$0x0], $0xffff  }
0x33: {  	v31 =	vbroadcast v25, $0x2;
	v24 =	vmul.f32 v24, v32;
	v37 =	vadd.f32 $0.0e+00, v37  }
0x34: {  	v41 =	vor.u32 $0x7, v59;
	v40 =	vld.idx.msk [tilespmem:v35+s22+$0x0], $0xffff  }
0x35: {  	v33 =	vbroadcast v25, $0x3;
	v26 =	vmul.f32 v26, v31;
	v24 =	vadd.f32 v24, v37  }
0x36: {  	v43 =	vor.u32 $0x8, v59;
	v42 =	vld.idx.msk [tilespmem:v36+s22+$0x0], $0xffff  }
0x37: {  	v35 =	vbroadcast v25, $0x4;
	v24 =	vadd.f32 v26, v24;
	v26 =	vmul.f32 v38, v33  }
0x38: {  	v44 =	vor.u32 $0x9, v59;
	v39 =	vld.idx.msk [tilespmem:v39+s22+$0x0], $0xffff  }
0x39: {  	v36 =	vbroadcast v25, $0x5;
	v24 =	vadd.f32 v26, v24;
	v26 =	vmul.f32 v40, v35  }
0x3a: {  	v53 =	vor.u32 $0xA, v59;
	v52 =	vld.idx.msk [tilespmem:v41+s22+$0x0], $0xffff  }
0x3b: {  	v37 =	vbroadcast v25, $0x6;
	v24 =	vadd.f32 v26, v24;
	v26 =	vmul.f32 v42, v36  }
0x3c: {  	v55 =	vor.u32 $0xB, v59;
	v54 =	vld.idx.msk [tilespmem:v43+s22+$0x0], $0xffff  }
0x3d: {  	v38 =	vbroadcast v25, $0x7;
	v24 =	vadd.f32 v26, v24;
	v26 =	vmul.f32 v39, v37  }
0x3e: {  	v45 =	vor.u32 $0xC, v59;
	v44 =	vld.idx.msk [tilespmem:v44+s22+$0x0], $0xffff  }
0x3f: {  	v39 =	vbroadcast v25, $0x8;
	v24 =	vadd.f32 v26, v24;
	v26 =	vmul.f32 v52, v38  }
0x40: {  	v47 =	vor.u32 $0xD, v59;
	v46 =	vld.idx.msk [tilespmem:v53+s22+$0x0], $0xffff  }
0x41: {  	v40 =	vbroadcast v25, $0x9;
	v24 =	vadd.f32 v26, v24;
	v26 =	vmul.f32 v54, v39  }
0x42: {  	v49 =	vor.u32 $0xE, v59;
	v48 =	vld.idx.msk [tilespmem:v55+s22+$0x0], $0xffff  }
0x43: {  	v41 =	vbroadcast v25, $0xA;
	v24 =	vadd.f32 v26, v24;
	v26 =	vmul.f32 v44, v40  }
0x44: {  	v50 =	vor.u32 $0xF, v59;
	v45 =	vld.idx.msk [tilespmem:v45+s22+$0x0], $0xffff  }
0x45: {  	v42 =	vbroadcast v25, $0xB;
	v24 =	vadd.f32 v26, v24;
	v26 =	vmul.f32 v46, v41  }
0x46: {  	v57 =	vor.u32 $0x10, v59;
	v56 =	vld.idx.msk [tilespmem:v47+s22+$0x0], $0xffff  }
0x47: {  	v43 =	vbroadcast v25, $0xC;
	v24 =	vadd.f32 v26, v24;
	v26 =	vmul.f32 v48, v42  }
0x48: {  	v60 =	vor.u32 $0x11, v59;
	v58 =	vld.idx.msk [tilespmem:v49+s22+$0x0], $0xffff  }
0x49: {  	v62 =	vld [tilespmem:$0x1AAE0];
	v44 =	vbroadcast v25, $0xD;
	v24 =	vadd.f32 v26, v24;
	v26 =	vmul.f32 v45, v43  }
0x4a: {  	v51 =	vor.u32 $0x12, v59;
	v50 =	vld.idx.msk [tilespmem:v50+s22+$0x0], $0xffff  }
0x4b: {  	v45 =	vbroadcast v25, $0xE;
	v24 =	vadd.f32 v26, v24;
	v26 =	vmul.f32 v56, v44  }
0x4c: {  	v46 =	vbroadcast v25, $0xF;
	v25 =	vld.idx.msk [tilespmem:v57+s22+$0x0], $0xffff  }
0x4d: {  	v52 =	vor.u32 $0x13, v59;
	v24 =	vadd.f32 v26, v24;
	v26 =	vmul.f32 v58, v45  }
0x4e: {  	v53 =	vld.idx.msk [tilespmem:v60+s22+$0x0], $0xffff;
	v47 =	vbroadcast v62, $0x0  }
0x4f: {  	v54 =	vor.u32 $0x14, v59;
	v24 =	vadd.f32 v26, v24;
	v26 =	vmul.f32 v50, v46  }
0x50: {  	v51 =	vld.idx.msk [tilespmem:v51+s22+$0x0], $0xffff;
	v55 =	vor.u32 $0x15, v59  }
0x51: {  	v48 =	vbroadcast v62, $0x1;
	v25 =	vmul.f32 v25, v47;
	v24 =	vadd.f32 v26, v24  }
0x52: {  	v49 =	vbroadcast v62, $0x2;
	v26 =	vld.idx.msk [tilespmem:v52+s22+$0x0], $0xffff  }
0x53: {  	v56 =	vor.u32 $0x16, v59;
	v24 =	vadd.f32 v25, v24;
	v25 =	vmul.f32 v53, v48  }
0x54: {  	v63 =	vor.u32 $0x17, v59;
	v61 =	vld.idx.msk [tilespmem:v54+s22+$0x0], $0xffff  }
0x55: {  	v50 =	vbroadcast v62, $0x3;
	v24 =	vadd.f32 v25, v24;
	v25 =	vmul.f32 v51, v49  }
0x56: {  	v55 =	vld.idx.msk [tilespmem:v55+s22+$0x0], $0xffff;
	v57 =	vor.u32 $0x18, v59  }
0x57: {  	v51 =	vbroadcast v62, $0x4;
	v24 =	vadd.f32 v25, v24;
	v25 =	vmul.f32 v26, v50  }
0x58: {  	v52 =	vbroadcast v62, $0x5;
	v26 =	vld.idx.msk [tilespmem:v56+s22+$0x0], $0xffff  }
0x59: {  	v56 =	vor.u32 $0x19, v59;
	v24 =	vadd.f32 v25, v24;
	v25 =	vmul.f32 v61, v51  }
0x5a: {  	v60 =	vor.u32 $0x1A, v59;
	v58 =	vld.idx.msk [tilespmem:v63+s22+$0x0], $0xffff  }
0x5b: {  	v53 =	vbroadcast v62, $0x6;
	v24 =	vadd.f32 v25, v24;
	v25 =	vmul.f32 v55, v52  }
0x5c: {  	v54 =	vbroadcast v62, $0x7;
	v57 =	vld.idx.msk [tilespmem:v57+s22+$0x0], $0xffff  }
0x5d: {  	v61 =	vor.u32 $0x1B, v59;
	v24 =	vadd.f32 v25, v24;
	v25 =	vmul.f32 v26, v53  }
0x5e: {  	v63 =	vor.u32 $0x1C, v59;
	v26 =	vld.idx.msk [tilespmem:v56+s22+$0x0], $0xffff  }
0x5f: {  	v55 =	vbroadcast v62, $0x8;
	v24 =	vadd.f32 v25, v24;
	v25 =	vmul.f32 v58, v54  }
0x60: {  	v27 =	vor.u32 $0x1D, v59;
	v60 =	vld.idx.msk [tilespmem:v60+s22+$0x0], $0xffff  }
0x61: {  	v56 =	vbroadcast v62, $0x9;
	v24 =	vadd.f32 v25, v24;
	v25 =	vmul.f32 v57, v55  }
0x62: {  	v28 =	vor.u32 $0x1E, v59;
	v61 =	vld.idx.msk [tilespmem:v61+s22+$0x0], $0xffff  }
0x63: {  	v57 =	vbroadcast v62, $0xA;
	v24 =	vadd.f32 v25, v24;
	v25 =	vmul.f32 v26, v56  }
0x64: {  	v58 =	vbroadcast v62, $0xB;
	v26 =	vld.idx.msk [tilespmem:v63+s22+$0x0], $0xffff  }
0x65: {  	v63 =	vor.u32 $0x1F, v59;
	v24 =	vadd.f32 v25, v24;
	v25 =	vmul.f32 v60, v57  }
0x66: {  	v27 =	vld.idx.msk [tilespmem:v27+s22+$0x0], $0xffff  }
0x67: {  	v59 =	vbroadcast v62, $0xC;
	v24 =	vadd.f32 v25, v24;
	v25 =	vmul.f32 v61, v58  }
0x68: {  	v28 =	vld.idx.msk [tilespmem:v28+s22+$0x0], $0xffff  }
0x69: {  	v60 =	vbroadcast v62, $0xD;
	v24 =	vadd.f32 v25, v24;
	v25 =	vmul.f32 v26, v59  }
0x6a: {  	v26 =	vld.idx.msk [tilespmem:v63+s22+$0x0], $0xffff  }
0x6b: {  	v61 =	vbroadcast v62, $0xE;
	v24 =	vadd.f32 v25, v24;
	v25 =	vmul.f32 v27, v60  }
0x6c: {  	s13 =	simm.s32 $0x10;
	v62 =	vbroadcast v62, $0xF  }
0x6d: {  	v27 =	vmov s13;
	v24 =	vadd.f32 v25, v24;
	v25 =	vmul.f32 v28, v61  }
0x6e: {  	v27 =	vshll.u32 v27, $0x5  }
0x6f: {  	v27 =	vor.u32 v2, v27;
	v24 =	vadd.f32 v25, v24;
	v25 =	vmul.f32 v26, v62;
	_ =	sdelay $0x1  }
0x70: {  	v26 =	vor.u32 $0x1, v27;
	v24 =	vadd.f32 v25, v24;
	_ =	sdelay $0x1  }
0x71: {  	v25 =	vor.u32 $0x2, v27;
	[tilespmem:s30+$0x0] =	vst v24  }
0x72: {  	v24 =	vld.idx.msk [tilespmem:v27+s22+$0x0], $0xffff  }
0x73: {  	v28 =	vor.u32 $0x3, v27  }
0x74: {  	v26 =	vld.idx.msk [tilespmem:v26+s22+$0x0], $0xffff  }
0x75: {  	v63 =	vor.u32 $0x4, v27  }
0x76: {  	v25 =	vld.idx.msk [tilespmem:v25+s22+$0x0], $0xffff  }
0x77: {  	v29 =	vor.u32 $0x5, v27;
	v24 =	vmul.f32 v24, v34  }
0x78: {  	v28 =	vld.idx.msk [tilespmem:v28+s22+$0x0], $0xffff  }
0x79: {  	v30 =	vor.u32 $0x6, v27;
	v26 =	vmul.f32 v26, v32;
	v24 =	vadd.f32 $0.0e+00, v24  }
0x7a: {  	v63 =	vld.idx.msk [tilespmem:v63+s22+$0x0], $0xffff  }
0x7b: {  	v3 =	vor.u32 $0x7, v27;
	v25 =	vmul.f32 v25, v31;
	v24 =	vadd.f32 v26, v24  }
0x7c: {  	v26 =	vld.idx.msk [tilespmem:v29+s22+$0x0], $0xffff  }
0x7d: {  	v29 =	vor.u32 $0x8, v27;
	v24 =	vadd.f32 v25, v24;
	v25 =	vmul.f32 v28, v33  }
0x7e: {  	v28 =	vld.idx.msk [tilespmem:v30+s22+$0x0], $0xffff  }
0x7f: {  	v30 =	vor.u32 $0x9, v27;
	v24 =	vadd.f32 v25, v24;
	v25 =	vmul.f32 v63, v35  }
0x80: {  	v3 =	vld.idx.msk [tilespmem:v3+s22+$0x0], $0xffff  }
0x81: {  	v63 =	vor.u32 $0xA, v27;
	v24 =	vadd.f32 v25, v24;
	v25 =	vmul.f32 v26, v36  }
0x82: {  	v26 =	vld.idx.msk [tilespmem:v29+s22+$0x0], $0xffff  }
0x83: {  	v29 =	vor.u32 $0xB, v27;
	v24 =	vadd.f32 v25, v24;
	v25 =	vmul.f32 v28, v37  }
0x84: {  	v28 =	vld.idx.msk [tilespmem:v30+s22+$0x0], $0xffff  }
0x85: {  	v3 =	vmul.f32 v3, v38;
	v30 =	vor.u32 $0xC, v27;
	v24 =	vadd.f32 v25, v24  }
0x86: {  	v25 =	vld.idx.msk [tilespmem:v63+s22+$0x0], $0xffff  }
0x87: {  	v63 =	vor.u32 $0xD, v27;
	v3 =	vadd.f32 v3, v24;
	v24 =	vmul.f32 v26, v39  }
0x88: {  	v26 =	vld.idx.msk [tilespmem:v29+s22+$0x0], $0xffff  }
0x89: {  	v29 =	vor.u32 $0xE, v27;
	v3 =	vadd.f32 v24, v3;
	v24 =	vmul.f32 v28, v40  }
0x8a: {  	v28 =	vld.idx.msk [tilespmem:v30+s22+$0x0], $0xffff  }
0x8b: {  	v30 =	vor.u32 $0xF, v27;
	v3 =	vadd.f32 v24, v3;
	v24 =	vmul.f32 v25, v41  }
0x8c: {  	v25 =	vld.idx.msk [tilespmem:v63+s22+$0x0], $0xffff  }
0x8d: {  	v63 =	vor.u32 $0x10, v27;
	v3 =	vadd.f32 v24, v3;
	v24 =	vmul.f32 v26, v42  }
0x8e: {  	v26 =	vld.idx.msk [tilespmem:v29+s22+$0x0], $0xffff  }
0x8f: {  	v29 =	vor.u32 $0x11, v27;
	v3 =	vadd.f32 v24, v3;
	v24 =	vmul.f32 v28, v43  }
0x90: {  	v28 =	vld.idx.msk [tilespmem:v30+s22+$0x0], $0xffff  }
0x91: {  	v30 =	vor.u32 $0x12, v27;
	v3 =	vadd.f32 v24, v3;
	v24 =	vmul.f32 v25, v44  }
0x92: {  	v25 =	vld.idx.msk [tilespmem:v63+s22+$0x0], $0xffff  }
0x93: {  	v63 =	vor.u32 $0x13, v27;
	v3 =	vadd.f32 v24, v3;
	v24 =	vmul.f32 v26, v45  }
0x94: {  	v26 =	vld.idx.msk [tilespmem:v29+s22+$0x0], $0xffff  }
0x95: {  	v29 =	vor.u32 $0x14, v27;
	v3 =	vadd.f32 v24, v3;
	v24 =	vmul.f32 v28, v46  }
0x96: {  	v28 =	vld.idx.msk [tilespmem:v30+s22+$0x0], $0xffff  }
0x97: {  	v30 =	vor.u32 $0x15, v27;
	v3 =	vadd.f32 v24, v3;
	v24 =	vmul.f32 v25, v47  }
0x98: {  	v25 =	vld.idx.msk [tilespmem:v63+s22+$0x0], $0xffff  }
0x99: {  	v63 =	vor.u32 $0x16, v27;
	v3 =	vadd.f32 v24, v3;
	v24 =	vmul.f32 v26, v48  }
0x9a: {  	v26 =	vld.idx.msk [tilespmem:v29+s22+$0x0], $0xffff  }
0x9b: {  	v29 =	vor.u32 $0x17, v27;
	v3 =	vadd.f32 v24, v3;
	v24 =	vmul.f32 v28, v49  }
0x9c: {  	v28 =	vld.idx.msk [tilespmem:v30+s22+$0x0], $0xffff  }
0x9d: {  	v30 =	vor.u32 $0x18, v27;
	v3 =	vadd.f32 v24, v3;
	v24 =	vmul.f32 v25, v50  }
0x9e: {  	v25 =	vld.idx.msk [tilespmem:v63+s22+$0x0], $0xffff  }
0x9f: {  	v63 =	vor.u32 $0x19, v27;
	v3 =	vadd.f32 v24, v3;
	v24 =	vmul.f32 v26, v51  }
0xa0: {  	v26 =	vld.idx.msk [tilespmem:v29+s22+$0x0], $0xffff  }
0xa1: {  	v29 =	vor.u32 $0x1A, v27;
	v3 =	vadd.f32 v24, v3;
	v24 =	vmul.f32 v28, v52  }
0xa2: {  	v28 =	vld.idx.msk [tilespmem:v30+s22+$0x0], $0xffff  }
0xa3: {  	v30 =	vor.u32 $0x1B, v27;
	v3 =	vadd.f32 v24, v3;
	v24 =	vmul.f32 v25, v53  }
0xa4: {  	v25 =	vld.idx.msk [tilespmem:v63+s22+$0x0], $0xffff  }
0xa5: {  	v63 =	vor.u32 $0x1C, v27;
	v3 =	vadd.f32 v24, v3;
	v24 =	vmul.f32 v26, v54  }
0xa6: {  	v26 =	vld.idx.msk [tilespmem:v29+s22+$0x0], $0xffff  }
0xa7: {  	v3 =	vadd.f32 v24, v3;
	v24 =	vmul.f32 v28, v55  }
0xa8: {  	v29 =	vor.u32 $0x1D, v27;
	v28 =	vld.idx.msk [tilespmem:v30+s22+$0x0], $0xffff  }
0xa9: {  	v3 =	vadd.f32 v24, v3;
	v24 =	vmul.f32 v25, v56  }
0xaa: {  	v30 =	vor.u32 $0x1E, v27;
	v25 =	vld.idx.msk [tilespmem:v63+s22+$0x0], $0xffff  }
0xab: {  	v3 =	vadd.f32 v24, v3;
	v24 =	vmul.f32 v26, v57  }
0xac: {  	v27 =	vor.u32 $0x1F, v27  }
0xad: {  	v26 =	vld.idx.msk [tilespmem:v29+s22+$0x0], $0xffff;
	v3 =	vadd.f32 v24, v3;
	v24 =	vmul.f32 v28, v58;
	_ =	sdelay $0x1  }
0xae: {  	v28 =	vld.idx.msk [tilespmem:v30+s22+$0x0], $0xffff;
	v3 =	vadd.f32 v24, v3;
	v24 =	vmul.f32 v25, v59;
	_ =	sdelay $0x1  }
0xaf: {  	v3 =	vadd.f32 v24, v3;
	v24 =	vld.idx.msk [tilespmem:v27+s22+$0x0], $0xffff  }
0xb0: {  	v25 =	vmul.f32 v26, v60  }
0xb1: {  	s14 =	simm.s32 $0x20  }
0xb2: {  	s8 =	simm.s32 $0x1AA00;
	s9 =	simm.s32 $0x30;
	v63 =	vmov s14;
	v26 =	vmul.f32 v28, v61;
	v25 =	vadd.f32 v25, v3  }
.LBB2_2:
0xb3: {  	p1 =	sne.s32 s9, $0xC0;
	v3 =	vshll.u32 v63, $0x5  }
0xb4: {  	v24 =	vmul.f32 v24, v62;
	v63 =	vor.u32 v2, v3;
	v3 =	vadd.f32 v26, v25;
	_ =	sdelay $0x1  }
0xb5: {  	v25 =	vor.u32 $0x1, v63;
	v3 =	vadd.f32 v24, v3  }
0xb6: {  	s8 =	sadd.s32 $0x10, s8  }
0xb7: {  	v24 =	vor.u32 $0x2, v63;
	[tilespmem:s8+$0x0] =	vst v3  }
0xb8: {  	v3 =	vld.idx.msk [tilespmem:v63+s22+$0x0], $0xffff  }
0xb9: {  	v26 =	vor.u32 $0x3, v63  }
0xba: {  	v25 =	vld.idx.msk [tilespmem:v25+s22+$0x0], $0xffff  }
0xbb: {  	v27 =	vor.u32 $0x4, v63  }
0xbc: {  	v24 =	vld.idx.msk [tilespmem:v24+s22+$0x0], $0xffff  }
0xbd: {  	v28 =	vor.u32 $0x5, v63  }
0xbe: {  	v3 =	vmul.f32 v3, v34;
	v26 =	vld.idx.msk [tilespmem:v26+s22+$0x0], $0xffff  }
0xbf: {  	v29 =	vor.u32 $0x6, v63  }
0xc0: {  	v3 =	vadd.f32 $0.0e+00, v3;
	v25 =	vmul.f32 v25, v32;
	v27 =	vld.idx.msk [tilespmem:v27+s22+$0x0], $0xffff  }
0xc1: {  	v30 =	vor.u32 $0x7, v63  }
0xc2: {  	v3 =	vadd.f32 v25, v3;
	v24 =	vmul.f32 v24, v31;
	v25 =	vld.idx.msk [tilespmem:v28+s22+$0x0], $0xffff  }
0xc3: {  	v28 =	vor.u32 $0x8, v63  }
0xc4: {  	v3 =	vadd.f32 v24, v3;
	v24 =	vmul.f32 v26, v33;
	v26 =	vld.idx.msk [tilespmem:v29+s22+$0x0], $0xffff  }
0xc5: {  	v29 =	vor.u32 $0x9, v63  }
0xc6: {  	v3 =	vadd.f32 v24, v3;
	v24 =	vmul.f32 v27, v35;
	v27 =	vld.idx.msk [tilespmem:v30+s22+$0x0], $0xffff  }
0xc7: {  	v30 =	vor.u32 $0xA, v63  }
0xc8: {  	v3 =	vadd.f32 v24, v3;
	v24 =	vmul.f32 v25, v36;
	v25 =	vld.idx.msk [tilespmem:v28+s22+$0x0], $0xffff  }
0xc9: {  	v28 =	vor.u32 $0xB, v63  }
0xca: {  	v3 =	vadd.f32 v24, v3;
	v24 =	vmul.f32 v26, v37;
	v26 =	vld.idx.msk [tilespmem:v29+s22+$0x0], $0xffff  }
0xcb: {  	v29 =	vor.u32 $0xC, v63  }
0xcc: {  	v3 =	vadd.f32 v24, v3;
	v24 =	vmul.f32 v27, v38;
	v27 =	vld.idx.msk [tilespmem:v30+s22+$0x0], $0xffff  }
0xcd: {  	v30 =	vor.u32 $0xD, v63  }
0xce: {  	v3 =	vadd.f32 v24, v3;
	v24 =	vmul.f32 v25, v39;
	v25 =	vld.idx.msk [tilespmem:v28+s22+$0x0], $0xffff  }
0xcf: {  	v28 =	vor.u32 $0xE, v63  }
0xd0: {  	v3 =	vadd.f32 v24, v3;
	v24 =	vmul.f32 v26, v40;
	v26 =	vld.idx.msk [tilespmem:v29+s22+$0x0], $0xffff  }
0xd1: {  	v29 =	vor.u32 $0xF, v63  }
0xd2: {  	v3 =	vadd.f32 v24, v3;
	v24 =	vmul.f32 v27, v41;
	v27 =	vld.idx.msk [tilespmem:v30+s22+$0x0], $0xffff  }
0xd3: {  	v30 =	vor.u32 $0x10, v63  }
0xd4: {  	v3 =	vadd.f32 v24, v3;
	v24 =	vmul.f32 v25, v42;
	v25 =	vld.idx.msk [tilespmem:v28+s22+$0x0], $0xffff  }
0xd5: {  	v28 =	vor.u32 $0x11, v63  }
0xd6: {  	v3 =	vadd.f32 v24, v3;
	v24 =	vmul.f32 v26, v43;
	v26 =	vld.idx.msk [tilespmem:v29+s22+$0x0], $0xffff  }
0xd7: {  	v29 =	vor.u32 $0x12, v63  }
0xd8: {  	v3 =	vadd.f32 v24, v3;
	v24 =	vmul.f32 v27, v44;
	v27 =	vld.idx.msk [tilespmem:v30+s22+$0x0], $0xffff  }
0xd9: {  	v30 =	vor.u32 $0x13, v63  }
0xda: {  	v3 =	vadd.f32 v24, v3;
	v24 =	vmul.f32 v25, v45;
	v25 =	vld.idx.msk [tilespmem:v28+s22+$0x0], $0xffff  }
0xdb: {  	v28 =	vor.u32 $0x14, v63  }
0xdc: {  	v3 =	vadd.f32 v24, v3;
	v24 =	vmul.f32 v26, v46;
	v26 =	vld.idx.msk [tilespmem:v29+s22+$0x0], $0xffff  }
0xdd: {  	v29 =	vor.u32 $0x15, v63  }
0xde: {  	v3 =	vadd.f32 v24, v3;
	v24 =	vmul.f32 v27, v47;
	v27 =	vld.idx.msk [tilespmem:v30+s22+$0x0], $0xffff  }
0xdf: {  	v30 =	vor.u32 $0x16, v63  }
0xe0: {  	v3 =	vadd.f32 v24, v3;
	v24 =	vmul.f32 v25, v48;
	v25 =	vld.idx.msk [tilespmem:v28+s22+$0x0], $0xffff  }
0xe1: {  	v28 =	vor.u32 $0x17, v63  }
0xe2: {  	v3 =	vadd.f32 v24, v3;
	v24 =	vmul.f32 v26, v49;
	v26 =	vld.idx.msk [tilespmem:v29+s22+$0x0], $0xffff  }
0xe3: {  	v29 =	vor.u32 $0x18, v63  }
0xe4: {  	v3 =	vadd.f32 v24, v3;
	v24 =	vmul.f32 v27, v50;
	v27 =	vld.idx.msk [tilespmem:v30+s22+$0x0], $0xffff  }
0xe5: {  	v30 =	vor.u32 $0x19, v63  }
0xe6: {  	v3 =	vadd.f32 v24, v3;
	v24 =	vmul.f32 v25, v51;
	v25 =	vld.idx.msk [tilespmem:v28+s22+$0x0], $0xffff  }
0xe7: {  	v28 =	vor.u32 $0x1A, v63  }
0xe8: {  	v3 =	vadd.f32 v24, v3;
	v24 =	vmul.f32 v26, v52;
	v26 =	vld.idx.msk [tilespmem:v29+s22+$0x0], $0xffff  }
0xe9: {  	v29 =	vor.u32 $0x1B, v63  }
0xea: {  	v3 =	vadd.f32 v24, v3;
	v24 =	vmul.f32 v27, v53;
	v27 =	vld.idx.msk [tilespmem:v30+s22+$0x0], $0xffff  }
0xeb: {  	v30 =	vor.u32 $0x1C, v63  }
0xec: {  	v3 =	vadd.f32 v24, v3;
	v24 =	vmul.f32 v25, v54;
	v25 =	vld.idx.msk [tilespmem:v28+s22+$0x0], $0xffff  }
0xed: {  	v28 =	vor.u32 $0x1D, v63  }
0xee: {  	v3 =	vadd.f32 v24, v3;
	v24 =	vmul.f32 v26, v55;
	v26 =	vld.idx.msk [tilespmem:v29+s22+$0x0], $0xffff  }
0xef: {  	v29 =	vor.u32 $0x1E, v63  }
0xf0: {  	v3 =	vadd.f32 v24, v3;
	v24 =	vmul.f32 v27, v56;
	v27 =	vld.idx.msk [tilespmem:v30+s22+$0x0], $0xffff  }
0xf1: {  	v30 =	vor.u32 $0x1F, v63  }
0xf2: {  	v3 =	vadd.f32 v24, v3;
	v24 =	vmul.f32 v25, v57;
	v25 =	vld.idx.msk [tilespmem:v28+s22+$0x0], $0xffff;
	_ =	sdelay $0x1  }
0xf3: {  	v3 =	vadd.f32 v24, v3;
	v24 =	vmul.f32 v26, v58;
	v26 =	vld.idx.msk [tilespmem:v29+s22+$0x0], $0xffff;
	_ =	sdelay $0x1  }
.Ltmp0:
0xf4: {  	v3 =	vadd.f32 v24, v3;
	v27 =	vmul.f32 v27, v59;
	v24 =	vld.idx.msk [tilespmem:v30+s22+$0x0], $0xffff;
	(pc) =	sbr.rel @p1 .LBB2_2-.Ltmp0, $3  }
0xf5: {  	_ = 	snop  }
0xf6: {  	v3 =	vadd.f32 v27, v3;
	v25 =	vmul.f32 v25, v60;
	_ =	sdelay $0x1  }
0xf7: {  	v63 =	vmov s9;
	s9 =	sadd.s32 $0x10, s9;
	v25 =	vadd.f32 v25, v3;
	v26 =	vmul.f32 v26, v61  }
0xf8: {  	v3 =	vshll.u32 v63, $0x5  }
0xf9: {  	v24 =	vmul.f32 v24, v62;
	v3 =	vor.u32 v2, v3;
	v25 =	vadd.f32 v26, v25;
	_ =	sdelay $0x1  }
0xfa: {  	v26 =	vor.u32 $0x1, v3;
	v24 =	vadd.f32 v24, v25  }
0xfb: {  	s8 =	sadd.s32 $0x10, s8  }
0xfc: {  	v63 =	vor.u32 $0x2, v3;
	[tilespmem:s8+$0x0] =	vst v24  }
0xfd: {  	v24 =	vld.idx.msk [tilespmem:v3+s22+$0x0], $0xffff  }
0xfe: {  	v27 =	vor.u32 $0x3, v3  }
0xff: {  	v26 =	vld.idx.msk [tilespmem:v26+s22+$0x0], $0xffff  }
0x100: {  	v28 =	vor.u32 $0x4, v3  }
0x101: {  	v25 =	vld.idx.msk [tilespmem:v63+s22+$0x0], $0xffff  }
0x102: {  	v29 =	vor.u32 $0x5, v3;
	v24 =	vmul.f32 v24, v34  }
0x103: {  	v27 =	vld.idx.msk [tilespmem:v27+s22+$0x0], $0xffff  }
0x104: {  	v30 =	vor.u32 $0x6, v3;
	v26 =	vmul.f32 v26, v32;
	v24 =	vadd.f32 $0.0e+00, v24  }
0x105: {  	v28 =	vld.idx.msk [tilespmem:v28+s22+$0x0], $0xffff  }
0x106: {  	v32 =	vor.u32 $0x7, v3;
	v25 =	vmul.f32 v25, v31;
	v24 =	vadd.f32 v26, v24  }
0x107: {  	v63 =	vld.idx.msk [tilespmem:v29+s22+$0x0], $0xffff  }
0x108: {  	v29 =	vor.u32 $0x8, v3;
	v33 =	vmul.f32 v27, v33;
	v24 =	vadd.f32 v25, v24  }
0x109: {  	v27 =	vld.idx.msk [tilespmem:v30+s22+$0x0], $0xffff  }
0x10a: {  	v30 =	vor.u32 $0x9, v3;
	v34 =	vmul.f32 v28, v35;
	v24 =	vadd.f32 v33, v24  }
0x10b: {  	v28 =	vld.idx.msk [tilespmem:v32+s22+$0x0], $0xffff  }
0x10c: {  	v31 =	vor.u32 $0xA, v3;
	v35 =	vmul.f32 v63, v36;
	v24 =	vadd.f32 v34, v24  }
0x10d: {  	v36 =	vld.idx.msk [tilespmem:v29+s22+$0x0], $0xffff  }
0x10e: {  	v29 =	vor.u32 $0xB, v3;
	v37 =	vmul.f32 v27, v37;
	v24 =	vadd.f32 v35, v24  }
0x10f: {  	v27 =	vld.idx.msk [tilespmem:v30+s22+$0x0], $0xffff  }
0x110: {  	v30 =	vor.u32 $0xC, v3;
	v63 =	vmul.f32 v28, v38;
	v24 =	vadd.f32 v37, v24  }
0x111: {  	v28 =	vld.idx.msk [tilespmem:v31+s22+$0x0], $0xffff  }
0x112: {  	v32 =	vmul.f32 v36, v39;
	v31 =	vor.u32 $0xD, v3;
	v24 =	vadd.f32 v63, v24  }
0x113: {  	v33 =	vld.idx.msk [tilespmem:v29+s22+$0x0], $0xffff  }
0x114: {  	v29 =	vor.u32 $0xE, v3;
	v34 =	vmul.f32 v27, v40;
	v24 =	vadd.f32 v32, v24  }
0x115: {  	v27 =	vld.idx.msk [tilespmem:v30+s22+$0x0], $0xffff  }
0x116: {  	v30 =	vor.u32 $0xF, v3;
	v35 =	vmul.f32 v28, v41;
	v24 =	vadd.f32 v34, v24  }
0x117: {  	v28 =	vld.idx.msk [tilespmem:v31+s22+$0x0], $0xffff  }
0x118: {  	v36 =	vmul.f32 v33, v42;
	v31 =	vor.u32 $0x10, v3;
	v24 =	vadd.f32 v35, v24  }
0x119: {  	v37 =	vld.idx.msk [tilespmem:v29+s22+$0x0], $0xffff  }
0x11a: {  	v29 =	vor.u32 $0x11, v3;
	v38 =	vmul.f32 v27, v43;
	v24 =	vadd.f32 v36, v24  }
0x11b: {  	v27 =	vld.idx.msk [tilespmem:v30+s22+$0x0], $0xffff  }
0x11c: {  	v30 =	vor.u32 $0x12, v3;
	v39 =	vmul.f32 v28, v44;
	v24 =	vadd.f32 v38, v24  }
0x11d: {  	v28 =	vld.idx.msk [tilespmem:v31+s22+$0x0], $0xffff  }
0x11e: {  	v40 =	vmul.f32 v37, v45;
	v31 =	vor.u32 $0x13, v3;
	v24 =	vadd.f32 v39, v24  }
0x11f: {  	v41 =	vld.idx.msk [tilespmem:v29+s22+$0x0], $0xffff  }
0x120: {  	v29 =	vor.u32 $0x14, v3;
	v42 =	vmul.f32 v27, v46;
	v24 =	vadd.f32 v40, v24  }
0x121: {  	v27 =	vld.idx.msk [tilespmem:v30+s22+$0x0], $0xffff  }
0x122: {  	v30 =	vor.u32 $0x15, v3;
	v43 =	vmul.f32 v28, v47;
	v24 =	vadd.f32 v42, v24  }
0x123: {  	v28 =	vld.idx.msk [tilespmem:v31+s22+$0x0], $0xffff  }
0x124: {  	v44 =	vmul.f32 v41, v48;
	v31 =	vor.u32 $0x16, v3;
	v24 =	vadd.f32 v43, v24  }
0x125: {  	v45 =	vld.idx.msk [tilespmem:v29+s22+$0x0], $0xffff  }
0x126: {  	v29 =	vor.u32 $0x17, v3;
	v46 =	vmul.f32 v27, v49;
	v24 =	vadd.f32 v44, v24  }
0x127: {  	v27 =	vld.idx.msk [tilespmem:v30+s22+$0x0], $0xffff  }
0x128: {  	v30 =	vor.u32 $0x18, v3;
	v47 =	vmul.f32 v28, v50;
	v24 =	vadd.f32 v46, v24  }
0x129: {  	v28 =	vld.idx.msk [tilespmem:v31+s22+$0x0], $0xffff  }
0x12a: {  	v48 =	vmul.f32 v45, v51;
	v31 =	vor.u32 $0x19, v3;
	v24 =	vadd.f32 v47, v24  }
0x12b: {  	v49 =	vld.idx.msk [tilespmem:v29+s22+$0x0], $0xffff  }
0x12c: {  	v29 =	vor.u32 $0x1A, v3;
	v50 =	vmul.f32 v27, v52;
	v24 =	vadd.f32 v48, v24  }
0x12d: {  	v27 =	vld.idx.msk [tilespmem:v30+s22+$0x0], $0xffff  }
0x12e: {  	v30 =	vor.u32 $0x1B, v3;
	v51 =	vmul.f32 v28, v53;
	v24 =	vadd.f32 v50, v24  }
0x12f: {  	v28 =	vld.idx.msk [tilespmem:v31+s22+$0x0], $0xffff  }
0x130: {  	v52 =	vmul.f32 v49, v54;
	v31 =	vor.u32 $0x1C, v3;
	v24 =	vadd.f32 v51, v24  }
0x131: {  	v53 =	vld.idx.msk [tilespmem:v29+s22+$0x0], $0xffff  }
0x132: {  	v29 =	vor.u32 $0x1D, v3;
	v54 =	vmul.f32 v27, v55;
	v24 =	vadd.f32 v52, v24  }
0x133: {  	v27 =	vld.idx.msk [tilespmem:v30+s22+$0x0], $0xffff  }
0x134: {  	v30 =	vor.u32 $0x1E, v3;
	v55 =	vmul.f32 v28, v56;
	v24 =	vadd.f32 v54, v24  }
0x135: {  	v28 =	vld.idx.msk [tilespmem:v31+s22+$0x0], $0xffff  }
0x136: {  	v3 =	vor.u32 $0x1F, v3;
	v56 =	vmul.f32 v53, v57;
	v24 =	vadd.f32 v55, v24  }
0x137: {  	v57 =	vld.idx.msk [tilespmem:v29+s22+$0x0], $0xffff  }
0x138: {  	v58 =	vmul.f32 v27, v58;
	v24 =	vadd.f32 v56, v24  }
0x139: {  	v27 =	vld.idx.msk [tilespmem:v30+s22+$0x0], $0xffff  }
0x13a: {  	v59 =	vmul.f32 v28, v59;
	v24 =	vadd.f32 v58, v24  }
0x13b: {  	v3 =	vld.idx.msk [tilespmem:v3+s22+$0x0], $0xffff  }
0x13c: {  	v60 =	vmul.f32 v57, v60;
	v24 =	vadd.f32 v59, v24;
	_ =	sdelay $0x1  }
0x13d: {  	v63 =	vmul.f32 v27, v61;
	v24 =	vadd.f32 v60, v24;
	_ =	sdelay $0x1  }
0x13e: {  	v3 =	vmul.f32 v3, v62;
	v24 =	vadd.f32 v63, v24;
	_ =	sdelay $0x1  }
0x13f: {  	v3 =	vadd.f32 v3, v24  }
0x140: {  	s8 =	sadd.s32 $0x10, s8;
	v28 =	vld [tilespmem:$0x1FFF0]  }
0x141: {  	[tilespmem:s8+$0x0] =	vst v3;
	s8 =	simm.s32 $0x0  }
0x142: {  	v3 =	vld.idx.msk [tilespmem:v1+s8+$0x0], $0xffff;
	_ =	sdelay $0x4  }
0x143: {  	[tilespmem:$0x1AAF0] =	vst v3  }
0x144: {  	v3 =	vld.idx.msk [tilespmem:v28+s8+$0x0], $0xffff;
	_ =	sdelay $0x4  }
0x145: {  	[tilespmem:$0x1AB00] =	vst v3  }
0x146: {  	v3 =	vld.idx.msk [tilespmem:v4+s8+$0x0], $0xffff;
	_ =	sdelay $0x4  }
0x147: {  	[tilespmem:$0x1AB10] =	vst v3  }
0x148: {  	v3 =	vld.idx.msk [tilespmem:v5+s8+$0x0], $0xffff;
	_ =	sdelay $0x4  }
0x149: {  	[tilespmem:$0x1AB20] =	vst v3  }
0x14a: {  	v3 =	vld.idx.msk [tilespmem:v6+s8+$0x0], $0xffff;
	_ =	sdelay $0x4  }
0x14b: {  	[tilespmem:$0x1AB30] =	vst v3  }
0x14c: {  	v3 =	vld.idx.msk [tilespmem:v7+s8+$0x0], $0xffff;
	_ =	sdelay $0x4  }
0x14d: {  	[tilespmem:$0x1AB40] =	vst v3  }
0x14e: {  	v3 =	vld.idx.msk [tilespmem:v8+s8+$0x0], $0xffff;
	_ =	sdelay $0x4  }
0x14f: {  	[tilespmem:$0x1AB50] =	vst v3  }
0x150: {  	v3 =	vld.idx.msk [tilespmem:v9+s8+$0x0], $0xffff;
	_ =	sdelay $0x4  }
0x151: {  	s9 =	simm.s32 $0x1AAF0;
	[tilespmem:$0x1AB60] =	vst v3  }
0x152: {  	[tilespmem:s26], [sflag:$0x1] =	stream.indirect.gather [hbm4b:s4+s24], $0x20, s9, s24, $0xb8;
	[tilespmem:$0x1EE78] =	vst v63  }
0x153: {  	s9 =	simm.s32 $0x0  }
.LBB2_4:
0x154: {  	s10 =	sshllo.u32 s9, $0x1  }
0x155: {  	v38 =	vadd.s32 s10, v1;
	_ =	sdelay $0x4  }
0x156: {  	v3 =	vld.idx.msk [tilespmem:v38+s8+$0x0], $0xffff  }
0x157: {  	v37 =	vadd.s32 s10, v28;
	_ =	sdelay $0x3  }
0x158: {  	[tilespmem:$0x1BB70] =	vst v3  }
0x159: {  	v3 =	vld.idx.msk [tilespmem:v37+s8+$0x0], $0xffff  }
0x15a: {  	v36 =	vadd.s32 s10, v4;
	_ =	sdelay $0x3  }
0x15b: {  	[tilespmem:$0x1BB80] =	vst v3  }
0x15c: {  	v3 =	vld.idx.msk [tilespmem:v36+s8+$0x0], $0xffff  }
0x15d: {  	v35 =	vadd.s32 s10, v5;
	_ =	sdelay $0x3  }
0x15e: {  	[tilespmem:$0x1BB90] =	vst v3  }
0x15f: {  	v3 =	vld.idx.msk [tilespmem:v35+s8+$0x0], $0xffff  }
0x160: {  	v34 =	vadd.s32 s10, v6;
	_ =	sdelay $0x3  }
0x161: {  	[tilespmem:$0x1BBA0] =	vst v3  }
0x162: {  	v3 =	vld.idx.msk [tilespmem:v34+s8+$0x0], $0xffff  }
0x163: {  	v33 =	vadd.s32 s10, v7;
	_ =	sdelay $0x3  }
0x164: {  	[tilespmem:$0x1BBB0] =	vst v3  }
0x165: {  	v3 =	vld.idx.msk [tilespmem:v33+s8+$0x0], $0xffff  }
0x166: {  	v32 =	vadd.s32 s10, v8;
	_ =	sdelay $0x3  }
0x167: {  	[tilespmem:$0x1BBC0] =	vst v3  }
0x168: {  	v3 =	vld.idx.msk [tilespmem:v32+s8+$0x0], $0xffff  }
0x169: {  	v31 =	vadd.s32 s10, v9;
	_ =	sdelay $0x3  }
0x16a: {  	[tilespmem:$0x1BBD0] =	vst v3  }
0x16b: {  	v3 =	vld.idx.msk [tilespmem:v31+s8+$0x0], $0xffff;
	_ =	sdelay $0x4  }
0x16c: {  	s12 =	sshll.u32 s9, $0x1;
	[tilespmem:$0x1BBE0] =	vst v3  }
0x16d: {  	v24 =	vadd.s32 s12, v1;
	v3 =	vmov s12;
	[tilespmem:s29], [sflag:$0x3] =	stream.indirect.gather [hbm4b:s4+s24], $0x20, s28, s24, $0xb8;
	[tilespmem:$0x1EE78] =	vst v63  }
0x16e: {  	v24 =	vand.u32 $0x1FF8, v24;
	v3 =	vand.u32 $0x6, v3;
	v25 =	vld [tilespmem:$0x1AAF0]  }
0x16f: {  	v24 =	vor.u32 v3, v24;
	_ =	sdelay $0x2  }
0x170: {  	s13 =	sshll.u32 s9, $0x8  }
0x171: {  	[tilespmem:s13+$0x12C00] =	vst v25  }
0x172: {  	v24 =	vld.idx.msk [tilespmem:v24+s21+$0x0], $0xffff;
	_ =	sdelay $0x7  }
0x173: {  	v24 =	vld.idx.msk [tilespmem:v24+s30+$0x0], $0xffff;
	_ =	sdelay $0x4  }
0x174: {  	[tilespmem:s13+$0xC800] =	vst v24;
	v24 =	vadd.s32 s12, v28  }
0x175: {  	v25 =	vld [tilespmem:$0x1AB00];
	v24 =	vand.u32 $0x3FF8, v24  }
0x176: {  	v24 =	vor.u32 v3, v24;
	_ =	sdelay $0x3  }
0x177: {  	[tilespmem:s13+$0x12C10] =	vst v25  }
0x178: {  	v24 =	vld.idx.msk [tilespmem:v24+s21+$0x0], $0xffff;
	_ =	sdelay $0x7  }
0x179: {  	v24 =	vld.idx.msk [tilespmem:v24+s30+$0x0], $0xffff;
	_ =	sdelay $0x4  }
0x17a: {  	[tilespmem:s13+$0xC810] =	vst v24;
	v24 =	vadd.s32 s12, v4  }
0x17b: {  	v25 =	vld [tilespmem:$0x1AB10];
	v24 =	vand.u32 $0x7FF8, v24  }
0x17c: {  	v24 =	vor.u32 v3, v24;
	_ =	sdelay $0x3  }
0x17d: {  	[tilespmem:s13+$0x12C20] =	vst v25  }
0x17e: {  	v24 =	vld.idx.msk [tilespmem:v24+s21+$0x0], $0xffff;
	_ =	sdelay $0x7  }
0x17f: {  	v24 =	vld.idx.msk [tilespmem:v24+s30+$0x0], $0xffff;
	_ =	sdelay $0x4  }
0x180: {  	[tilespmem:s13+$0xC820] =	vst v24;
	v24 =	vadd.s32 s12, v5  }
0x181: {  	v25 =	vld [tilespmem:$0x1AB20];
	v24 =	vand.u32 $0x7FF8, v24  }
0x182: {  	v24 =	vor.u32 v3, v24;
	_ =	sdelay $0x3  }
0x183: {  	[tilespmem:s13+$0x12C30] =	vst v25  }
0x184: {  	v24 =	vld.idx.msk [tilespmem:v24+s21+$0x0], $0xffff;
	_ =	sdelay $0x7  }
0x185: {  	v24 =	vld.idx.msk [tilespmem:v24+s30+$0x0], $0xffff;
	_ =	sdelay $0x4  }
0x186: {  	[tilespmem:s13+$0xC830] =	vst v24;
	v24 =	vadd.s32 s12, v6  }
0x187: {  	v25 =	vld [tilespmem:$0x1AB30];
	v24 =	vand.u32 $0x7FF8, v24  }
0x188: {  	v24 =	vor.u32 v3, v24;
	_ =	sdelay $0x3  }
0x189: {  	[tilespmem:s13+$0x12C40] =	vst v25  }
0x18a: {  	v24 =	vld.idx.msk [tilespmem:v24+s21+$0x0], $0xffff;
	_ =	sdelay $0x7  }
0x18b: {  	v24 =	vld.idx.msk [tilespmem:v24+s30+$0x0], $0xffff;
	_ =	sdelay $0x4  }
0x18c: {  	[tilespmem:s13+$0xC840] =	vst v24;
	v24 =	vadd.s32 s12, v7  }
0x18d: {  	v25 =	vld [tilespmem:$0x1AB40];
	v24 =	vand.u32 $0xFFF8, v24  }
0x18e: {  	v24 =	vor.u32 v3, v24;
	_ =	sdelay $0x3  }
0x18f: {  	[tilespmem:s13+$0x12C50] =	vst v25  }
0x190: {  	v24 =	vld.idx.msk [tilespmem:v24+s21+$0x0], $0xffff;
	_ =	sdelay $0x7  }
0x191: {  	v24 =	vld.idx.msk [tilespmem:v24+s30+$0x0], $0xffff;
	_ =	sdelay $0x4  }
0x192: {  	[tilespmem:s13+$0xC850] =	vst v24;
	v24 =	vadd.s32 s12, v8  }
0x193: {  	v25 =	vld [tilespmem:$0x1AB50];
	v24 =	vand.u32 $0x7FF8, v24  }
0x194: {  	v24 =	vor.u32 v3, v24;
	_ =	sdelay $0x3  }
0x195: {  	[tilespmem:s13+$0x12C60] =	vst v25  }
0x196: {  	v24 =	vld.idx.msk [tilespmem:v24+s21+$0x0], $0xffff;
	_ =	sdelay $0x7  }
0x197: {  	v24 =	vld.idx.msk [tilespmem:v24+s30+$0x0], $0xffff;
	_ =	sdelay $0x4  }
0x198: {  	[tilespmem:s13+$0xC860] =	vst v24;
	v24 =	vadd.s32 s12, v9  }
0x199: {  	v25 =	vld [tilespmem:$0x1AB60];
	v24 =	vand.u32 $0xFFF8, v24  }
0x19a: {  	v3 =	vor.u32 v3, v24;
	_ =	sdelay $0x3  }
0x19b: {  	[tilespmem:s13+$0x12C70] =	vst v25  }
0x19c: {  	v3 =	vld.idx.msk [tilespmem:v3+s21+$0x0], $0xffff;
	_ =	sdelay $0x7  }
0x19d: {  	v3 =	vld.idx.msk [tilespmem:v3+s30+$0x0], $0xffff;
	_ =	sdelay $0x1  }
0x19e: {  	v24 =	vadd.s32 s8, v0  }
0x19f: {  	v25 =	vand.u32 $0x1F, v24  }
0x1a0: {  	v26 =	vor.u32 v2, v25  }
0x1a1: {  	[tilespmem:s13+$0xC870] =	vst v3  }
0x1a2: {  	_ =	swait.ge [sflag:s31], $0x1000  }
0x1a3: {  	v3 =	vshll.u32 v24, $0x7;
	[sflag:s31] =	ssyncset.done $0x0  }
0x1a4: {  	v39 =	vand.u32 $0xF80, v3;
	[sflag:s31] =	ssyncadd.s32 $0xFFFFF000  }
0x1a5: {  	v24 =	vor.u32 v0, v39;
	v3 =	vld.idx.msk [tilespmem:v26+s26+$0x0], $0xffff  }
0x1a6: {  	v26 =	vor.u32 v10, v25;
	_ =	sdelay $0x3  }
0x1a7: {  	[tilespmem:v24+s0+$0x0] =	vst.idx.msk $0xffff, v3  }
0x1a8: {  	v24 =	vor.u32 v11, v39;
	v3 =	vld.idx.msk [tilespmem:v26+s26+$0x0], $0xffff  }
0x1a9: {  	v26 =	vor.u32 v12, v25;
	_ =	sdelay $0x3  }
0x1aa: {  	[tilespmem:v24+s0+$0x0] =	vst.idx.msk $0xffff, v3  }
0x1ab: {  	v24 =	vor.u32 v13, v39;
	v3 =	vld.idx.msk [tilespmem:v26+s26+$0x0], $0xffff  }
0x1ac: {  	v26 =	vor.u32 v14, v25;
	_ =	sdelay $0x3  }
0x1ad: {  	[tilespmem:v24+s0+$0x0] =	vst.idx.msk $0xffff, v3  }
0x1ae: {  	v24 =	vor.u32 v15, v39;
	v3 =	vld.idx.msk [tilespmem:v26+s26+$0x0], $0xffff  }
0x1af: {  	v26 =	vor.u32 v16, v25;
	_ =	sdelay $0x3  }
0x1b0: {  	[tilespmem:v24+s0+$0x0] =	vst.idx.msk $0xffff, v3  }
0x1b1: {  	v24 =	vor.u32 v17, v39;
	v3 =	vld.idx.msk [tilespmem:v26+s26+$0x0], $0xffff  }
0x1b2: {  	v26 =	vor.u32 v18, v25;
	_ =	sdelay $0x3  }
0x1b3: {  	[tilespmem:v24+s0+$0x0] =	vst.idx.msk $0xffff, v3  }
0x1b4: {  	v24 =	vor.u32 v19, v39;
	v3 =	vld.idx.msk [tilespmem:v26+s26+$0x0], $0xffff  }
0x1b5: {  	v26 =	vor.u32 v20, v25;
	_ =	sdelay $0x3  }
0x1b6: {  	[tilespmem:v24+s0+$0x0] =	vst.idx.msk $0xffff, v3  }
0x1b7: {  	v24 =	vor.u32 v21, v39;
	v3 =	vld.idx.msk [tilespmem:v26+s26+$0x0], $0xffff  }
0x1b8: {  	v25 =	vor.u32 v22, v25;
	_ =	sdelay $0x3  }
0x1b9: {  	s14 =	simm.s32 $0x1;
	[tilespmem:v24+s0+$0x0] =	vst.idx.msk $0xffff, v3  }
0x1ba: {  	s13 =	simm.s32 $0x2;
	v24 =	vadd.s32 s14, v0;
	v40 =	vld.idx.msk [tilespmem:v25+s26+$0x0], $0xffff  }
.LBB2_5:
0x1bb: {  	p1 =	sne.s32 s13, $0x1F;
	v3 =	vand.u32 $0x1F, v24;
	v25 =	vor.u32 v23, v39  }
0x1bc: {  	v26 =	vor.u32 v2, v3;
	_ =	sdelay $0x3  }
0x1bd: {  	v24 =	vshll.u32 v24, $0x7;
	[tilespmem:v25+s0+$0x0] =	vst.idx.msk $0xffff, v40  }
0x1be: {  	v39 =	vand.u32 $0xF80, v24;
	v25 =	vld.idx.msk [tilespmem:v26+s26+$0x0], $0xffff  }
0x1bf: {  	v24 =	vor.u32 v0, v39  }
0x1c0: {  	v26 =	vor.u32 v10, v3;
	_ =	sdelay $0x3  }
0x1c1: {  	[tilespmem:v24+s0+$0x0] =	vst.idx.msk $0xffff, v25  }
0x1c2: {  	v24 =	vld.idx.msk [tilespmem:v26+s26+$0x0], $0xffff  }
0x1c3: {  	v25 =	vor.u32 v11, v39  }
0x1c4: {  	v26 =	vor.u32 v12, v3;
	_ =	sdelay $0x3  }
0x1c5: {  	[tilespmem:v25+s0+$0x0] =	vst.idx.msk $0xffff, v24  }
0x1c6: {  	v24 =	vld.idx.msk [tilespmem:v26+s26+$0x0], $0xffff  }
0x1c7: {  	v25 =	vor.u32 v13, v39  }
0x1c8: {  	v26 =	vor.u32 v14, v3;
	_ =	sdelay $0x3  }
0x1c9: {  	[tilespmem:v25+s0+$0x0] =	vst.idx.msk $0xffff, v24  }
0x1ca: {  	v24 =	vld.idx.msk [tilespmem:v26+s26+$0x0], $0xffff  }
0x1cb: {  	v25 =	vor.u32 v15, v39  }
0x1cc: {  	v26 =	vor.u32 v16, v3;
	_ =	sdelay $0x3  }
0x1cd: {  	[tilespmem:v25+s0+$0x0] =	vst.idx.msk $0xffff, v24  }
0x1ce: {  	v24 =	vld.idx.msk [tilespmem:v26+s26+$0x0], $0xffff  }
0x1cf: {  	v25 =	vor.u32 v17, v39  }
0x1d0: {  	v26 =	vor.u32 v18, v3;
	_ =	sdelay $0x3  }
0x1d1: {  	[tilespmem:v25+s0+$0x0] =	vst.idx.msk $0xffff, v24  }
0x1d2: {  	v24 =	vld.idx.msk [tilespmem:v26+s26+$0x0], $0xffff  }
0x1d3: {  	v25 =	vor.u32 v19, v39  }
0x1d4: {  	v26 =	vor.u32 v20, v3;
	_ =	sdelay $0x3  }
0x1d5: {  	[tilespmem:v25+s0+$0x0] =	vst.idx.msk $0xffff, v24  }
0x1d6: {  	v24 =	vld.idx.msk [tilespmem:v26+s26+$0x0], $0xffff  }
0x1d7: {  	v25 =	vor.u32 v21, v39  }
0x1d8: {  	v3 =	vor.u32 v22, v3  }
.Ltmp1:
0x1d9: {  	(pc) =	sbr.rel @p1 .LBB2_5-.Ltmp1, $3  }
0x1da: {  	_ =	sdelay $0x1  }
0x1db: {  	[tilespmem:v25+s0+$0x0] =	vst.idx.msk $0xffff, v24  }
0x1dc: {  	v24 =	vadd.s32 s13, v0;
	s13 =	sadd.s32 $0x1, s13;
	v40 =	vld.idx.msk [tilespmem:v3+s26+$0x0], $0xffff  }
0x1dd: {  	v3 =	vand.u32 $0x1F, v24;
	v25 =	vor.u32 v23, v39  }
0x1de: {  	v26 =	vor.u32 v2, v3;
	_ =	sdelay $0x2  }
0x1df: {  	v24 =	vshll.u32 v24, $0x7  }
0x1e0: {  	v24 =	vand.u32 $0xF80, v24;
	[tilespmem:v25+s0+$0x0] =	vst.idx.msk $0xffff, v40  }
0x1e1: {  	v25 =	vld.idx.msk [tilespmem:v26+s26+$0x0], $0xffff;
	v26 =	vor.u32 v0, v24  }
0x1e2: {  	v27 =	vor.u32 v10, v3;
	_ =	sdelay $0x3  }
0x1e3: {  	[tilespmem:v26+s0+$0x0] =	vst.idx.msk $0xffff, v25  }
0x1e4: {  	v26 =	vor.u32 v11, v24;
	v25 =	vld.idx.msk [tilespmem:v27+s26+$0x0], $0xffff  }
0x1e5: {  	v27 =	vor.u32 v12, v3;
	_ =	sdelay $0x3  }
0x1e6: {  	[tilespmem:v26+s0+$0x0] =	vst.idx.msk $0xffff, v25  }
0x1e7: {  	v26 =	vor.u32 v13, v24;
	v25 =	vld.idx.msk [tilespmem:v27+s26+$0x0], $0xffff  }
0x1e8: {  	v27 =	vor.u32 v14, v3;
	_ =	sdelay $0x3  }
0x1e9: {  	[tilespmem:v26+s0+$0x0] =	vst.idx.msk $0xffff, v25  }
0x1ea: {  	v26 =	vor.u32 v15, v24;
	v25 =	vld.idx.msk [tilespmem:v27+s26+$0x0], $0xffff  }
0x1eb: {  	v27 =	vor.u32 v16, v3;
	_ =	sdelay $0x3  }
0x1ec: {  	[tilespmem:v26+s0+$0x0] =	vst.idx.msk $0xffff, v25  }
0x1ed: {  	v26 =	vor.u32 v17, v24;
	v25 =	vld.idx.msk [tilespmem:v27+s26+$0x0], $0xffff  }
0x1ee: {  	v27 =	vor.u32 v18, v3;
	_ =	sdelay $0x3  }
0x1ef: {  	[tilespmem:v26+s0+$0x0] =	vst.idx.msk $0xffff, v25  }
0x1f0: {  	v26 =	vor.u32 v19, v24;
	v25 =	vld.idx.msk [tilespmem:v27+s26+$0x0], $0xffff  }
0x1f1: {  	v27 =	vor.u32 v20, v3;
	_ =	sdelay $0x3  }
0x1f2: {  	[tilespmem:v26+s0+$0x0] =	vst.idx.msk $0xffff, v25  }
0x1f3: {  	v26 =	vor.u32 v21, v24;
	v25 =	vld.idx.msk [tilespmem:v27+s26+$0x0], $0xffff  }
0x1f4: {  	v3 =	vor.u32 v22, v3;
	_ =	sdelay $0x3  }
0x1f5: {  	p1 =	seq.s32 s9, $0x63;
	[tilespmem:v26+s0+$0x0] =	vst.idx.msk $0xffff, v25  }
0x1f6: {  	v24 =	vor.u32 v23, v24;
	v25 =	vlaneseq.u32 @!p1;
	v3 =	vld.idx.msk [tilespmem:v3+s26+$0x0], $0xffff  }
0x1f7: {  	v25 =	vmul.u32 @!p1 $0xC8, v25  }
0x1f8: {  	s13 =	sshll.u32 s9, $0xD;
	s12 =	sadd.s32 @!p1 $0x2, s12  }
0x1f9: {  	s13 =	sadd.s32 s11, s13;
	v26 =	vmov @!p1 s12;
	v27 =	vadd.s32 @!p1 s12, v25  }
0x1fa: {  	s13 =	sshrl.u32 s13, $0x3;
	v26 =	vand.u32 @!p1 $0x6, v26;
	v27 =	vand.u32 @!p1 $0x1FF8, v27  }
0x1fb: {  	s13 =	sadd.s32 s7, s13;
	[tilespmem:v24+s0+$0x0] =	vst.idx.msk $0xffff, v3;
	v3 =	vor.u32 @!p1 v26, v27  }
0x1fc: {  	[hbm4b:s13+s3] =	stream.linear.scatter [tilespmem:s0], [sflag:$0x4], $0x1000, $0x38;
	[tilespmem:$0x1EE78] =	vst v63  }
0x1fd: {  	_ =	swait.ge [sflag:s20], $0x1000  }
0x1fe: {  	v24 =	vadd.s32 @!p1 $0xC80, v25;
	[sflag:s20] =	ssyncset.done $0x0  }
0x1ff: {  	s13 =	simm.s32 @!p1 $0x0;
	v24 =	vadd.s32 @!p1 s12, v24;
	[sflag:s20] =	ssyncadd.s32 $0xFFFFF000  }
0x200: {  	v24 =	vand.u32 @!p1 $0x3FF8, v24;
	v3 =	vld.idx.msk @!p1 [tilespmem:v3+s13+$0x0], $0xffff  }
0x201: {  	v24 =	vor.u32 @!p1 v26, v24;
	_ =	sdelay $0x2  }
0x202: {  	v27 =	vadd.s32 @!p1 $0x1900, v25  }
0x203: {  	[tilespmem:$0x1AAF0] =	vst @!p1 v3;
	v3 =	vadd.s32 @!p1 s12, v27  }
0x204: {  	v24 =	vld.idx.msk @!p1 [tilespmem:v24+s13+$0x0], $0xffff;
	v3 =	vand.u32 @!p1 $0x7FF8, v3  }
0x205: {  	v3 =	vor.u32 @!p1 v26, v3;
	_ =	sdelay $0x2  }
0x206: {  	v27 =	vadd.s32 @!p1 $0x2580, v25  }
0x207: {  	[tilespmem:$0x1AB00] =	vst @!p1 v24;
	v24 =	vadd.s32 @!p1 s12, v27  }
0x208: {  	v3 =	vld.idx.msk @!p1 [tilespmem:v3+s13+$0x0], $0xffff;
	v24 =	vand.u32 @!p1 $0x7FF8, v24  }
0x209: {  	v24 =	vor.u32 @!p1 v26, v24;
	_ =	sdelay $0x2  }
0x20a: {  	v27 =	vadd.s32 @!p1 $0x3200, v25  }
0x20b: {  	[tilespmem:$0x1AB10] =	vst @!p1 v3;
	v3 =	vadd.s32 @!p1 s12, v27  }
0x20c: {  	v24 =	vld.idx.msk @!p1 [tilespmem:v24+s13+$0x0], $0xffff;
	v3 =	vand.u32 @!p1 $0x7FF8, v3  }
0x20d: {  	v3 =	vor.u32 @!p1 v26, v3;
	_ =	sdelay $0x2  }
0x20e: {  	v27 =	vadd.s32 @!p1 $0x3E80, v25  }
0x20f: {  	[tilespmem:$0x1AB20] =	vst @!p1 v24;
	v24 =	vadd.s32 @!p1 s12, v27  }
0x210: {  	v3 =	vld.idx.msk @!p1 [tilespmem:v3+s13+$0x0], $0xffff;
	v24 =	vand.u32 @!p1 $0xFFF8, v24  }
0x211: {  	v24 =	vor.u32 @!p1 v26, v24;
	_ =	sdelay $0x2  }
0x212: {  	v27 =	vadd.s32 @!p1 $0x4B00, v25  }
0x213: {  	[tilespmem:$0x1AB30] =	vst @!p1 v3;
	v3 =	vadd.s32 @!p1 s12, v27  }
0x214: {  	v24 =	vld.idx.msk @!p1 [tilespmem:v24+s13+$0x0], $0xffff;
	v3 =	vand.u32 @!p1 $0x7FF8, v3  }
0x215: {  	v3 =	vor.u32 @!p1 v26, v3;
	_ =	sdelay $0x2  }
0x216: {  	v25 =	vadd.s32 @!p1 $0x5780, v25  }
0x217: {  	[tilespmem:$0x1AB40] =	vst @!p1 v24;
	v24 =	vadd.s32 @!p1 s12, v25  }
0x218: {  	v3 =	vld.idx.msk @!p1 [tilespmem:v3+s13+$0x0], $0xffff;
	v24 =	vand.u32 @!p1 $0xFFF8, v24  }
0x219: {  	v24 =	vor.u32 @!p1 v26, v24;
	_ =	sdelay $0x3  }
0x21a: {  	[tilespmem:$0x1AB50] =	vst @!p1 v3  }
0x21b: {  	v3 =	vld.idx.msk @!p1 [tilespmem:v24+s13+$0x0], $0xffff;
	_ =	sdelay $0x4  }
0x21c: {  	s14 =	simm.s32 @!p1 $0x1AB70;
	s12 =	simm.s32 @!p1 $0x80;
	s13 =	simm.s32 @!p1 $0x1AAF0;
	[tilespmem:$0x1AB60] =	vst @!p1 v3  }
0x21d: {  	[tilespmem:s14], [sflag:$0x1] =	stream.indirect.gather @!p1 [hbm4b:s4+s12], $0x20, s13, s12, $0xb8;
	[tilespmem:$0x1EE78] =	vst v63  }
0x21e: {  	v3 =	vld [tilespmem:$0x1BB70];
	_ =	sdelay $0x3  }
0x21f: {  	s12 =	sshll.u32 s10, $0x7  }
0x220: {  	[tilespmem:s12+$0x12C00] =	vst v3  }
0x221: {  	v3 =	vld.idx.msk [tilespmem:v38+s21+$0x0], $0xffff;
	_ =	sdelay $0x7  }
0x222: {  	v3 =	vld.idx.msk [tilespmem:v3+s30+$0x0], $0xffff;
	_ =	sdelay $0x4  }
0x223: {  	[tilespmem:s12+$0xC800] =	vst v3  }
0x224: {  	v3 =	vld [tilespmem:$0x1BB80];
	_ =	sdelay $0x4  }
0x225: {  	[tilespmem:s12+$0x12C10] =	vst v3  }
0x226: {  	v3 =	vld.idx.msk [tilespmem:v37+s21+$0x0], $0xffff;
	_ =	sdelay $0x7  }
0x227: {  	v3 =	vld.idx.msk [tilespmem:v3+s30+$0x0], $0xffff;
	_ =	sdelay $0x4  }
0x228: {  	[tilespmem:s12+$0xC810] =	vst v3  }
0x229: {  	v3 =	vld [tilespmem:$0x1BB90];
	_ =	sdelay $0x4  }
0x22a: {  	[tilespmem:s12+$0x12C20] =	vst v3  }
0x22b: {  	v3 =	vld.idx.msk [tilespmem:v36+s21+$0x0], $0xffff;
	_ =	sdelay $0x7  }
0x22c: {  	v3 =	vld.idx.msk [tilespmem:v3+s30+$0x0], $0xffff;
	_ =	sdelay $0x4  }
0x22d: {  	[tilespmem:s12+$0xC820] =	vst v3  }
0x22e: {  	v3 =	vld [tilespmem:$0x1BBA0];
	_ =	sdelay $0x4  }
0x22f: {  	[tilespmem:s12+$0x12C30] =	vst v3  }
0x230: {  	v3 =	vld.idx.msk [tilespmem:v35+s21+$0x0], $0xffff;
	_ =	sdelay $0x7  }
0x231: {  	v3 =	vld.idx.msk [tilespmem:v3+s30+$0x0], $0xffff;
	_ =	sdelay $0x4  }
0x232: {  	[tilespmem:s12+$0xC830] =	vst v3  }
0x233: {  	v3 =	vld [tilespmem:$0x1BBB0];
	_ =	sdelay $0x4  }
0x234: {  	[tilespmem:s12+$0x12C40] =	vst v3  }
0x235: {  	v3 =	vld.idx.msk [tilespmem:v34+s21+$0x0], $0xffff;
	_ =	sdelay $0x7  }
0x236: {  	v3 =	vld.idx.msk [tilespmem:v3+s30+$0x0], $0xffff;
	_ =	sdelay $0x4  }
0x237: {  	[tilespmem:s12+$0xC840] =	vst v3  }
0x238: {  	v3 =	vld [tilespmem:$0x1BBC0];
	_ =	sdelay $0x4  }
0x239: {  	[tilespmem:s12+$0x12C50] =	vst v3  }
0x23a: {  	v3 =	vld.idx.msk [tilespmem:v33+s21+$0x0], $0xffff;
	_ =	sdelay $0x7  }
0x23b: {  	v3 =	vld.idx.msk [tilespmem:v3+s30+$0x0], $0xffff;
	_ =	sdelay $0x4  }
0x23c: {  	[tilespmem:s12+$0xC850] =	vst v3  }
0x23d: {  	v3 =	vld [tilespmem:$0x1BBD0];
	_ =	sdelay $0x4  }
0x23e: {  	[tilespmem:s12+$0x12C60] =	vst v3  }
0x23f: {  	v3 =	vld.idx.msk [tilespmem:v32+s21+$0x0], $0xffff;
	_ =	sdelay $0x7  }
0x240: {  	v3 =	vld.idx.msk [tilespmem:v3+s30+$0x0], $0xffff;
	_ =	sdelay $0x4  }
0x241: {  	[tilespmem:s12+$0xC860] =	vst v3  }
0x242: {  	v3 =	vld [tilespmem:$0x1BBE0];
	_ =	sdelay $0x4  }
0x243: {  	[tilespmem:s12+$0x12C70] =	vst v3  }
0x244: {  	v3 =	vld.idx.msk [tilespmem:v31+s21+$0x0], $0xffff;
	_ =	sdelay $0x7  }
0x245: {  	v3 =	vld.idx.msk [tilespmem:v3+s30+$0x0], $0xffff  }
0x246: {  	s14 =	simm.s32 $0x0  }
0x247: {  	v24 =	vadd.s32 s14, v0  }
0x248: {  	v25 =	vand.u32 $0x1F, v24  }
0x249: {  	v26 =	vor.u32 v2, v25  }
0x24a: {  	[tilespmem:s12+$0xC870] =	vst v3  }
0x24b: {  	_ =	swait.ge [sflag:s2], $0x1000  }
0x24c: {  	v3 =	vshll.u32 v24, $0x7;
	[sflag:s2] =	ssyncset.done $0x0  }
0x24d: {  	v31 =	vand.u32 $0xF80, v3;
	[sflag:s2] =	ssyncadd.s32 $0xFFFFF000  }
0x24e: {  	v24 =	vor.u32 v0, v31;
	v3 =	vld.idx.msk [tilespmem:v26+s29+$0x0], $0xffff  }
0x24f: {  	v26 =	vor.u32 v10, v25;
	_ =	sdelay $0x3  }
0x250: {  	[tilespmem:v24+s0+$0x0] =	vst.idx.msk $0xffff, v3  }
0x251: {  	v24 =	vor.u32 v11, v31;
	v3 =	vld.idx.msk [tilespmem:v26+s29+$0x0], $0xffff  }
0x252: {  	v26 =	vor.u32 v12, v25;
	_ =	sdelay $0x3  }
0x253: {  	[tilespmem:v24+s0+$0x0] =	vst.idx.msk $0xffff, v3  }
0x254: {  	v24 =	vor.u32 v13, v31;
	v3 =	vld.idx.msk [tilespmem:v26+s29+$0x0], $0xffff  }
0x255: {  	v26 =	vor.u32 v14, v25;
	_ =	sdelay $0x3  }
0x256: {  	[tilespmem:v24+s0+$0x0] =	vst.idx.msk $0xffff, v3  }
0x257: {  	v24 =	vor.u32 v15, v31;
	v3 =	vld.idx.msk [tilespmem:v26+s29+$0x0], $0xffff  }
0x258: {  	v26 =	vor.u32 v16, v25;
	_ =	sdelay $0x3  }
0x259: {  	[tilespmem:v24+s0+$0x0] =	vst.idx.msk $0xffff, v3  }
0x25a: {  	v24 =	vor.u32 v17, v31;
	v3 =	vld.idx.msk [tilespmem:v26+s29+$0x0], $0xffff  }
0x25b: {  	v26 =	vor.u32 v18, v25;
	_ =	sdelay $0x3  }
0x25c: {  	[tilespmem:v24+s0+$0x0] =	vst.idx.msk $0xffff, v3  }
0x25d: {  	v24 =	vor.u32 v19, v31;
	v3 =	vld.idx.msk [tilespmem:v26+s29+$0x0], $0xffff  }
0x25e: {  	v26 =	vor.u32 v20, v25;
	_ =	sdelay $0x3  }
0x25f: {  	[tilespmem:v24+s0+$0x0] =	vst.idx.msk $0xffff, v3  }
0x260: {  	v24 =	vor.u32 v21, v31;
	v3 =	vld.idx.msk [tilespmem:v26+s29+$0x0], $0xffff  }
0x261: {  	v25 =	vor.u32 v22, v25;
	_ =	sdelay $0x3  }
0x262: {  	s14 =	simm.s32 $0x1;
	[tilespmem:v24+s0+$0x0] =	vst.idx.msk $0xffff, v3  }
0x263: {  	s12 =	simm.s32 $0x2;
	v24 =	vadd.s32 s14, v0;
	v32 =	vld.idx.msk [tilespmem:v25+s29+$0x0], $0xffff  }
.LBB2_7:
0x264: {  	p1 =	sne.s32 s12, $0x1F;
	v3 =	vand.u32 $0x1F, v24;
	v25 =	vor.u32 v23, v31  }
0x265: {  	v26 =	vor.u32 v2, v3;
	_ =	sdelay $0x3  }
0x266: {  	v24 =	vshll.u32 v24, $0x7;
	[tilespmem:v25+s0+$0x0] =	vst.idx.msk $0xffff, v32  }
0x267: {  	v31 =	vand.u32 $0xF80, v24;
	v25 =	vld.idx.msk [tilespmem:v26+s29+$0x0], $0xffff  }
0x268: {  	v24 =	vor.u32 v0, v31  }
0x269: {  	v26 =	vor.u32 v10, v3;
	_ =	sdelay $0x3  }
0x26a: {  	[tilespmem:v24+s0+$0x0] =	vst.idx.msk $0xffff, v25  }
0x26b: {  	v24 =	vld.idx.msk [tilespmem:v26+s29+$0x0], $0xffff  }
0x26c: {  	v25 =	vor.u32 v11, v31  }
0x26d: {  	v26 =	vor.u32 v12, v3;
	_ =	sdelay $0x3  }
0x26e: {  	[tilespmem:v25+s0+$0x0] =	vst.idx.msk $0xffff, v24  }
0x26f: {  	v24 =	vld.idx.msk [tilespmem:v26+s29+$0x0], $0xffff  }
0x270: {  	v25 =	vor.u32 v13, v31  }
0x271: {  	v26 =	vor.u32 v14, v3;
	_ =	sdelay $0x3  }
0x272: {  	[tilespmem:v25+s0+$0x0] =	vst.idx.msk $0xffff, v24  }
0x273: {  	v24 =	vld.idx.msk [tilespmem:v26+s29+$0x0], $0xffff  }
0x274: {  	v25 =	vor.u32 v15, v31  }
0x275: {  	v26 =	vor.u32 v16, v3;
	_ =	sdelay $0x3  }
0x276: {  	[tilespmem:v25+s0+$0x0] =	vst.idx.msk $0xffff, v24  }
0x277: {  	v24 =	vld.idx.msk [tilespmem:v26+s29+$0x0], $0xffff  }
0x278: {  	v25 =	vor.u32 v17, v31  }
0x279: {  	v26 =	vor.u32 v18, v3;
	_ =	sdelay $0x3  }
0x27a: {  	[tilespmem:v25+s0+$0x0] =	vst.idx.msk $0xffff, v24  }
0x27b: {  	v24 =	vld.idx.msk [tilespmem:v26+s29+$0x0], $0xffff  }
0x27c: {  	v25 =	vor.u32 v19, v31  }
0x27d: {  	v26 =	vor.u32 v20, v3;
	_ =	sdelay $0x3  }
0x27e: {  	[tilespmem:v25+s0+$0x0] =	vst.idx.msk $0xffff, v24  }
0x27f: {  	v24 =	vld.idx.msk [tilespmem:v26+s29+$0x0], $0xffff  }
0x280: {  	v25 =	vor.u32 v21, v31  }
0x281: {  	v3 =	vor.u32 v22, v3  }
.Ltmp2:
0x282: {  	(pc) =	sbr.rel @p1 .LBB2_7-.Ltmp2, $3  }
0x283: {  	_ =	sdelay $0x1  }
0x284: {  	[tilespmem:v25+s0+$0x0] =	vst.idx.msk $0xffff, v24  }
0x285: {  	v24 =	vadd.s32 s12, v0;
	s12 =	sadd.s32 $0x1, s12;
	v32 =	vld.idx.msk [tilespmem:v3+s29+$0x0], $0xffff  }
0x286: {  	v3 =	vand.u32 $0x1F, v24;
	v25 =	vor.u32 v23, v31  }
0x287: {  	v26 =	vor.u32 v2, v3;
	_ =	sdelay $0x2  }
0x288: {  	v56 =	vshll.u32 v24, $0x7  }
0x289: {  	v24 =	vand.u32 $0xF80, v56;
	[tilespmem:v25+s0+$0x0] =	vst.idx.msk $0xffff, v32  }
0x28a: {  	v57 =	vor.u32 v0, v24;
	v25 =	vld.idx.msk [tilespmem:v26+s29+$0x0], $0xffff  }
0x28b: {  	v27 =	vor.u32 v10, v3;
	_ =	sdelay $0x3  }
0x28c: {  	[tilespmem:v57+s0+$0x0] =	vst.idx.msk $0xffff, v25  }
0x28d: {  	v58 =	vor.u32 v11, v24;
	v25 =	vld.idx.msk [tilespmem:v27+s29+$0x0], $0xffff  }
0x28e: {  	v27 =	vor.u32 v12, v3;
	_ =	sdelay $0x3  }
0x28f: {  	[tilespmem:v58+s0+$0x0] =	vst.idx.msk $0xffff, v25  }
0x290: {  	v59 =	vor.u32 v13, v24;
	v25 =	vld.idx.msk [tilespmem:v27+s29+$0x0], $0xffff  }
0x291: {  	v27 =	vor.u32 v14, v3;
	_ =	sdelay $0x3  }
0x292: {  	[tilespmem:v59+s0+$0x0] =	vst.idx.msk $0xffff, v25  }
0x293: {  	v60 =	vor.u32 v15, v24;
	v25 =	vld.idx.msk [tilespmem:v27+s29+$0x0], $0xffff  }
0x294: {  	v27 =	vor.u32 v16, v3;
	_ =	sdelay $0x3  }
0x295: {  	[tilespmem:v60+s0+$0x0] =	vst.idx.msk $0xffff, v25  }
0x296: {  	v61 =	vor.u32 v17, v24;
	v25 =	vld.idx.msk [tilespmem:v27+s29+$0x0], $0xffff  }
0x297: {  	v27 =	vor.u32 v18, v3;
	_ =	sdelay $0x3  }
0x298: {  	[tilespmem:v61+s0+$0x0] =	vst.idx.msk $0xffff, v25  }
0x299: {  	v62 =	vor.u32 v19, v24;
	v25 =	vld.idx.msk [tilespmem:v27+s29+$0x0], $0xffff  }
0x29a: {  	v27 =	vor.u32 v20, v3;
	_ =	sdelay $0x3  }
0x29b: {  	[tilespmem:v62+s0+$0x0] =	vst.idx.msk $0xffff, v25  }
0x29c: {  	v63 =	vor.u32 v21, v24;
	v25 =	vld.idx.msk [tilespmem:v27+s29+$0x0], $0xffff  }
0x29d: {  	v3 =	vor.u32 v22, v3;
	_ =	sdelay $0x3  }
0x29e: {  	[tilespmem:v63+s0+$0x0] =	vst.idx.msk $0xffff, v25  }
0x29f: {  	v24 =	vor.u32 v23, v24;
	v3 =	vld.idx.msk [tilespmem:v3+s29+$0x0], $0xffff;
	_ =	sdelay $0x1  }
0x2a0: {  	s10 =	sshll.u32 s10, $0xC  }
0x2a1: {  	s9 =	sadd.s32 $0x1, s9;
	s10 =	sadd.s32 s11, s10  }
0x2a2: {  	p1 =	sne.s32 s9, $0x64;
	s10 =	sshrl.u32 s10, $0x3  }
.Ltmp3:
0x2a3: {  	s10 =	sadd.s32 s7, s10;
	[tilespmem:v24+s0+$0x0] =	vst.idx.msk $0xffff, v3;
	(pc) =	sbr.rel @p1 .LBB2_4-.Ltmp3, $4  }
0x2a4: {  	[hbm4b:s10+s3] =	stream.linear.scatter [tilespmem:s0], [sflag:$0x4], $0x1000, $0x38;
	[tilespmem:$0x1EE78] =	vst v63  }
0x2a5: {  	_ =	swait.ge [sflag:s20], $0x1000  }
0x2a6: {  	[sflag:s20] =	ssyncset.done $0x0  }
0x2a7: {  	[sflag:s20] =	ssyncadd.s32 $0xFFFFF000  }
0x2a8: {  	s8 =	simm.s32 $0x0;
	s9 =	rddreg [dreg:$0xb];
	s10 =	simm.s32 $0xC800  }
0x2a9: {  	[hbm4b:s9+s8] =	stream.linear.scatter [tilespmem:s10], [sflag:$0x4], $0x6400, $0x38;
	[tilespmem:$0x1EE78] =	vst v63  }
0x2aa: {  	_ =	swait.ge [sflag:s20], $0x6400  }
0x2ab: {  	[sflag:s20] =	ssyncset.done $0x0  }
0x2ac: {  	s14 =	simm.s32 $0x12C00;
	s13 =	rddreg [dreg:$0xc];
	[sflag:s20] =	ssyncadd.s32 $0xFFFF9C00  }
0x2ad: {  	[hbm4b:s13+s8] =	stream.linear.scatter [tilespmem:s14], [sflag:$0x4], $0x6400, $0x38;
	[tilespmem:$0x1EE78] =	vst v63  }
0x2ae: {  	_ =	swait.ge [sflag:s20], $0x6400  }
0x2af: {  	[sflag:s20] =	ssyncset.done $0x0  }
0x2b0: {  	s13 =	simm.s32 $0x1DBF0;
	s12 =	rddreg [dreg:$0xd];
	[sflag:s20] =	ssyncadd.s32 $0xFFFF9C00  }
0x2b1: {  	[tilespmem:s13], [sflag:$0x4] =	stream.linear.gather [hbm4b:s12+s8], $0x80, $0x38;
	[tilespmem:$0x1EE78] =	vst v63  }
0x2b2: {  	_ =	swait.ge [sflag:s20], $0x80  }
0x2b3: {  	[sflag:s20] =	ssyncset.done $0x0  }
0x2b4: {  	[sflag:s20] =	ssyncadd.s32 $0xFFFFFF80  }
0x2b5: {  	[tilespmem:s1], [sflag:$0x4] =	stream.linear.gather [hbm4b:s15+s8], $0x80, $0x38;
	[tilespmem:$0x1EE78] =	vst v63  }
0x2b6: {  	_ =	swait.ge [sflag:s20], $0x80  }
0x2b7: {  	[sflag:s20] =	ssyncset.done $0x0  }
0x2b8: {  	v24 =	vld [tilespmem:$0x1FF80];
	[sflag:s20] =	ssyncadd.s32 $0xFFFFFF80  }
0x2b9: {  	v3 =	vld [tilespmem:$0x1DBF0];
	_ =	sdelay $0x4  }
0x2ba: {  	v25 =	vld [tilespmem:$0x1FF90];
	v3 =	vadd.s32 v24, v3  }
0x2bb: {  	v24 =	vld [tilespmem:$0x1DC00];
	_ =	sdelay $0x3  }
0x2bc: {  	v3 =	vld.idx.msk [tilespmem:v3+s8+$0x0], $0xffff  }
0x2bd: {  	v24 =	vadd.s32 v25, v24;
	_ =	sdelay $0x3  }
0x2be: {  	v25 =	vld [tilespmem:$0x1DC10];
	[tilespmem:$0x1DCF0] =	vst v3  }
0x2bf: {  	v3 =	vld.idx.msk [tilespmem:v24+s8+$0x0], $0xffff  }
0x2c0: {  	v24 =	vld [tilespmem:$0x1FFA0];
	_ =	sdelay $0x4  }
0x2c1: {  	v24 =	vadd.s32 v24, v25;
	_ =	sdelay $0x3  }
0x2c2: {  	v25 =	vld [tilespmem:$0x1DC20];
	[tilespmem:$0x1DD00] =	vst v3  }
0x2c3: {  	v3 =	vld.idx.msk [tilespmem:v24+s8+$0x0], $0xffff  }
0x2c4: {  	v24 =	vld [tilespmem:$0x1FFB0];
	_ =	sdelay $0x4  }
0x2c5: {  	v24 =	vadd.s32 v24, v25;
	_ =	sdelay $0x3  }
0x2c6: {  	v25 =	vld [tilespmem:$0x1DC30];
	[tilespmem:$0x1DD10] =	vst v3  }
0x2c7: {  	v3 =	vld.idx.msk [tilespmem:v24+s8+$0x0], $0xffff  }
0x2c8: {  	v24 =	vld [tilespmem:$0x1FFC0];
	_ =	sdelay $0x4  }
0x2c9: {  	v24 =	vadd.s32 v24, v25;
	_ =	sdelay $0x3  }
0x2ca: {  	v25 =	vld [tilespmem:$0x1DC40];
	[tilespmem:$0x1DD20] =	vst v3  }
0x2cb: {  	v3 =	vld.idx.msk [tilespmem:v24+s8+$0x0], $0xffff  }
0x2cc: {  	v24 =	vld [tilespmem:$0x1FFD0];
	_ =	sdelay $0x4  }
0x2cd: {  	v24 =	vadd.s32 v24, v25;
	_ =	sdelay $0x3  }
0x2ce: {  	v25 =	vld [tilespmem:$0x1DC50];
	[tilespmem:$0x1DD30] =	vst v3  }
0x2cf: {  	v3 =	vld.idx.msk [tilespmem:v24+s8+$0x0], $0xffff  }
0x2d0: {  	v24 =	vld [tilespmem:$0x1FFE0];
	_ =	sdelay $0x4  }
0x2d1: {  	v24 =	vadd.s32 v24, v25  }
0x2d2: {  	v25 =	vld [tilespmem:$0x1DC60];
	_ =	sdelay $0x2  }
0x2d3: {  	[tilespmem:$0x1DD40] =	vst v3  }
0x2d4: {  	v3 =	vld.idx.msk [tilespmem:v24+s8+$0x0], $0xffff;
	v24 =	vadd.s32 $0x577F, v1  }
0x2d5: {  	v24 =	vadd.s32 v24, v25;
	_ =	sdelay $0x3  }
0x2d6: {  	[tilespmem:$0x1DD50] =	vst v3  }
0x2d7: {  	v3 =	vld.idx.msk [tilespmem:v24+s8+$0x0], $0xffff;
	_ =	sdelay $0x4  }
0x2d8: {  	[tilespmem:$0x1DD60] =	vst v3  }
0x2d9: {  	[hbm4b:s16+s8] =	stream.linear.scatter [tilespmem:s23], [sflag:$0x4], $0x80, $0x38;
	[tilespmem:$0x1EE78] =	vst v63  }
0x2da: {  	v3 =	vadd.s32 s8, v0;
	_ =	swait.ge [sflag:s20], $0x80  }
0x2db: {  	v24 =	vand.u32 $0x1F, v3;
	[sflag:s20] =	ssyncset.done $0x0  }
0x2dc: {  	v25 =	vor.u32 v2, v24;
	[sflag:s20] =	ssyncadd.s32 $0xFFFFFF80  }
0x2dd: {  	[tilespmem:s25], [sflag:$0x2] =	stream.indirect.gather [hbm4b:s4+s24], $0x20, s23, s24, $0xb8;
	[tilespmem:$0x1EE78] =	vst v63  }
0x2de: {  	_ =	swait.ge [sflag:s5], $0x1000  }
0x2df: {  	v3 =	vshll.u32 v3, $0x7;
	[sflag:s5] =	ssyncset.done $0x0  }
0x2e0: {  	v31 =	vand.u32 $0xF80, v3;
	[sflag:s5] =	ssyncadd.s32 $0xFFFFF000  }
0x2e1: {  	v3 =	vld.idx.msk [tilespmem:v25+s25+$0x0], $0xffff;
	v25 =	vor.u32 v0, v31  }
0x2e2: {  	v26 =	vor.u32 v10, v24;
	_ =	sdelay $0x3  }
0x2e3: {  	[tilespmem:v25+s0+$0x0] =	vst.idx.msk $0xffff, v3  }
0x2e4: {  	v25 =	vor.u32 v11, v31;
	v3 =	vld.idx.msk [tilespmem:v26+s25+$0x0], $0xffff  }
0x2e5: {  	v26 =	vor.u32 v12, v24;
	_ =	sdelay $0x3  }
0x2e6: {  	[tilespmem:v25+s0+$0x0] =	vst.idx.msk $0xffff, v3  }
0x2e7: {  	v25 =	vor.u32 v13, v31;
	v3 =	vld.idx.msk [tilespmem:v26+s25+$0x0], $0xffff  }
0x2e8: {  	v26 =	vor.u32 v14, v24;
	_ =	sdelay $0x3  }
0x2e9: {  	[tilespmem:v25+s0+$0x0] =	vst.idx.msk $0xffff, v3  }
0x2ea: {  	v25 =	vor.u32 v15, v31;
	v3 =	vld.idx.msk [tilespmem:v26+s25+$0x0], $0xffff  }
0x2eb: {  	v26 =	vor.u32 v16, v24;
	_ =	sdelay $0x3  }
0x2ec: {  	[tilespmem:v25+s0+$0x0] =	vst.idx.msk $0xffff, v3  }
0x2ed: {  	v25 =	vor.u32 v17, v31;
	v3 =	vld.idx.msk [tilespmem:v26+s25+$0x0], $0xffff  }
0x2ee: {  	v26 =	vor.u32 v18, v24;
	_ =	sdelay $0x3  }
0x2ef: {  	[tilespmem:v25+s0+$0x0] =	vst.idx.msk $0xffff, v3  }
0x2f0: {  	v25 =	vor.u32 v19, v31;
	v3 =	vld.idx.msk [tilespmem:v26+s25+$0x0], $0xffff  }
0x2f1: {  	v26 =	vor.u32 v20, v24;
	_ =	sdelay $0x3  }
0x2f2: {  	[tilespmem:v25+s0+$0x0] =	vst.idx.msk $0xffff, v3  }
0x2f3: {  	v25 =	vor.u32 v21, v31;
	v3 =	vld.idx.msk [tilespmem:v26+s25+$0x0], $0xffff  }
0x2f4: {  	v26 =	vor.u32 v22, v24;
	_ =	sdelay $0x3  }
0x2f5: {  	s14 =	simm.s32 $0x1;
	[tilespmem:v25+s0+$0x0] =	vst.idx.msk $0xffff, v3  }
0x2f6: {  	s8 =	simm.s32 $0x2;
	v24 =	vadd.s32 s14, v0;
	v32 =	vld.idx.msk [tilespmem:v26+s25+$0x0], $0xffff  }
.LBB2_10:
0x2f7: {  	p1 =	sne.s32 s8, $0x1F;
	v3 =	vand.u32 $0x1F, v24;
	v25 =	vor.u32 v23, v31  }
0x2f8: {  	v26 =	vor.u32 v2, v3;
	_ =	sdelay $0x3  }
0x2f9: {  	v24 =	vshll.u32 v24, $0x7;
	[tilespmem:v25+s0+$0x0] =	vst.idx.msk $0xffff, v32  }
0x2fa: {  	v31 =	vand.u32 $0xF80, v24;
	v25 =	vld.idx.msk [tilespmem:v26+s25+$0x0], $0xffff  }
0x2fb: {  	v24 =	vor.u32 v0, v31  }
0x2fc: {  	v26 =	vor.u32 v10, v3;
	_ =	sdelay $0x3  }
0x2fd: {  	[tilespmem:v24+s0+$0x0] =	vst.idx.msk $0xffff, v25  }
0x2fe: {  	v24 =	vld.idx.msk [tilespmem:v26+s25+$0x0], $0xffff  }
0x2ff: {  	v25 =	vor.u32 v11, v31  }
0x300: {  	v26 =	vor.u32 v12, v3;
	_ =	sdelay $0x3  }
0x301: {  	[tilespmem:v25+s0+$0x0] =	vst.idx.msk $0xffff, v24  }
0x302: {  	v24 =	vld.idx.msk [tilespmem:v26+s25+$0x0], $0xffff  }
0x303: {  	v25 =	vor.u32 v13, v31  }
0x304: {  	v26 =	vor.u32 v14, v3;
	_ =	sdelay $0x3  }
0x305: {  	[tilespmem:v25+s0+$0x0] =	vst.idx.msk $0xffff, v24  }
0x306: {  	v24 =	vld.idx.msk [tilespmem:v26+s25+$0x0], $0xffff  }
0x307: {  	v25 =	vor.u32 v15, v31  }
0x308: {  	v26 =	vor.u32 v16, v3;
	_ =	sdelay $0x3  }
0x309: {  	[tilespmem:v25+s0+$0x0] =	vst.idx.msk $0xffff, v24  }
0x30a: {  	v24 =	vld.idx.msk [tilespmem:v26+s25+$0x0], $0xffff  }
0x30b: {  	v25 =	vor.u32 v17, v31  }
0x30c: {  	v26 =	vor.u32 v18, v3;
	_ =	sdelay $0x3  }
0x30d: {  	[tilespmem:v25+s0+$0x0] =	vst.idx.msk $0xffff, v24  }
0x30e: {  	v24 =	vld.idx.msk [tilespmem:v26+s25+$0x0], $0xffff  }
0x30f: {  	v25 =	vor.u32 v19, v31  }
0x310: {  	v26 =	vor.u32 v20, v3;
	_ =	sdelay $0x3  }
0x311: {  	[tilespmem:v25+s0+$0x0] =	vst.idx.msk $0xffff, v24  }
0x312: {  	v24 =	vld.idx.msk [tilespmem:v26+s25+$0x0], $0xffff  }
0x313: {  	v25 =	vor.u32 v21, v31  }
0x314: {  	v3 =	vor.u32 v22, v3  }
.Ltmp4:
0x315: {  	(pc) =	sbr.rel @p1 .LBB2_10-.Ltmp4, $3  }
0x316: {  	_ =	sdelay $0x1  }
0x317: {  	[tilespmem:v25+s0+$0x0] =	vst.idx.msk $0xffff, v24  }
0x318: {  	v24 =	vadd.s32 s8, v0;
	s8 =	sadd.s32 $0x1, s8;
	v32 =	vld.idx.msk [tilespmem:v3+s25+$0x0], $0xffff  }
0x319: {  	v3 =	vand.u32 $0x1F, v24;
	v25 =	vor.u32 v23, v31  }
0x31a: {  	v26 =	vor.u32 v2, v3;
	_ =	sdelay $0x2  }
0x31b: {  	v24 =	vshll.u32 v24, $0x7  }
0x31c: {  	v24 =	vand.u32 $0xF80, v24;
	[tilespmem:v25+s0+$0x0] =	vst.idx.msk $0xffff, v32  }
0x31d: {  	v25 =	vld.idx.msk [tilespmem:v26+s25+$0x0], $0xffff;
	v26 =	vor.u32 v0, v24  }
0x31e: {  	v27 =	vor.u32 v10, v3;
	_ =	sdelay $0x3  }
0x31f: {  	[tilespmem:v26+s0+$0x0] =	vst.idx.msk $0xffff, v25  }
0x320: {  	v26 =	vor.u32 v11, v24;
	v25 =	vld.idx.msk [tilespmem:v27+s25+$0x0], $0xffff  }
0x321: {  	v27 =	vor.u32 v12, v3;
	_ =	sdelay $0x3  }
0x322: {  	[tilespmem:v26+s0+$0x0] =	vst.idx.msk $0xffff, v25  }
0x323: {  	v26 =	vor.u32 v13, v24;
	v25 =	vld.idx.msk [tilespmem:v27+s25+$0x0], $0xffff  }
0x324: {  	v27 =	vor.u32 v14, v3;
	_ =	sdelay $0x3  }
0x325: {  	[tilespmem:v26+s0+$0x0] =	vst.idx.msk $0xffff, v25  }
0x326: {  	v26 =	vor.u32 v15, v24;
	v25 =	vld.idx.msk [tilespmem:v27+s25+$0x0], $0xffff  }
0x327: {  	v27 =	vor.u32 v16, v3;
	_ =	sdelay $0x3  }
0x328: {  	[tilespmem:v26+s0+$0x0] =	vst.idx.msk $0xffff, v25  }
0x329: {  	v26 =	vor.u32 v17, v24;
	v25 =	vld.idx.msk [tilespmem:v27+s25+$0x0], $0xffff  }
0x32a: {  	v27 =	vor.u32 v18, v3;
	_ =	sdelay $0x3  }
0x32b: {  	[tilespmem:v26+s0+$0x0] =	vst.idx.msk $0xffff, v25  }
0x32c: {  	v26 =	vor.u32 v19, v24;
	v25 =	vld.idx.msk [tilespmem:v27+s25+$0x0], $0xffff  }
0x32d: {  	v27 =	vor.u32 v20, v3;
	_ =	sdelay $0x3  }
0x32e: {  	[tilespmem:v26+s0+$0x0] =	vst.idx.msk $0xffff, v25  }
0x32f: {  	v26 =	vor.u32 v21, v24;
	v25 =	vld.idx.msk [tilespmem:v27+s25+$0x0], $0xffff  }
0x330: {  	v3 =	vor.u32 v22, v3;
	_ =	sdelay $0x3  }
0x331: {  	[tilespmem:v26+s0+$0x0] =	vst.idx.msk $0xffff, v25  }
0x332: {  	v24 =	vor.u32 v23, v24;
	v3 =	vld.idx.msk [tilespmem:v3+s25+$0x0], $0xffff;
	_ =	sdelay $0x4  }
0x333: {  	s8 =	simm.s32 $0x0;
	[tilespmem:v24+s0+$0x0] =	vst.idx.msk $0xffff, v3  }
0x334: {  	[hbm4b:s17+s8] =	stream.linear.scatter [tilespmem:s0], [sflag:$0x4], $0x1000, $0x38;
	[tilespmem:$0x1EE78] =	vst v63  }
0x335: {  	v3 =	vadd.s32 s8, v0;
	_ =	swait.ge [sflag:s20], $0x1000  }
0x336: {  	v24 =	vand.u32 $0x1F, v3;
	[sflag:s20] =	ssyncset.done $0x0  }
0x337: {  	v25 =	vor.u32 v2, v24;
	[sflag:s20] =	ssyncadd.s32 $0xFFFFF000  }
0x338: {  	[tilespmem:s25], [sflag:$0x2] =	stream.indirect.gather [hbm4b:s4+s24], $0x20, s1, s24, $0xb8;
	[tilespmem:$0x1EE78] =	vst v63  }
0x339: {  	_ =	swait.ge [sflag:s5], $0x1000  }
0x33a: {  	v3 =	vshll.u32 v3, $0x7;
	[sflag:s5] =	ssyncset.done $0x0  }
0x33b: {  	v31 =	vand.u32 $0xF80, v3;
	[sflag:s5] =	ssyncadd.s32 $0xFFFFF000  }
0x33c: {  	v3 =	vld.idx.msk [tilespmem:v25+s25+$0x0], $0xffff;
	v25 =	vor.u32 v0, v31  }
0x33d: {  	v26 =	vor.u32 v10, v24;
	_ =	sdelay $0x3  }
0x33e: {  	[tilespmem:v25+s0+$0x0] =	vst.idx.msk $0xffff, v3  }
0x33f: {  	v25 =	vor.u32 v11, v31;
	v3 =	vld.idx.msk [tilespmem:v26+s25+$0x0], $0xffff  }
0x340: {  	v26 =	vor.u32 v12, v24;
	_ =	sdelay $0x3  }
0x341: {  	[tilespmem:v25+s0+$0x0] =	vst.idx.msk $0xffff, v3  }
0x342: {  	v25 =	vor.u32 v13, v31;
	v3 =	vld.idx.msk [tilespmem:v26+s25+$0x0], $0xffff  }
0x343: {  	v26 =	vor.u32 v14, v24;
	_ =	sdelay $0x3  }
0x344: {  	[tilespmem:v25+s0+$0x0] =	vst.idx.msk $0xffff, v3  }
0x345: {  	v25 =	vor.u32 v15, v31;
	v3 =	vld.idx.msk [tilespmem:v26+s25+$0x0], $0xffff  }
0x346: {  	v26 =	vor.u32 v16, v24;
	_ =	sdelay $0x3  }
0x347: {  	[tilespmem:v25+s0+$0x0] =	vst.idx.msk $0xffff, v3  }
0x348: {  	v25 =	vor.u32 v17, v31;
	v3 =	vld.idx.msk [tilespmem:v26+s25+$0x0], $0xffff  }
0x349: {  	v26 =	vor.u32 v18, v24;
	_ =	sdelay $0x3  }
0x34a: {  	[tilespmem:v25+s0+$0x0] =	vst.idx.msk $0xffff, v3  }
0x34b: {  	v25 =	vor.u32 v19, v31;
	v3 =	vld.idx.msk [tilespmem:v26+s25+$0x0], $0xffff  }
0x34c: {  	v26 =	vor.u32 v20, v24;
	_ =	sdelay $0x3  }
0x34d: {  	[tilespmem:v25+s0+$0x0] =	vst.idx.msk $0xffff, v3  }
0x34e: {  	v25 =	vor.u32 v21, v31;
	v3 =	vld.idx.msk [tilespmem:v26+s25+$0x0], $0xffff  }
0x34f: {  	v26 =	vor.u32 v22, v24;
	_ =	sdelay $0x3  }
0x350: {  	s14 =	simm.s32 $0x1;
	[tilespmem:v25+s0+$0x0] =	vst.idx.msk $0xffff, v3  }
0x351: {  	s8 =	simm.s32 $0x2;
	v24 =	vadd.s32 s14, v0;
	v32 =	vld.idx.msk [tilespmem:v26+s25+$0x0], $0xffff  }
.LBB2_12:
0x352: {  	p1 =	sne.s32 s8, $0x1F;
	v3 =	vand.u32 $0x1F, v24;
	v25 =	vor.u32 v23, v31  }
0x353: {  	v26 =	vor.u32 v2, v3;
	_ =	sdelay $0x3  }
0x354: {  	v24 =	vshll.u32 v24, $0x7;
	[tilespmem:v25+s0+$0x0] =	vst.idx.msk $0xffff, v32  }
0x355: {  	v31 =	vand.u32 $0xF80, v24;
	v25 =	vld.idx.msk [tilespmem:v26+s25+$0x0], $0xffff  }
0x356: {  	v24 =	vor.u32 v0, v31  }
0x357: {  	v26 =	vor.u32 v10, v3;
	_ =	sdelay $0x3  }
0x358: {  	[tilespmem:v24+s0+$0x0] =	vst.idx.msk $0xffff, v25  }
0x359: {  	v24 =	vld.idx.msk [tilespmem:v26+s25+$0x0], $0xffff  }
0x35a: {  	v25 =	vor.u32 v11, v31  }
0x35b: {  	v26 =	vor.u32 v12, v3;
	_ =	sdelay $0x3  }
0x35c: {  	[tilespmem:v25+s0+$0x0] =	vst.idx.msk $0xffff, v24  }
0x35d: {  	v24 =	vld.idx.msk [tilespmem:v26+s25+$0x0], $0xffff  }
0x35e: {  	v25 =	vor.u32 v13, v31  }
0x35f: {  	v26 =	vor.u32 v14, v3;
	_ =	sdelay $0x3  }
0x360: {  	[tilespmem:v25+s0+$0x0] =	vst.idx.msk $0xffff, v24  }
0x361: {  	v24 =	vld.idx.msk [tilespmem:v26+s25+$0x0], $0xffff  }
0x362: {  	v25 =	vor.u32 v15, v31  }
0x363: {  	v26 =	vor.u32 v16, v3;
	_ =	sdelay $0x3  }
0x364: {  	[tilespmem:v25+s0+$0x0] =	vst.idx.msk $0xffff, v24  }
0x365: {  	v24 =	vld.idx.msk [tilespmem:v26+s25+$0x0], $0xffff  }
0x366: {  	v25 =	vor.u32 v17, v31  }
0x367: {  	v26 =	vor.u32 v18, v3;
	_ =	sdelay $0x3  }
0x368: {  	[tilespmem:v25+s0+$0x0] =	vst.idx.msk $0xffff, v24  }
0x369: {  	v24 =	vld.idx.msk [tilespmem:v26+s25+$0x0], $0xffff  }
0x36a: {  	v25 =	vor.u32 v19, v31  }
0x36b: {  	v26 =	vor.u32 v20, v3;
	_ =	sdelay $0x3  }
0x36c: {  	[tilespmem:v25+s0+$0x0] =	vst.idx.msk $0xffff, v24  }
0x36d: {  	v24 =	vld.idx.msk [tilespmem:v26+s25+$0x0], $0xffff  }
0x36e: {  	v25 =	vor.u32 v21, v31  }
0x36f: {  	v3 =	vor.u32 v22, v3  }
.Ltmp5:
0x370: {  	(pc) =	sbr.rel @p1 .LBB2_12-.Ltmp5, $3  }
0x371: {  	_ =	sdelay $0x1  }
0x372: {  	[tilespmem:v25+s0+$0x0] =	vst.idx.msk $0xffff, v24  }
0x373: {  	v24 =	vadd.s32 s8, v0;
	s8 =	sadd.s32 $0x1, s8;
	v32 =	vld.idx.msk [tilespmem:v3+s25+$0x0], $0xffff  }
0x374: {  	v3 =	vand.u32 $0x1F, v24;
	v25 =	vor.u32 v23, v31  }
0x375: {  	v26 =	vor.u32 v2, v3;
	_ =	sdelay $0x2  }
0x376: {  	v51 =	vshll.u32 v24, $0x7  }
0x377: {  	v24 =	vand.u32 $0xF80, v51;
	[tilespmem:v25+s0+$0x0] =	vst.idx.msk $0xffff, v32  }
0x378: {  	v52 =	vor.u32 v0, v24;
	v25 =	vld.idx.msk [tilespmem:v26+s25+$0x0], $0xffff  }
0x379: {  	v27 =	vor.u32 v10, v3;
	_ =	sdelay $0x3  }
0x37a: {  	[tilespmem:v52+s0+$0x0] =	vst.idx.msk $0xffff, v25  }
0x37b: {  	v53 =	vor.u32 v11, v24;
	v25 =	vld.idx.msk [tilespmem:v27+s25+$0x0], $0xffff  }
0x37c: {  	v54 =	vor.u32 v12, v3;
	_ =	sdelay $0x3  }
0x37d: {  	[tilespmem:v53+s0+$0x0] =	vst.idx.msk $0xffff, v25  }
0x37e: {  	v55 =	vor.u32 v13, v24;
	v25 =	vld.idx.msk [tilespmem:v54+s25+$0x0], $0xffff  }
0x37f: {  	v56 =	vor.u32 v14, v3;
	_ =	sdelay $0x3  }
0x380: {  	[tilespmem:v55+s0+$0x0] =	vst.idx.msk $0xffff, v25  }
0x381: {  	v57 =	vor.u32 v15, v24;
	v25 =	vld.idx.msk [tilespmem:v56+s25+$0x0], $0xffff  }
0x382: {  	v58 =	vor.u32 v16, v3;
	_ =	sdelay $0x3  }
0x383: {  	[tilespmem:v57+s0+$0x0] =	vst.idx.msk $0xffff, v25  }
0x384: {  	v59 =	vor.u32 v17, v24;
	v25 =	vld.idx.msk [tilespmem:v58+s25+$0x0], $0xffff  }
0x385: {  	v60 =	vor.u32 v18, v3;
	_ =	sdelay $0x3  }
0x386: {  	[tilespmem:v59+s0+$0x0] =	vst.idx.msk $0xffff, v25  }
0x387: {  	v61 =	vor.u32 v19, v24;
	v25 =	vld.idx.msk [tilespmem:v60+s25+$0x0], $0xffff  }
0x388: {  	v62 =	vor.u32 v20, v3;
	_ =	sdelay $0x3  }
0x389: {  	[tilespmem:v61+s0+$0x0] =	vst.idx.msk $0xffff, v25  }
0x38a: {  	v63 =	vor.u32 v21, v24;
	v25 =	vld.idx.msk [tilespmem:v62+s25+$0x0], $0xffff  }
0x38b: {  	v3 =	vor.u32 v22, v3;
	_ =	sdelay $0x3  }
0x38c: {  	[tilespmem:v63+s0+$0x0] =	vst.idx.msk $0xffff, v25  }
0x38d: {  	v24 =	vor.u32 v23, v24;
	v3 =	vld.idx.msk [tilespmem:v3+s25+$0x0], $0xffff;
	_ =	sdelay $0x4  }
0x38e: {  	[tilespmem:v24+s0+$0x0] =	vst.idx.msk $0xffff, v3  }
0x38f: {  	[hbm4b:s18+s3] =	stream.linear.scatter [tilespmem:s0], [sflag:$0x4], $0x1000, $0x38;
	[tilespmem:$0x1EE78] =	vst v63  }
0x390: {  	_ =	swait.ge [sflag:s20], $0x1000  }
0x391: {  	s8 =	simm.s32 @!p0 $0x0;
	[sflag:s20] =	ssyncset.done $0x0  }
0x392: {  	s9 =	simm.s32 @!p0 $0x1ED70;
	s10 =	rddreg [dreg:$0x7];
	[sflag:s20] =	ssyncadd.s32 $0xFFFFF000  }
0x393: {  	[tilespmem:s9], [sflag:$0x4] =	stream.linear.gather @!p0 [hbm4b:s10+s8], $0x8, $0x38;
	[tilespmem:$0x1EE78] =	vst v63  }
0x394: {  	s8 =	simm.s32 @!p0 $0x4  }
0x395: {  	_ =	swait.ge @!p0 [sflag:s8], $0x8  }
0x396: {  	[sflag:s8] =	ssyncset.done @!p0 $0x0  }
0x397: {  	s12 =	simm.s32 @!p0 $0x1ED78;
	s10 =	simm.s32 @!p0 $0x8;
	[sflag:s8] =	ssyncadd.s32 @!p0 $0xFFFFFFF8  }
0x398: {  	[tilespmem:s12], [sflag:$0x2] =	stream.indirect.gather @!p0 [hbm4b:s4+s10], $0x20, s9, s10, $0xb8;
	[tilespmem:$0x1EE78] =	vst v63  }
0x399: {  	s6 =	sadd.s32 $0x1, s6;
	s9 =	simm.s32 @!p0 $0x2  }
0x39a: {  	p1 =	sne.s32 s6, s19;
	_ =	swait.ge @!p0 [sflag:s9], $0x100  }
0x39b: {  	s10 =	simm.s32 @!p0 $0x80;
	[sflag:s9] =	ssyncset.done @!p0 $0x0;
	s13 =	rddreg [dreg:$0x8]  }
.Ltmp6:
0x39c: {  	[sflag:s9] =	ssyncadd.s32 @!p0 $0xFFFFFF00;
	s9 =	simm.s32 @!p0 $0x20;
	(pc) =	sbr.rel @p1 .LBB2_1-.Ltmp6, $4  }
0x39d: {  	[hbm4b:s13+s9] =	stream.strided.scatter @!p0 [tilespmem:s12], [sflag:$0x4], $0x100, s10, s9, $0x38;
	[tilespmem:$0x1EE78] =	vst v63  }
0x39e: {  	_ =	swait.ge @!p0 [sflag:s8], $0x100  }
0x39f: {  	[sflag:s8] =	ssyncset.done @!p0 $0x0  }
0x3a0: {  	[sflag:s8] =	ssyncadd.s32 @!p0 $0xFFFFFF00  }
0x3a1: {  	_ =	sfence.sel $0x180000  }
0x3a2: {  	[bflag:$0x0] =	sbarrier.arrive $0xFFFF  }
0x3a3: {  	_ =	strace $0x90000047  }
0x3a4: {  	s0 =	stileid.u32;
	[bflag:$0x2] =	sbarrier.arrive $0xFFFF  }
0x3a5: {  	p0 =	sne.s32 s0, $0x0;
	s0 =	rddreg [dreg:$0x5]  }
0x3a6: {  	s0 =	sadd.s32 @!p0 $0x100000, s0  }
0x3a7: {  	[sflag:s0] =	ssyncadd.tile.s32 @!p0 $0x1;
	_ =	shalt  }
.Lfunc_end2:
_tile_overlayer_lowered:
.L_overlay_start_2:
0x3a8: {  	(tag) =	ssettag $0x2  }
0x3a9: {  	s0 =	rddreg [dreg:$0x0];
	s2 =	stileid.u32  }
0x3aa: {  	s1 =	rddreg [dreg:$0x1];
	p0 =	sne.s32 s2, $0x0  }
0x3ab: {  	s3 =	rddreg [dreg:$0x2];
	[bflag:$0x3] =	sbarrier.arrive $0xFFFF;
	s2 =	simm.s32 @!p0 $0x1C04  }
0x3ac: {  	[timem:s3], [sflag:s2] =	dma.local @!p0 [hbm:s0], s1  }
0x3ad: {  	s0 =	simm.s32 @!p0 $0x4  }
0x3ae: {  	_ =	swait.ge @!p0 [sflag:s0], s1  }
0x3af: {  	s1 =	ssub.s32 @!p0 $0x0, s1;
	[sflag:s0] =	ssyncset.done @!p0 $0x0  }
0x3b0: {  	[sflag:s0] =	ssyncadd.s32 @!p0 s1  }
0x3b1: {  	[bflag:$0x3] =	sbarrier.arrive $0xFFFF  }
0x3b2: {  	_ =	shalt  }

</sc_bundles>
